<compile_context>
chip_gen: v7x
topology: tpu7x:2x2x1
jax: 0.10.2.dev20260603
libtpu: 0.0.44.dev20260713+nightly
codegen_flags: <defaults>
</compile_context>

<pallas_src>
import functools
import math

import jax
import jax.numpy as jnp
from jax import lax
from jax.experimental import pallas as pl
from jax.experimental.pallas import tpu as pltpu
from jax.experimental.pallas import tpu_sc as plsc

D = 64
T = 200
B = 1024
NC, NS = 2, 16
NW = NC * NS
N = B * T
RPW = N // NW
NB = 128
NSTEP = RPW // NB
NBUF = 5
PREF = 2
RIND = NB
PT = T + NB
SCALE = math.sqrt(D)


def _pos_body(out_ref):
    i = lax.broadcasted_iota(jnp.int32, (PT, D), 0)
    t = lax.rem(i, T).astype(jnp.float32)
    j = lax.broadcasted_iota(jnp.int32, (PT, D), 1)
    k2 = ((j >> 1) << 1).astype(jnp.float32)
    inv_freq = jnp.exp(k2 * (-math.log(10000.0) / D))
    ang = t * inv_freq
    out_ref[...] = jnp.where((j & 1) == 0, jnp.sin(ang), jnp.cos(ang))


def _pos_table():
    return pl.pallas_call(
        _pos_body,
        out_shape=jax.ShapeDtypeStruct((PT, D), jnp.float32),
    )()


_MESH = plsc.VectorSubcoreMesh(core_axis_name="c", subcore_axis_name="s",
                               num_cores=2, num_subcores=16)


@functools.partial(
    pl.kernel,
    out_type=jax.ShapeDtypeStruct((N, D), jnp.float32),
    mesh=_MESH,
    scratch_types=[
        pltpu.VMEM((RPW,), jnp.int32),
        *[pltpu.VMEM((NB, D), jnp.float32) for _ in range(NBUF)],
        pltpu.VMEM((PT * D,), jnp.float32),
        pltpu.SemaphoreType.DMA((NBUF,)),
        pltpu.SemaphoreType.DMA((NBUF,)),
    ],
    compiler_params=pltpu.CompilerParams(use_tc_tiling_on_sc=False),
)
def _embed(seq_hbm, table, pose_hbm, out,
           idx_all, r0, r1, r2, r3, r4, pos_v, semg, semw):
    rows = (r0, r1, r2, r3, r4)
    wid = lax.axis_index("s") * NC + lax.axis_index("c")
    base0 = wid * RPW
    pltpu.sync_copy(pose_hbm, pos_v)
    pltpu.sync_copy(seq_hbm.at[pl.ds(pl.multiple_of(base0, NB), RPW)], idx_all)

    def issue_fetches(g, k):
        base = g * NB
        rbuf = rows[k]
        for j in range(RIND // 16):
            idxv = idx_all[pl.ds(base + j * 16, 16)]
            pltpu.async_copy(
                table.at[idxv], rbuf.at[pl.ds(j * 16, 16)], semg.at[k])


    def wait_fetches(k):
        pltpu.make_async_copy(
            table.at[pl.ds(0, NB)], rows[k], semg.at[k]).wait()

    def start_wb(g, k):
        off = pl.multiple_of(base0 + g * NB, NB)
        pltpu.async_copy(rows[k], out.at[pl.ds(off, NB)], semw.at[k])

    def wait_wb(k):
        pltpu.make_async_copy(
            rows[k], out.at[pl.ds(0, NB)], semw.at[k]).wait()

    for k in range(PREF):
        issue_fetches(k, k)

    def outer(i, carry):
        for k in range(NBUF):
            g = i * NBUF + k
            kp = (k + PREF) % NBUF

            @pl.when(g + PREF >= NBUF)
            def _():
                wait_wb(kp)

            @pl.when(g + PREF < NSTEP)
            def _():
                issue_fetches(g + PREF, kp)

            wait_fetches(k)
            t0 = lax.rem(base0 + g * NB, T)
            rbuf = rows[k]

            @plsc.parallel_loop(0, NB, unroll=4)
            def _(r):
                poff = pl.multiple_of((t0 + r) * D, D)
                for c in range(D // 16):
                    sl = pl.ds(c * 16, 16)
                    rbuf[r, sl] = (rbuf[r, sl] * SCALE
                                   + pos_v[pl.ds(poff + c * 16, 16)])

            start_wb(g, k)
        return carry

    lax.fori_loop(0, NSTEP // NBUF, outer, 0)
    for g in range(NSTEP - (NBUF - PREF), NSTEP):
        wait_wb(g % NBUF)


def kernel(sequences, token_emb):
    seq_flat = sequences.reshape(N)
    pos_ext = _pos_table().reshape(PT * D)
    out = _embed(seq_flat, token_emb, pos_ext)
    return out.reshape(B, T, D)

# --- scband reference (transcript-rebuilt; emitter-appended) ---
"""Pipeline reference for scband-embed-sequences-68899865362781 (READ-ONLY COPY).

The authoritative reference and input builder live on the scoring server;
editing this copy changes nothing except your own understanding.
"""

import jax, jax.numpy as jnp
import numpy as np
import math

VOCAB = 1000000
EMBED_DIM = 64
B, T = 1024, 200


def sinusoid_position_encoding(sequence_length, hidden_size, max_timescale=10000.0):
    pos = jnp.arange(sequence_length, dtype=jnp.float32)[:, None]
    dim = jnp.arange(0, hidden_size, 2, dtype=jnp.float32)
    inv_freq = max_timescale ** (-dim / hidden_size)
    sinusoid_inp = pos * inv_freq[None, :]
    pe = jnp.zeros((sequence_length, hidden_size), dtype=jnp.float32)
    pe = pe.at[:, 0::2].set(jnp.sin(sinusoid_inp))
    pe = pe.at[:, 1::2].set(jnp.cos(sinusoid_inp))
    return pe


def setup_inputs(seed: int = 0) -> dict:
    key = jax.random.key(seed)
    k1, k2 = jax.random.split(key)
    sequences = jax.random.randint(k1, (B, T), 0, VOCAB, dtype=jnp.int32)
    # token embedding table, trunc_normal(std=0.02) approximated by clipped normal
    token_emb = jnp.clip(jax.random.normal(k2, (VOCAB, EMBED_DIM), dtype=jnp.float32) * 0.02, -0.04, 0.04)
    return {"sequences": sequences, "token_emb": token_emb}


def reference(sequences, token_emb):
    embeddings = jnp.take(token_emb, sequences, axis=0)  # [B, T, D] gather
    embeddings = embeddings * math.sqrt(EMBED_DIM)
    Tt, D = embeddings.shape[1], embeddings.shape[2]
    pos_encoding = sinusoid_position_encoding(Tt, D)
    return embeddings + pos_encoding[None, :, :]

if __name__ == "__main__":
    import jax
    _d = setup_inputs()
    print(jax.jit(kernel)(*tuple(_d.values())))

</pallas_src>

<mosaic_0001>
#map = affine_map<(d0, d1) -> (0)>
#map1 = affine_map<(d0, d1) -> (0, 0)>
module attributes {stable_mosaic.version = 14 : i64} {
  func.func @_embed(%arg0: i32, %arg1: i32, %arg2: memref<204800xi32, #tpu.memory_space<hbm>>, %arg3: memref<1000000x64xf32, #tpu.memory_space<hbm>>, %arg4: memref<20992xf32, #tpu.memory_space<hbm>>, %arg5: memref<204800x64xf32, #tpu.memory_space<hbm>>, %arg6: memref<6400xi32, #tpu.memory_space<vmem>>, %arg7: memref<128x64xf32, #tpu.memory_space<vmem>>, %arg8: memref<128x64xf32, #tpu.memory_space<vmem>>, %arg9: memref<128x64xf32, #tpu.memory_space<vmem>>, %arg10: memref<128x64xf32, #tpu.memory_space<vmem>>, %arg11: memref<128x64xf32, #tpu.memory_space<vmem>>, %arg12: memref<20992xf32, #tpu.memory_space<vmem>>, %arg13: memref<5x!tpu.dma_semaphore, #tpu.memory_space<semaphore_mem>>, %arg14: memref<5x!tpu.dma_semaphore, #tpu.memory_space<semaphore_mem>>) attributes {dimension_semantics = [#tpu.dimension_semantics<core_parallel>, #tpu.dimension_semantics<subcore_parallel>], iteration_bounds = array<i64: 2, 16>, scalar_prefetch = 0 : i64, scratch_operands = 9 : i64, tpu.core_type = #tpu.core_type<sc_vector_subcore>, window_params = [{transform_indices = #map}, {transform_indices = #map1}, {transform_indices = #map}, {transform_indices = #map1}]} {
    %mul3A = arith.constant 2 : i32
    %mul3A_0 = arith.muli %arg1, %mul3A : i32
    %add3A = arith.addi %mul3A_0, %arg0 : i32
    %mul3A_1 = arith.constant 6400 : i32
    %mul3A_2 = arith.muli %add3A, %mul3A_1 : i32
    "tpu.region"() ({
      %run_scoped3A = tpu.sem_alloc : memref<!tpu.dma_semaphore, #tpu.memory_space<semaphore_mem>>
      tpu.enqueue_dma source(%arg4 : memref<20992xf32, #tpu.memory_space<hbm>>) target(%arg12 : memref<20992xf32, #tpu.memory_space<vmem>>) target_semaphore(%run_scoped3A : memref<!tpu.dma_semaphore, #tpu.memory_space<semaphore_mem>>)
      tpu.wait_dma2 semaphore(%run_scoped3A : memref<!tpu.dma_semaphore, #tpu.memory_space<semaphore_mem>>) src(%arg4 : memref<20992xf32, #tpu.memory_space<hbm>>) dst(%arg12 : memref<20992xf32, #tpu.memory_space<vmem>>)
      tpu.yield
    }) : () -> ()
    %multiple_of3A = tpu.assume_multiple %mul3A_2, 128 : i32
    "tpu.region"() ({
      %run_scoped3A = tpu.sem_alloc : memref<!tpu.dma_semaphore, #tpu.memory_space<semaphore_mem>>
      %dma_start3A_224 = tpu.memref_slice %arg2[%multiple_of3A] : memref<204800xi32, #tpu.memory_space<hbm>> -> memref<6400xi32, #tpu.memory_space<hbm>>
      %dma_start3A_225 = tpu.memref_slice %arg2[%multiple_of3A] : memref<204800xi32, #tpu.memory_space<hbm>> -> memref<6400xi32, #tpu.memory_space<hbm>>
      tpu.enqueue_dma source(%dma_start3A_225 : memref<6400xi32, #tpu.memory_space<hbm>>) target(%arg6 : memref<6400xi32, #tpu.memory_space<vmem>>) target_semaphore(%run_scoped3A : memref<!tpu.dma_semaphore, #tpu.memory_space<semaphore_mem>>)
      %dma_wait3A_226 = tpu.memref_slice %arg2[%multiple_of3A] : memref<204800xi32, #tpu.memory_space<hbm>> -> memref<6400xi32, #tpu.memory_space<hbm>>
      %dma_wait3A_227 = tpu.memref_slice %arg2[%multiple_of3A] : memref<204800xi32, #tpu.memory_space<hbm>> -> memref<6400xi32, #tpu.memory_space<hbm>>
      tpu.wait_dma2 semaphore(%run_scoped3A : memref<!tpu.dma_semaphore, #tpu.memory_space<semaphore_mem>>) src(%dma_wait3A_227 : memref<6400xi32, #tpu.memory_space<hbm>>) dst(%arg6 : memref<6400xi32, #tpu.memory_space<vmem>>)
      tpu.yield
    }) : () -> ()
    %get3A = arith.constant 0 : index
    %get3A_3 = tpu.vector_load %arg6[%get3A] {strides = array<i32>} : memref<6400xi32, #tpu.memory_space<vmem>>, vector<16xi32>,
    %get3A_4 = vector.shape_cast %get3A_3 : vector<16xi32> to vector<16xi32>
    %dma_start3A = arith.constant 0 : i32
    %dma_start3A_5 = arith.constant 0 : i32
    %dma_start3A_6 = arith.constant 0 : i32
    %dma_start3A_7 = tpu.memref_slice %arg7[%dma_start3A_5, %dma_start3A_6] : memref<128x64xf32, #tpu.memory_space<vmem>> -> memref<16x64xf32, #tpu.memory_space<vmem>>
    %dma_start3A_8 = arith.constant 0 : i32
    %dma_start3A_9 = arith.constant 0 : i32
    %dma_start3A_10 = tpu.memref_slice %arg3[%dma_start3A_8, %dma_start3A_9] : memref<1000000x64xf32, #tpu.memory_space<hbm>> -> memref<1000000x64xf32, #tpu.memory_space<hbm>>
    %dma_start3A_11 = tpu.memref_slice %arg13[%dma_start3A] : memref<5x!tpu.dma_semaphore, #tpu.memory_space<semaphore_mem>> -> memref<1x!tpu.dma_semaphore, #tpu.memory_space<semaphore_mem>>
    %dma_start3A_12 = tpu.memref_squeeze %dma_start3A_11 : memref<1x!tpu.dma_semaphore, #tpu.memory_space<semaphore_mem>> -> memref<!tpu.dma_semaphore, #tpu.memory_space<semaphore_mem>>
    tpu.enqueue_indirect_dma source(%dma_start3A_10 : memref<1000000x64xf32, #tpu.memory_space<hbm>>) target(%dma_start3A_7 : memref<16x64xf32, #tpu.memory_space<vmem>>) offsets(%get3A_4 : vector<16xi32>) semaphore(%dma_start3A_12 : memref<!tpu.dma_semaphore, #tpu.memory_space<semaphore_mem>>)
    %get3A_13 = arith.constant 16 : index
    %get3A_14 = tpu.vector_load %arg6[%get3A_13] {strides = array<i32>} : memref<6400xi32, #tpu.memory_space<vmem>>, vector<16xi32>,
    %get3A_15 = vector.shape_cast %get3A_14 : vector<16xi32> to vector<16xi32>
    %dma_start3A_16 = arith.constant 0 : i32
    %dma_start3A_17 = arith.constant 16 : i32
    %dma_start3A_18 = arith.constant 0 : i32
    %dma_start3A_19 = tpu.memref_slice %arg7[%dma_start3A_17, %dma_start3A_18] : memref<128x64xf32, #tpu.memory_space<vmem>> -> memref<16x64xf32, #tpu.memory_space<vmem>>
    %dma_start3A_20 = arith.constant 0 : i32
    %dma_start3A_21 = arith.constant 0 : i32
    %dma_start3A_22 = tpu.memref_slice %arg3[%dma_start3A_20, %dma_start3A_21] : memref<1000000x64xf32, #tpu.memory_space<hbm>> -> memref<1000000x64xf32, #tpu.memory_space<hbm>>
    %dma_start3A_23 = tpu.memref_slice %arg13[%dma_start3A_16] : memref<5x!tpu.dma_semaphore, #tpu.memory_space<semaphore_mem>> -> memref<1x!tpu.dma_semaphore, #tpu.memory_space<semaphore_mem>>
    %dma_start3A_24 = tpu.memref_squeeze %dma_start3A_23 : memref<1x!tpu.dma_semaphore, #tpu.memory_space<semaphore_mem>> -> memref<!tpu.dma_semaphore, #tpu.memory_space<semaphore_mem>>
    tpu.enqueue_indirect_dma source(%dma_start3A_22 : memref<1000000x64xf32, #tpu.memory_space<hbm>>) target(%dma_start3A_19 : memref<16x64xf32, #tpu.memory_space<vmem>>) offsets(%get3A_15 : vector<16xi32>) semaphore(%dma_start3A_24 : memref<!tpu.dma_semaphore, #tpu.memory_space<semaphore_mem>>)
    %get3A_25 = arith.constant 32 : index
    %get3A_26 = tpu.vector_load %arg6[%get3A_25] {strides = array<i32>} : memref<6400xi32, #tpu.memory_space<vmem>>, vector<16xi32>,
    %get3A_27 = vector.shape_cast %get3A_26 : vector<16xi32> to vector<16xi32>
    %dma_start3A_28 = arith.constant 0 : i32
    %dma_start3A_29 = arith.constant 32 : i32
    %dma_start3A_30 = arith.constant 0 : i32
    %dma_start3A_31 = tpu.memref_slice %arg7[%dma_start3A_29, %dma_start3A_30] : memref<128x64xf32, #tpu.memory_space<vmem>> -> memref<16x64xf32, #tpu.memory_space<vmem>>
    %dma_start3A_32 = arith.constant 0 : i32
    %dma_start3A_33 = arith.constant 0 : i32
    %dma_start3A_34 = tpu.memref_slice %arg3[%dma_start3A_32, %dma_start3A_33] : memref<1000000x64xf32, #tpu.memory_space<hbm>> -> memref<1000000x64xf32, #tpu.memory_space<hbm>>
    %dma_start3A_35 = tpu.memref_slice %arg13[%dma_start3A_28] : memref<5x!tpu.dma_semaphore, #tpu.memory_space<semaphore_mem>> -> memref<1x!tpu.dma_semaphore, #tpu.memory_space<semaphore_mem>>
    %dma_start3A_36 = tpu.memref_squeeze %dma_start3A_35 : memref<1x!tpu.dma_semaphore, #tpu.memory_space<semaphore_mem>> -> memref<!tpu.dma_semaphore, #tpu.memory_space<semaphore_mem>>
    tpu.enqueue_indirect_dma source(%dma_start3A_34 : memref<1000000x64xf32, #tpu.memory_space<hbm>>) target(%dma_start3A_31 : memref<16x64xf32, #tpu.memory_space<vmem>>) offsets(%get3A_27 : vector<16xi32>) semaphore(%dma_start3A_36 : memref<!tpu.dma_semaphore, #tpu.memory_space<semaphore_mem>>)
    %get3A_37 = arith.constant 48 : index
    %get3A_38 = tpu.vector_load %arg6[%get3A_37] {strides = array<i32>} : memref<6400xi32, #tpu.memory_space<vmem>>, vector<16xi32>,
    %get3A_39 = vector.shape_cast %get3A_38 : vector<16xi32> to vector<16xi32>
    %dma_start3A_40 = arith.constant 0 : i32
    %dma_start3A_41 = arith.constant 48 : i32
    %dma_start3A_42 = arith.constant 0 : i32
    %dma_start3A_43 = tpu.memref_slice %arg7[%dma_start3A_41, %dma_start3A_42] : memref<128x64xf32, #tpu.memory_space<vmem>> -> memref<16x64xf32, #tpu.memory_space<vmem>>
    %dma_start3A_44 = arith.constant 0 : i32
    %dma_start3A_45 = arith.constant 0 : i32
    %dma_start3A_46 = tpu.memref_slice %arg3[%dma_start3A_44, %dma_start3A_45] : memref<1000000x64xf32, #tpu.memory_space<hbm>> -> memref<1000000x64xf32, #tpu.memory_space<hbm>>
    %dma_start3A_47 = tpu.memref_slice %arg13[%dma_start3A_40] : memref<5x!tpu.dma_semaphore, #tpu.memory_space<semaphore_mem>> -> memref<1x!tpu.dma_semaphore, #tpu.memory_space<semaphore_mem>>
    %dma_start3A_48 = tpu.memref_squeeze %dma_start3A_47 : memref<1x!tpu.dma_semaphore, #tpu.memory_space<semaphore_mem>> -> memref<!tpu.dma_semaphore, #tpu.memory_space<semaphore_mem>>
    tpu.enqueue_indirect_dma source(%dma_start3A_46 : memref<1000000x64xf32, #tpu.memory_space<hbm>>) target(%dma_start3A_43 : memref<16x64xf32, #tpu.memory_space<vmem>>) offsets(%get3A_39 : vector<16xi32>) semaphore(%dma_start3A_48 : memref<!tpu.dma_semaphore, #tpu.memory_space<semaphore_mem>>)
    %get3A_49 = arith.constant 64 : index
    %get3A_50 = tpu.vector_load %arg6[%get3A_49] {strides = array<i32>} : memref<6400xi32, #tpu.memory_space<vmem>>, vector<16xi32>,
    %get3A_51 = vector.shape_cast %get3A_50 : vector<16xi32> to vector<16xi32>
    %dma_start3A_52 = arith.constant 0 : i32
    %dma_start3A_53 = arith.constant 64 : i32
    %dma_start3A_54 = arith.constant 0 : i32
    %dma_start3A_55 = tpu.memref_slice %arg7[%dma_start3A_53, %dma_start3A_54] : memref<128x64xf32, #tpu.memory_space<vmem>> -> memref<16x64xf32, #tpu.memory_space<vmem>>
    %dma_start3A_56 = arith.constant 0 : i32
    %dma_start3A_57 = arith.constant 0 : i32
    %dma_start3A_58 = tpu.memref_slice %arg3[%dma_start3A_56, %dma_start3A_57] : memref<1000000x64xf32, #tpu.memory_space<hbm>> -> memref<1000000x64xf32, #tpu.memory_space<hbm>>
    %dma_start3A_59 = tpu.memref_slice %arg13[%dma_start3A_52] : memref<5x!tpu.dma_semaphore, #tpu.memory_space<semaphore_mem>> -> memref<1x!tpu.dma_semaphore, #tpu.memory_space<semaphore_mem>>
    %dma_start3A_60 = tpu.memref_squeeze %dma_start3A_59 : memref<1x!tpu.dma_semaphore, #tpu.memory_space<semaphore_mem>> -> memref<!tpu.dma_semaphore, #tpu.memory_space<semaphore_mem>>
    tpu.enqueue_indirect_dma source(%dma_start3A_58 : memref<1000000x64xf32, #tpu.memory_space<hbm>>) target(%dma_start3A_55 : memref<16x64xf32, #tpu.memory_space<vmem>>) offsets(%get3A_51 : vector<16xi32>) semaphore(%dma_start3A_60 : memref<!tpu.dma_semaphore, #tpu.memory_space<semaphore_mem>>)
    %get3A_61 = arith.constant 80 : index
    %get3A_62 = tpu.vector_load %arg6[%get3A_61] {strides = array<i32>} : memref<6400xi32, #tpu.memory_space<vmem>>, vector<16xi32>,
    %get3A_63 = vector.shape_cast %get3A_62 : vector<16xi32> to vector<16xi32>
    %dma_start3A_64 = arith.constant 0 : i32
    %dma_start3A_65 = arith.constant 80 : i32
    %dma_start3A_66 = arith.constant 0 : i32
    %dma_start3A_67 = tpu.memref_slice %arg7[%dma_start3A_65, %dma_start3A_66] : memref<128x64xf32, #tpu.memory_space<vmem>> -> memref<16x64xf32, #tpu.memory_space<vmem>>
    %dma_start3A_68 = arith.constant 0 : i32
    %dma_start3A_69 = arith.constant 0 : i32
    %dma_start3A_70 = tpu.memref_slice %arg3[%dma_start3A_68, %dma_start3A_69] : memref<1000000x64xf32, #tpu.memory_space<hbm>> -> memref<1000000x64xf32, #tpu.memory_space<hbm>>
    %dma_start3A_71 = tpu.memref_slice %arg13[%dma_start3A_64] : memref<5x!tpu.dma_semaphore, #tpu.memory_space<semaphore_mem>> -> memref<1x!tpu.dma_semaphore, #tpu.memory_space<semaphore_mem>>
    %dma_start3A_72 = tpu.memref_squeeze %dma_start3A_71 : memref<1x!tpu.dma_semaphore, #tpu.memory_space<semaphore_mem>> -> memref<!tpu.dma_semaphore, #tpu.memory_space<semaphore_mem>>
    tpu.enqueue_indirect_dma source(%dma_start3A_70 : memref<1000000x64xf32, #tpu.memory_space<hbm>>) target(%dma_start3A_67 : memref<16x64xf32, #tpu.memory_space<vmem>>) offsets(%get3A_63 : vector<16xi32>) semaphore(%dma_start3A_72 : memref<!tpu.dma_semaphore, #tpu.memory_space<semaphore_mem>>)
    %get3A_73 = arith.constant 96 : index
    %get3A_74 = tpu.vector_load %arg6[%get3A_73] {strides = array<i32>} : memref<6400xi32, #tpu.memory_space<vmem>>, vector<16xi32>,
    %get3A_75 = vector.shape_cast %get3A_74 : vector<16xi32> to vector<16xi32>
    %dma_start3A_76 = arith.constant 0 : i32
    %dma_start3A_77 = arith.constant 96 : i32
    %dma_start3A_78 = arith.constant 0 : i32
    %dma_start3A_79 = tpu.memref_slice %arg7[%dma_start3A_77, %dma_start3A_78] : memref<128x64xf32, #tpu.memory_space<vmem>> -> memref<16x64xf32, #tpu.memory_space<vmem>>
    %dma_start3A_80 = arith.constant 0 : i32
    %dma_start3A_81 = arith.constant 0 : i32
    %dma_start3A_82 = tpu.memref_slice %arg3[%dma_start3A_80, %dma_start3A_81] : memref<1000000x64xf32, #tpu.memory_space<hbm>> -> memref<1000000x64xf32, #tpu.memory_space<hbm>>
    %dma_start3A_83 = tpu.memref_slice %arg13[%dma_start3A_76] : memref<5x!tpu.dma_semaphore, #tpu.memory_space<semaphore_mem>> -> memref<1x!tpu.dma_semaphore, #tpu.memory_space<semaphore_mem>>
    %dma_start3A_84 = tpu.memref_squeeze %dma_start3A_83 : memref<1x!tpu.dma_semaphore, #tpu.memory_space<semaphore_mem>> -> memref<!tpu.dma_semaphore, #tpu.memory_space<semaphore_mem>>
    tpu.enqueue_indirect_dma source(%dma_start3A_82 : memref<1000000x64xf32, #tpu.memory_space<hbm>>) target(%dma_start3A_79 : memref<16x64xf32, #tpu.memory_space<vmem>>) offsets(%get3A_75 : vector<16xi32>) semaphore(%dma_start3A_84 : memref<!tpu.dma_semaphore, #tpu.memory_space<semaphore_mem>>)
    %get3A_85 = arith.constant 112 : index
    %get3A_86 = tpu.vector_load %arg6[%get3A_85] {strides = array<i32>} : memref<6400xi32, #tpu.memory_space<vmem>>, vector<16xi32>,
    %get3A_87 = vector.shape_cast %get3A_86 : vector<16xi32> to vector<16xi32>
    %dma_start3A_88 = arith.constant 0 : i32
    %dma_start3A_89 = arith.constant 112 : i32
    %dma_start3A_90 = arith.constant 0 : i32
    %dma_start3A_91 = tpu.memref_slice %arg7[%dma_start3A_89, %dma_start3A_90] : memref<128x64xf32, #tpu.memory_space<vmem>> -> memref<16x64xf32, #tpu.memory_space<vmem>>
    %dma_start3A_92 = arith.constant 0 : i32
    %dma_start3A_93 = arith.constant 0 : i32
    %dma_start3A_94 = tpu.memref_slice %arg3[%dma_start3A_92, %dma_start3A_93] : memref<1000000x64xf32, #tpu.memory_space<hbm>> -> memref<1000000x64xf32, #tpu.memory_space<hbm>>
    %dma_start3A_95 = tpu.memref_slice %arg13[%dma_start3A_88] : memref<5x!tpu.dma_semaphore, #tpu.memory_space<semaphore_mem>> -> memref<1x!tpu.dma_semaphore, #tpu.memory_space<semaphore_mem>>
    %dma_start3A_96 = tpu.memref_squeeze %dma_start3A_95 : memref<1x!tpu.dma_semaphore, #tpu.memory_space<semaphore_mem>> -> memref<!tpu.dma_semaphore, #tpu.memory_space<semaphore_mem>>
    tpu.enqueue_indirect_dma source(%dma_start3A_94 : memref<1000000x64xf32, #tpu.memory_space<hbm>>) target(%dma_start3A_91 : memref<16x64xf32, #tpu.memory_space<vmem>>) offsets(%get3A_87 : vector<16xi32>) semaphore(%dma_start3A_96 : memref<!tpu.dma_semaphore, #tpu.memory_space<semaphore_mem>>)
    %get3A_97 = arith.constant 128 : index
    %get3A_98 = tpu.vector_load %arg6[%get3A_97] {strides = array<i32>} : memref<6400xi32, #tpu.memory_space<vmem>>, vector<16xi32>,
    %get3A_99 = vector.shape_cast %get3A_98 : vector<16xi32> to vector<16xi32>
    %dma_start3A_100 = arith.constant 1 : i32
    %dma_start3A_101 = arith.constant 0 : i32
    %dma_start3A_102 = arith.constant 0 : i32
    %dma_start3A_103 = tpu.memref_slice %arg8[%dma_start3A_101, %dma_start3A_102] : memref<128x64xf32, #tpu.memory_space<vmem>> -> memref<16x64xf32, #tpu.memory_space<vmem>>
    %dma_start3A_104 = arith.constant 0 : i32
    %dma_start3A_105 = arith.constant 0 : i32
    %dma_start3A_106 = tpu.memref_slice %arg3[%dma_start3A_104, %dma_start3A_105] : memref<1000000x64xf32, #tpu.memory_space<hbm>> -> memref<1000000x64xf32, #tpu.memory_space<hbm>>
    %dma_start3A_107 = tpu.memref_slice %arg13[%dma_start3A_100] : memref<5x!tpu.dma_semaphore, #tpu.memory_space<semaphore_mem>> -> memref<1x!tpu.dma_semaphore, #tpu.memory_space<semaphore_mem>>
    %dma_start3A_108 = tpu.memref_squeeze %dma_start3A_107 : memref<1x!tpu.dma_semaphore, #tpu.memory_space<semaphore_mem>> -> memref<!tpu.dma_semaphore, #tpu.memory_space<semaphore_mem>>
    tpu.enqueue_indirect_dma source(%dma_start3A_106 : memref<1000000x64xf32, #tpu.memory_space<hbm>>) target(%dma_start3A_103 : memref<16x64xf32, #tpu.memory_space<vmem>>) offsets(%get3A_99 : vector<16xi32>) semaphore(%dma_start3A_108 : memref<!tpu.dma_semaphore, #tpu.memory_space<semaphore_mem>>)
    %get3A_109 = arith.constant 144 : index
    %get3A_110 = tpu.vector_load %arg6[%get3A_109] {strides = array<i32>} : memref<6400xi32, #tpu.memory_space<vmem>>, vector<16xi32>,
    %get3A_111 = vector.shape_cast %get3A_110 : vector<16xi32> to vector<16xi32>
    %dma_start3A_112 = arith.constant 1 : i32
    %dma_start3A_113 = arith.constant 16 : i32
    %dma_start3A_114 = arith.constant 0 : i32
    %dma_start3A_115 = tpu.memref_slice %arg8[%dma_start3A_113, %dma_start3A_114] : memref<128x64xf32, #tpu.memory_space<vmem>> -> memref<16x64xf32, #tpu.memory_space<vmem>>
    %dma_start3A_116 = arith.constant 0 : i32
    %dma_start3A_117 = arith.constant 0 : i32
    %dma_start3A_118 = tpu.memref_slice %arg3[%dma_start3A_116, %dma_start3A_117] : memref<1000000x64xf32, #tpu.memory_space<hbm>> -> memref<1000000x64xf32, #tpu.memory_space<hbm>>
    %dma_start3A_119 = tpu.memref_slice %arg13[%dma_start3A_112] : memref<5x!tpu.dma_semaphore, #tpu.memory_space<semaphore_mem>> -> memref<1x!tpu.dma_semaphore, #tpu.memory_space<semaphore_mem>>
    %dma_start3A_120 = tpu.memref_squeeze %dma_start3A_119 : memref<1x!tpu.dma_semaphore, #tpu.memory_space<semaphore_mem>> -> memref<!tpu.dma_semaphore, #tpu.memory_space<semaphore_mem>>
    tpu.enqueue_indirect_dma source(%dma_start3A_118 : memref<1000000x64xf32, #tpu.memory_space<hbm>>) target(%dma_start3A_115 : memref<16x64xf32, #tpu.memory_space<vmem>>) offsets(%get3A_111 : vector<16xi32>) semaphore(%dma_start3A_120 : memref<!tpu.dma_semaphore, #tpu.memory_space<semaphore_mem>>)
    %get3A_121 = arith.constant 160 : index
    %get3A_122 = tpu.vector_load %arg6[%get3A_121] {strides = array<i32>} : memref<6400xi32, #tpu.memory_space<vmem>>, vector<16xi32>,
    %get3A_123 = vector.shape_cast %get3A_122 : vector<16xi32> to vector<16xi32>
    %dma_start3A_124 = arith.constant 1 : i32
    %dma_start3A_125 = arith.constant 32 : i32
    %dma_start3A_126 = arith.constant 0 : i32
    %dma_start3A_127 = tpu.memref_slice %arg8[%dma_start3A_125, %dma_start3A_126] : memref<128x64xf32, #tpu.memory_space<vmem>> -> memref<16x64xf32, #tpu.memory_space<vmem>>
    %dma_start3A_128 = arith.constant 0 : i32
    %dma_start3A_129 = arith.constant 0 : i32
    %dma_start3A_130 = tpu.memref_slice %arg3[%dma_start3A_128, %dma_start3A_129] : memref<1000000x64xf32, #tpu.memory_space<hbm>> -> memref<1000000x64xf32, #tpu.memory_space<hbm>>
    %dma_start3A_131 = tpu.memref_slice %arg13[%dma_start3A_124] : memref<5x!tpu.dma_semaphore, #tpu.memory_space<semaphore_mem>> -> memref<1x!tpu.dma_semaphore, #tpu.memory_space<semaphore_mem>>
    %dma_start3A_132 = tpu.memref_squeeze %dma_start3A_131 : memref<1x!tpu.dma_semaphore, #tpu.memory_space<semaphore_mem>> -> memref<!tpu.dma_semaphore, #tpu.memory_space<semaphore_mem>>
    tpu.enqueue_indirect_dma source(%dma_start3A_130 : memref<1000000x64xf32, #tpu.memory_space<hbm>>) target(%dma_start3A_127 : memref<16x64xf32, #tpu.memory_space<vmem>>) offsets(%get3A_123 : vector<16xi32>) semaphore(%dma_start3A_132 : memref<!tpu.dma_semaphore, #tpu.memory_space<semaphore_mem>>)
    %get3A_133 = arith.constant 176 : index
    %get3A_134 = tpu.vector_load %arg6[%get3A_133] {strides = array<i32>} : memref<6400xi32, #tpu.memory_space<vmem>>, vector<16xi32>,
    %get3A_135 = vector.shape_cast %get3A_134 : vector<16xi32> to vector<16xi32>
    %dma_start3A_136 = arith.constant 1 : i32
    %dma_start3A_137 = arith.constant 48 : i32
    %dma_start3A_138 = arith.constant 0 : i32
    %dma_start3A_139 = tpu.memref_slice %arg8[%dma_start3A_137, %dma_start3A_138] : memref<128x64xf32, #tpu.memory_space<vmem>> -> memref<16x64xf32, #tpu.memory_space<vmem>>
    %dma_start3A_140 = arith.constant 0 : i32
    %dma_start3A_141 = arith.constant 0 : i32
    %dma_start3A_142 = tpu.memref_slice %arg3[%dma_start3A_140, %dma_start3A_141] : memref<1000000x64xf32, #tpu.memory_space<hbm>> -> memref<1000000x64xf32, #tpu.memory_space<hbm>>
    %dma_start3A_143 = tpu.memref_slice %arg13[%dma_start3A_136] : memref<5x!tpu.dma_semaphore, #tpu.memory_space<semaphore_mem>> -> memref<1x!tpu.dma_semaphore, #tpu.memory_space<semaphore_mem>>
    %dma_start3A_144 = tpu.memref_squeeze %dma_start3A_143 : memref<1x!tpu.dma_semaphore, #tpu.memory_space<semaphore_mem>> -> memref<!tpu.dma_semaphore, #tpu.memory_space<semaphore_mem>>
    tpu.enqueue_indirect_dma source(%dma_start3A_142 : memref<1000000x64xf32, #tpu.memory_space<hbm>>) target(%dma_start3A_139 : memref<16x64xf32, #tpu.memory_space<vmem>>) offsets(%get3A_135 : vector<16xi32>) semaphore(%dma_start3A_144 : memref<!tpu.dma_semaphore, #tpu.memory_space<semaphore_mem>>)
    %get3A_145 = arith.constant 192 : index
    %get3A_146 = tpu.vector_load %arg6[%get3A_145] {strides = array<i32>} : memref<6400xi32, #tpu.memory_space<vmem>>, vector<16xi32>,
    %get3A_147 = vector.shape_cast %get3A_146 : vector<16xi32> to vector<16xi32>
    %dma_start3A_148 = arith.constant 1 : i32
    %dma_start3A_149 = arith.constant 64 : i32
    %dma_start3A_150 = arith.constant 0 : i32
    %dma_start3A_151 = tpu.memref_slice %arg8[%dma_start3A_149, %dma_start3A_150] : memref<128x64xf32, #tpu.memory_space<vmem>> -> memref<16x64xf32, #tpu.memory_space<vmem>>
    %dma_start3A_152 = arith.constant 0 : i32
    %dma_start3A_153 = arith.constant 0 : i32
    %dma_start3A_154 = tpu.memref_slice %arg3[%dma_start3A_152, %dma_start3A_153] : memref<1000000x64xf32, #tpu.memory_space<hbm>> -> memref<1000000x64xf32, #tpu.memory_space<hbm>>
    %dma_start3A_155 = tpu.memref_slice %arg13[%dma_start3A_148] : memref<5x!tpu.dma_semaphore, #tpu.memory_space<semaphore_mem>> -> memref<1x!tpu.dma_semaphore, #tpu.memory_space<semaphore_mem>>
    %dma_start3A_156 = tpu.memref_squeeze %dma_start3A_155 : memref<1x!tpu.dma_semaphore, #tpu.memory_space<semaphore_mem>> -> memref<!tpu.dma_semaphore, #tpu.memory_space<semaphore_mem>>
    tpu.enqueue_indirect_dma source(%dma_start3A_154 : memref<1000000x64xf32, #tpu.memory_space<hbm>>) target(%dma_start3A_151 : memref<16x64xf32, #tpu.memory_space<vmem>>) offsets(%get3A_147 : vector<16xi32>) semaphore(%dma_start3A_156 : memref<!tpu.dma_semaphore, #tpu.memory_space<semaphore_mem>>)
    %get3A_157 = arith.constant 208 : index
    %get3A_158 = tpu.vector_load %arg6[%get3A_157] {strides = array<i32>} : memref<6400xi32, #tpu.memory_space<vmem>>, vector<16xi32>,
    %get3A_159 = vector.shape_cast %get3A_158 : vector<16xi32> to vector<16xi32>
    %dma_start3A_160 = arith.constant 1 : i32
    %dma_start3A_161 = arith.constant 80 : i32
    %dma_start3A_162 = arith.constant 0 : i32
    %dma_start3A_163 = tpu.memref_slice %arg8[%dma_start3A_161, %dma_start3A_162] : memref<128x64xf32, #tpu.memory_space<vmem>> -> memref<16x64xf32, #tpu.memory_space<vmem>>
    %dma_start3A_164 = arith.constant 0 : i32
    %dma_start3A_165 = arith.constant 0 : i32
    %dma_start3A_166 = tpu.memref_slice %arg3[%dma_start3A_164, %dma_start3A_165] : memref<1000000x64xf32, #tpu.memory_space<hbm>> -> memref<1000000x64xf32, #tpu.memory_space<hbm>>
    %dma_start3A_167 = tpu.memref_slice %arg13[%dma_start3A_160] : memref<5x!tpu.dma_semaphore, #tpu.memory_space<semaphore_mem>> -> memref<1x!tpu.dma_semaphore, #tpu.memory_space<semaphore_mem>>
    %dma_start3A_168 = tpu.memref_squeeze %dma_start3A_167 : memref<1x!tpu.dma_semaphore, #tpu.memory_space<semaphore_mem>> -> memref<!tpu.dma_semaphore, #tpu.memory_space<semaphore_mem>>
    tpu.enqueue_indirect_dma source(%dma_start3A_166 : memref<1000000x64xf32, #tpu.memory_space<hbm>>) target(%dma_start3A_163 : memref<16x64xf32, #tpu.memory_space<vmem>>) offsets(%get3A_159 : vector<16xi32>) semaphore(%dma_start3A_168 : memref<!tpu.dma_semaphore, #tpu.memory_space<semaphore_mem>>)
    %get3A_169 = arith.constant 224 : index
    %get3A_170 = tpu.vector_load %arg6[%get3A_169] {strides = array<i32>} : memref<6400xi32, #tpu.memory_space<vmem>>, vector<16xi32>,
    %get3A_171 = vector.shape_cast %get3A_170 : vector<16xi32> to vector<16xi32>
    %dma_start3A_172 = arith.constant 1 : i32
    %dma_start3A_173 = arith.constant 96 : i32
    %dma_start3A_174 = arith.constant 0 : i32
    %dma_start3A_175 = tpu.memref_slice %arg8[%dma_start3A_173, %dma_start3A_174] : memref<128x64xf32, #tpu.memory_space<vmem>> -> memref<16x64xf32, #tpu.memory_space<vmem>>
    %dma_start3A_176 = arith.constant 0 : i32
    %dma_start3A_177 = arith.constant 0 : i32
    %dma_start3A_178 = tpu.memref_slice %arg3[%dma_start3A_176, %dma_start3A_177] : memref<1000000x64xf32, #tpu.memory_space<hbm>> -> memref<1000000x64xf32, #tpu.memory_space<hbm>>
    %dma_start3A_179 = tpu.memref_slice %arg13[%dma_start3A_172] : memref<5x!tpu.dma_semaphore, #tpu.memory_space<semaphore_mem>> -> memref<1x!tpu.dma_semaphore, #tpu.memory_space<semaphore_mem>>
    %dma_start3A_180 = tpu.memref_squeeze %dma_start3A_179 : memref<1x!tpu.dma_semaphore, #tpu.memory_space<semaphore_mem>> -> memref<!tpu.dma_semaphore, #tpu.memory_space<semaphore_mem>>
    tpu.enqueue_indirect_dma source(%dma_start3A_178 : memref<1000000x64xf32, #tpu.memory_space<hbm>>) target(%dma_start3A_175 : memref<16x64xf32, #tpu.memory_space<vmem>>) offsets(%get3A_171 : vector<16xi32>) semaphore(%dma_start3A_180 : memref<!tpu.dma_semaphore, #tpu.memory_space<semaphore_mem>>)
    %get3A_181 = arith.constant 240 : index
    %get3A_182 = tpu.vector_load %arg6[%get3A_181] {strides = array<i32>} : memref<6400xi32, #tpu.memory_space<vmem>>, vector<16xi32>,
    %get3A_183 = vector.shape_cast %get3A_182 : vector<16xi32> to vector<16xi32>
    %dma_start3A_184 = arith.constant 1 : i32
    %dma_start3A_185 = arith.constant 112 : i32
    %dma_start3A_186 = arith.constant 0 : i32
    %dma_start3A_187 = tpu.memref_slice %arg8[%dma_start3A_185, %dma_start3A_186] : memref<128x64xf32, #tpu.memory_space<vmem>> -> memref<16x64xf32, #tpu.memory_space<vmem>>
    %dma_start3A_188 = arith.constant 0 : i32
    %dma_start3A_189 = arith.constant 0 : i32
    %dma_start3A_190 = tpu.memref_slice %arg3[%dma_start3A_188, %dma_start3A_189] : memref<1000000x64xf32, #tpu.memory_space<hbm>> -> memref<1000000x64xf32, #tpu.memory_space<hbm>>
    %dma_start3A_191 = tpu.memref_slice %arg13[%dma_start3A_184] : memref<5x!tpu.dma_semaphore, #tpu.memory_space<semaphore_mem>> -> memref<1x!tpu.dma_semaphore, #tpu.memory_space<semaphore_mem>>
    %dma_start3A_192 = tpu.memref_squeeze %dma_start3A_191 : memref<1x!tpu.dma_semaphore, #tpu.memory_space<semaphore_mem>> -> memref<!tpu.dma_semaphore, #tpu.memory_space<semaphore_mem>>
    tpu.enqueue_indirect_dma source(%dma_start3A_190 : memref<1000000x64xf32, #tpu.memory_space<hbm>>) target(%dma_start3A_187 : memref<16x64xf32, #tpu.memory_space<vmem>>) offsets(%get3A_183 : vector<16xi32>) semaphore(%dma_start3A_192 : memref<!tpu.dma_semaphore, #tpu.memory_space<semaphore_mem>>)
    %scan3A = arith.constant 0 : i32
    %scan3A_193 = arith.constant 0 : i32
    %scan3A_194 = arith.constant 10 : i32
    %scan3A_195 = arith.addi %scan3A_193, %scan3A_194 : i32
    %scan3A_196 = arith.constant 1 : i32
    scf.for %scan3A_224 = %scan3A_193 to %scan3A_195 step %scan3A_196  : i32 {
      %mul3A_225 = arith.constant 5 : i32
      %mul3A_226 = arith.muli %scan3A_224, %mul3A_225 : i32
      %add3A_227 = arith.constant 0 : i32
      %add3A_228 = arith.addi %mul3A_226, %add3A_227 : i32
      %add3A_229 = arith.constant 2 : i32
      %add3A_230 = arith.addi %add3A_228, %add3A_229 : i32
      %ge3A = arith.constant 5 : i32
      %ge3A_231 = arith.cmpi sge, %add3A_230, %ge3A : i32
      %convert_element_type3A = arith.extui %ge3A_231 : i1 to i32
      %cond3A = arith.constant 0 : i32
      %cond3A_232 = arith.cmpi ne, %convert_element_type3A, %cond3A : i32
      scf.if %cond3A_232 {
        %dma_wait3A_449 = arith.constant 2 : i32
        %dma_wait3A_450 = arith.constant 0 : i32
        %dma_wait3A_451 = arith.constant 0 : i32
        %dma_wait3A_452 = tpu.memref_slice %arg5[%dma_wait3A_450, %dma_wait3A_451] : memref<204800x64xf32, #tpu.memory_space<hbm>> -> memref<128x64xf32, #tpu.memory_space<hbm>>
        %dma_wait3A_453 = tpu.memref_slice %arg14[%dma_wait3A_449] : memref<5x!tpu.dma_semaphore, #tpu.memory_space<semaphore_mem>> -> memref<1x!tpu.dma_semaphore, #tpu.memory_space<semaphore_mem>>
        %dma_wait3A_454 = tpu.memref_squeeze %dma_wait3A_453 : memref<1x!tpu.dma_semaphore, #tpu.memory_space<semaphore_mem>> -> memref<!tpu.dma_semaphore, #tpu.memory_space<semaphore_mem>>
        %dma_wait3A_455 = arith.constant 0 : i32
        %dma_wait3A_456 = arith.constant 0 : i32
        %dma_wait3A_457 = tpu.memref_slice %arg5[%dma_wait3A_455, %dma_wait3A_456] : memref<204800x64xf32, #tpu.memory_space<hbm>> -> memref<128x64xf32, #tpu.memory_space<hbm>>
        tpu.wait_dma2 semaphore(%dma_wait3A_454 : memref<!tpu.dma_semaphore, #tpu.memory_space<semaphore_mem>>) src(%arg9 : memref<128x64xf32, #tpu.memory_space<vmem>>) dst(%dma_wait3A_457 : memref<128x64xf32, #tpu.memory_space<hbm>>)
      } else {
      }
      %add3A_233 = arith.constant 2 : i32
      %add3A_234 = arith.addi %add3A_228, %add3A_233 : i32
      %lt3A = arith.constant 50 : i32
      %lt3A_235 = arith.cmpi slt, %add3A_234, %lt3A : i32
      %convert_element_type3A_236 = arith.extui %lt3A_235 : i1 to i32
      %cond3A_237 = arith.constant 0 : i32
      %cond3A_238 = arith.cmpi ne, %convert_element_type3A_236, %cond3A_237 : i32
      scf.if %cond3A_238 {
        %add3A_449 = arith.constant 2 : i32
        %add3A_450 = arith.addi %add3A_228, %add3A_449 : i32
        %mul3A_451 = arith.constant 128 : i32
        %mul3A_452 = arith.muli %add3A_450, %mul3A_451 : i32
        %add3A_453 = arith.constant 0 : i32
        %add3A_454 = arith.addi %mul3A_452, %add3A_453 : i32
        %get3A_455 = arith.index_cast %add3A_454 : i32 to index
        %get3A_456 = tpu.vector_load %arg6[%get3A_455] {strides = array<i32>} : memref<6400xi32, #tpu.memory_space<vmem>>, vector<16xi32>,
        %get3A_457 = vector.shape_cast %get3A_456 : vector<16xi32> to vector<16xi32>
        %dma_start3A_458 = arith.constant 2 : i32
        %dma_start3A_459 = arith.constant 0 : i32
        %dma_start3A_460 = arith.constant 0 : i32
        %dma_start3A_461 = tpu.memref_slice %arg9[%dma_start3A_459, %dma_start3A_460] : memref<128x64xf32, #tpu.memory_space<vmem>> -> memref<16x64xf32, #tpu.memory_space<vmem>>
        %dma_start3A_462 = arith.constant 0 : i32
        %dma_start3A_463 = arith.constant 0 : i32
        %dma_start3A_464 = tpu.memref_slice %arg3[%dma_start3A_462, %dma_start3A_463] : memref<1000000x64xf32, #tpu.memory_space<hbm>> -> memref<1000000x64xf32, #tpu.memory_space<hbm>>
        %dma_start3A_465 = tpu.memref_slice %arg13[%dma_start3A_458] : memref<5x!tpu.dma_semaphore, #tpu.memory_space<semaphore_mem>> -> memref<1x!tpu.dma_semaphore, #tpu.memory_space<semaphore_mem>>
        %dma_start3A_466 = tpu.memref_squeeze %dma_start3A_465 : memref<1x!tpu.dma_semaphore, #tpu.memory_space<semaphore_mem>> -> memref<!tpu.dma_semaphore, #tpu.memory_space<semaphore_mem>>
        tpu.enqueue_indirect_dma source(%dma_start3A_464 : memref<1000000x64xf32, #tpu.memory_space<hbm>>) target(%dma_start3A_461 : memref<16x64xf32, #tpu.memory_space<vmem>>) offsets(%get3A_457 : vector<16xi32>) semaphore(%dma_start3A_466 : memref<!tpu.dma_semaphore, #tpu.memory_space<semaphore_mem>>)
        %add3A_467 = arith.constant 16 : i32
        %add3A_468 = arith.addi %mul3A_452, %add3A_467 : i32
        %get3A_469 = arith.index_cast %add3A_468 : i32 to index
        %get3A_470 = tpu.vector_load %arg6[%get3A_469] {strides = array<i32>} : memref<6400xi32, #tpu.memory_space<vmem>>, vector<16xi32>,
        %get3A_471 = vector.shape_cast %get3A_470 : vector<16xi32> to vector<16xi32>
        %dma_start3A_472 = arith.constant 2 : i32
        %dma_start3A_473 = arith.constant 16 : i32
        %dma_start3A_474 = arith.constant 0 : i32
        %dma_start3A_475 = tpu.memref_slice %arg9[%dma_start3A_473, %dma_start3A_474] : memref<128x64xf32, #tpu.memory_space<vmem>> -> memref<16x64xf32, #tpu.memory_space<vmem>>
        %dma_start3A_476 = arith.constant 0 : i32
        %dma_start3A_477 = arith.constant 0 : i32
        %dma_start3A_478 = tpu.memref_slice %arg3[%dma_start3A_476, %dma_start3A_477] : memref<1000000x64xf32, #tpu.memory_space<hbm>> -> memref<1000000x64xf32, #tpu.memory_space<hbm>>
        %dma_start3A_479 = tpu.memref_slice %arg13[%dma_start3A_472] : memref<5x!tpu.dma_semaphore, #tpu.memory_space<semaphore_mem>> -> memref<1x!tpu.dma_semaphore, #tpu.memory_space<semaphore_mem>>
        %dma_start3A_480 = tpu.memref_squeeze %dma_start3A_479 : memref<1x!tpu.dma_semaphore, #tpu.memory_space<semaphore_mem>> -> memref<!tpu.dma_semaphore, #tpu.memory_space<semaphore_mem>>
        tpu.enqueue_indirect_dma source(%dma_start3A_478 : memref<1000000x64xf32, #tpu.memory_space<hbm>>) target(%dma_start3A_475 : memref<16x64xf32, #tpu.memory_space<vmem>>) offsets(%get3A_471 : vector<16xi32>) semaphore(%dma_start3A_480 : memref<!tpu.dma_semaphore, #tpu.memory_space<semaphore_mem>>)
        %add3A_481 = arith.constant 32 : i32
        %add3A_482 = arith.addi %mul3A_452, %add3A_481 : i32
        %get3A_483 = arith.index_cast %add3A_482 : i32 to index
        %get3A_484 = tpu.vector_load %arg6[%get3A_483] {strides = array<i32>} : memref<6400xi32, #tpu.memory_space<vmem>>, vector<16xi32>,
        %get3A_485 = vector.shape_cast %get3A_484 : vector<16xi32> to vector<16xi32>
        %dma_start3A_486 = arith.constant 2 : i32
        %dma_start3A_487 = arith.constant 32 : i32
        %dma_start3A_488 = arith.constant 0 : i32
        %dma_start3A_489 = tpu.memref_slice %arg9[%dma_start3A_487, %dma_start3A_488] : memref<128x64xf32, #tpu.memory_space<vmem>> -> memref<16x64xf32, #tpu.memory_space<vmem>>
        %dma_start3A_490 = arith.constant 0 : i32
        %dma_start3A_491 = arith.constant 0 : i32
        %dma_start3A_492 = tpu.memref_slice %arg3[%dma_start3A_490, %dma_start3A_491] : memref<1000000x64xf32, #tpu.memory_space<hbm>> -> memref<1000000x64xf32, #tpu.memory_space<hbm>>
        %dma_start3A_493 = tpu.memref_slice %arg13[%dma_start3A_486] : memref<5x!tpu.dma_semaphore, #tpu.memory_space<semaphore_mem>> -> memref<1x!tpu.dma_semaphore, #tpu.memory_space<semaphore_mem>>
        %dma_start3A_494 = tpu.memref_squeeze %dma_start3A_493 : memref<1x!tpu.dma_semaphore, #tpu.memory_space<semaphore_mem>> -> memref<!tpu.dma_semaphore, #tpu.memory_space<semaphore_mem>>
        tpu.enqueue_indirect_dma source(%dma_start3A_492 : memref<1000000x64xf32, #tpu.memory_space<hbm>>) target(%dma_start3A_489 : memref<16x64xf32, #tpu.memory_space<vmem>>) offsets(%get3A_485 : vector<16xi32>) semaphore(%dma_start3A_494 : memref<!tpu.dma_semaphore, #tpu.memory_space<semaphore_mem>>)
        %add3A_495 = arith.constant 48 : i32
        %add3A_496 = arith.addi %mul3A_452, %add3A_495 : i32
        %get3A_497 = arith.index_cast %add3A_496 : i32 to index
        %get3A_498 = tpu.vector_load %arg6[%get3A_497] {strides = array<i32>} : memref<6400xi32, #tpu.memory_space<vmem>>, vector<16xi32>,
        %get3A_499 = vector.shape_cast %get3A_498 : vector<16xi32> to vector<16xi32>
        %dma_start3A_500 = arith.constant 2 : i32
        %dma_start3A_501 = arith.constant 48 : i32
        %dma_start3A_502 = arith.constant 0 : i32
        %dma_start3A_503 = tpu.memref_slice %arg9[%dma_start3A_501, %dma_start3A_502] : memref<128x64xf32, #tpu.memory_space<vmem>> -> memref<16x64xf32, #tpu.memory_space<vmem>>
        %dma_start3A_504 = arith.constant 0 : i32
        %dma_start3A_505 = arith.constant 0 : i32
        %dma_start3A_506 = tpu.memref_slice %arg3[%dma_start3A_504, %dma_start3A_505] : memref<1000000x64xf32, #tpu.memory_space<hbm>> -> memref<1000000x64xf32, #tpu.memory_space<hbm>>
        %dma_start3A_507 = tpu.memref_slice %arg13[%dma_start3A_500] : memref<5x!tpu.dma_semaphore, #tpu.memory_space<semaphore_mem>> -> memref<1x!tpu.dma_semaphore, #tpu.memory_space<semaphore_mem>>
        %dma_start3A_508 = tpu.memref_squeeze %dma_start3A_507 : memref<1x!tpu.dma_semaphore, #tpu.memory_space<semaphore_mem>> -> memref<!tpu.dma_semaphore, #tpu.memory_space<semaphore_mem>>
        tpu.enqueue_indirect_dma source(%dma_start3A_506 : memref<1000000x64xf32, #tpu.memory_space<hbm>>) target(%dma_start3A_503 : memref<16x64xf32, #tpu.memory_space<vmem>>) offsets(%get3A_499 : vector<16xi32>) semaphore(%dma_start3A_508 : memref<!tpu.dma_semaphore, #tpu.memory_space<semaphore_mem>>)
        %add3A_509 = arith.constant 64 : i32
        %add3A_510 = arith.addi %mul3A_452, %add3A_509 : i32
        %get3A_511 = arith.index_cast %add3A_510 : i32 to index
        %get3A_512 = tpu.vector_load %arg6[%get3A_511] {strides = array<i32>} : memref<6400xi32, #tpu.memory_space<vmem>>, vector<16xi32>,
        %get3A_513 = vector.shape_cast %get3A_512 : vector<16xi32> to vector<16xi32>
        %dma_start3A_514 = arith.constant 2 : i32
        %dma_start3A_515 = arith.constant 64 : i32
        %dma_start3A_516 = arith.constant 0 : i32
        %dma_start3A_517 = tpu.memref_slice %arg9[%dma_start3A_515, %dma_start3A_516] : memref<128x64xf32, #tpu.memory_space<vmem>> -> memref<16x64xf32, #tpu.memory_space<vmem>>
        %dma_start3A_518 = arith.constant 0 : i32
        %dma_start3A_519 = arith.constant 0 : i32
        %dma_start3A_520 = tpu.memref_slice %arg3[%dma_start3A_518, %dma_start3A_519] : memref<1000000x64xf32, #tpu.memory_space<hbm>> -> memref<1000000x64xf32, #tpu.memory_space<hbm>>
        %dma_start3A_521 = tpu.memref_slice %arg13[%dma_start3A_514] : memref<5x!tpu.dma_semaphore, #tpu.memory_space<semaphore_mem>> -> memref<1x!tpu.dma_semaphore, #tpu.memory_space<semaphore_mem>>
        %dma_start3A_522 = tpu.memref_squeeze %dma_start3A_521 : memref<1x!tpu.dma_semaphore, #tpu.memory_space<semaphore_mem>> -> memref<!tpu.dma_semaphore, #tpu.memory_space<semaphore_mem>>
        tpu.enqueue_indirect_dma source(%dma_start3A_520 : memref<1000000x64xf32, #tpu.memory_space<hbm>>) target(%dma_start3A_517 : memref<16x64xf32, #tpu.memory_space<vmem>>) offsets(%get3A_513 : vector<16xi32>) semaphore(%dma_start3A_522 : memref<!tpu.dma_semaphore, #tpu.memory_space<semaphore_mem>>)
        %add3A_523 = arith.constant 80 : i32
        %add3A_524 = arith.addi %mul3A_452, %add3A_523 : i32
        %get3A_525 = arith.index_cast %add3A_524 : i32 to index
        %get3A_526 = tpu.vector_load %arg6[%get3A_525] {strides = array<i32>} : memref<6400xi32, #tpu.memory_space<vmem>>, vector<16xi32>,
        %get3A_527 = vector.shape_cast %get3A_526 : vector<16xi32> to vector<16xi32>
        %dma_start3A_528 = arith.constant 2 : i32
        %dma_start3A_529 = arith.constant 80 : i32
        %dma_start3A_530 = arith.constant 0 : i32
        %dma_start3A_531 = tpu.memref_slice %arg9[%dma_start3A_529, %dma_start3A_530] : memref<128x64xf32, #tpu.memory_space<vmem>> -> memref<16x64xf32, #tpu.memory_space<vmem>>
        %dma_start3A_532 = arith.constant 0 : i32
        %dma_start3A_533 = arith.constant 0 : i32
        %dma_start3A_534 = tpu.memref_slice %arg3[%dma_start3A_532, %dma_start3A_533] : memref<1000000x64xf32, #tpu.memory_space<hbm>> -> memref<1000000x64xf32, #tpu.memory_space<hbm>>
        %dma_start3A_535 = tpu.memref_slice %arg13[%dma_start3A_528] : memref<5x!tpu.dma_semaphore, #tpu.memory_space<semaphore_mem>> -> memref<1x!tpu.dma_semaphore, #tpu.memory_space<semaphore_mem>>
        %dma_start3A_536 = tpu.memref_squeeze %dma_start3A_535 : memref<1x!tpu.dma_semaphore, #tpu.memory_space<semaphore_mem>> -> memref<!tpu.dma_semaphore, #tpu.memory_space<semaphore_mem>>
        tpu.enqueue_indirect_dma source(%dma_start3A_534 : memref<1000000x64xf32, #tpu.memory_space<hbm>>) target(%dma_start3A_531 : memref<16x64xf32, #tpu.memory_space<vmem>>) offsets(%get3A_527 : vector<16xi32>) semaphore(%dma_start3A_536 : memref<!tpu.dma_semaphore, #tpu.memory_space<semaphore_mem>>)
        %add3A_537 = arith.constant 96 : i32
        %add3A_538 = arith.addi %mul3A_452, %add3A_537 : i32
        %get3A_539 = arith.index_cast %add3A_538 : i32 to index
        %get3A_540 = tpu.vector_load %arg6[%get3A_539] {strides = array<i32>} : memref<6400xi32, #tpu.memory_space<vmem>>, vector<16xi32>,
        %get3A_541 = vector.shape_cast %get3A_540 : vector<16xi32> to vector<16xi32>
        %dma_start3A_542 = arith.constant 2 : i32
        %dma_start3A_543 = arith.constant 96 : i32
        %dma_start3A_544 = arith.constant 0 : i32
        %dma_start3A_545 = tpu.memref_slice %arg9[%dma_start3A_543, %dma_start3A_544] : memref<128x64xf32, #tpu.memory_space<vmem>> -> memref<16x64xf32, #tpu.memory_space<vmem>>
        %dma_start3A_546 = arith.constant 0 : i32
        %dma_start3A_547 = arith.constant 0 : i32
        %dma_start3A_548 = tpu.memref_slice %arg3[%dma_start3A_546, %dma_start3A_547] : memref<1000000x64xf32, #tpu.memory_space<hbm>> -> memref<1000000x64xf32, #tpu.memory_space<hbm>>
        %dma_start3A_549 = tpu.memref_slice %arg13[%dma_start3A_542] : memref<5x!tpu.dma_semaphore, #tpu.memory_space<semaphore_mem>> -> memref<1x!tpu.dma_semaphore, #tpu.memory_space<semaphore_mem>>
        %dma_start3A_550 = tpu.memref_squeeze %dma_start3A_549 : memref<1x!tpu.dma_semaphore, #tpu.memory_space<semaphore_mem>> -> memref<!tpu.dma_semaphore, #tpu.memory_space<semaphore_mem>>
        tpu.enqueue_indirect_dma source(%dma_start3A_548 : memref<1000000x64xf32, #tpu.memory_space<hbm>>) target(%dma_start3A_545 : memref<16x64xf32, #tpu.memory_space<vmem>>) offsets(%get3A_541 : vector<16xi32>) semaphore(%dma_start3A_550 : memref<!tpu.dma_semaphore, #tpu.memory_space<semaphore_mem>>)
        %add3A_551 = arith.constant 112 : i32
        %add3A_552 = arith.addi %mul3A_452, %add3A_551 : i32
        %get3A_553 = arith.index_cast %add3A_552 : i32 to index
        %get3A_554 = tpu.vector_load %arg6[%get3A_553] {strides = array<i32>} : memref<6400xi32, #tpu.memory_space<vmem>>, vector<16xi32>,
        %get3A_555 = vector.shape_cast %get3A_554 : vector<16xi32> to vector<16xi32>
        %dma_start3A_556 = arith.constant 2 : i32
        %dma_start3A_557 = arith.constant 112 : i32
        %dma_start3A_558 = arith.constant 0 : i32
        %dma_start3A_559 = tpu.memref_slice %arg9[%dma_start3A_557, %dma_start3A_558] : memref<128x64xf32, #tpu.memory_space<vmem>> -> memref<16x64xf32, #tpu.memory_space<vmem>>
        %dma_start3A_560 = arith.constant 0 : i32
        %dma_start3A_561 = arith.constant 0 : i32
        %dma_start3A_562 = tpu.memref_slice %arg3[%dma_start3A_560, %dma_start3A_561] : memref<1000000x64xf32, #tpu.memory_space<hbm>> -> memref<1000000x64xf32, #tpu.memory_space<hbm>>
        %dma_start3A_563 = tpu.memref_slice %arg13[%dma_start3A_556] : memref<5x!tpu.dma_semaphore, #tpu.memory_space<semaphore_mem>> -> memref<1x!tpu.dma_semaphore, #tpu.memory_space<semaphore_mem>>
        %dma_start3A_564 = tpu.memref_squeeze %dma_start3A_563 : memref<1x!tpu.dma_semaphore, #tpu.memory_space<semaphore_mem>> -> memref<!tpu.dma_semaphore, #tpu.memory_space<semaphore_mem>>
        tpu.enqueue_indirect_dma source(%dma_start3A_562 : memref<1000000x64xf32, #tpu.memory_space<hbm>>) target(%dma_start3A_559 : memref<16x64xf32, #tpu.memory_space<vmem>>) offsets(%get3A_555 : vector<16xi32>) semaphore(%dma_start3A_564 : memref<!tpu.dma_semaphore, #tpu.memory_space<semaphore_mem>>)
      } else {
      }
      %dma_wait3A_239 = arith.constant 0 : i32
      %dma_wait3A_240 = arith.constant 0 : i32
      %dma_wait3A_241 = arith.constant 0 : i32
      %dma_wait3A_242 = tpu.memref_slice %arg3[%dma_wait3A_240, %dma_wait3A_241] : memref<1000000x64xf32, #tpu.memory_space<hbm>> -> memref<128x64xf32, #tpu.memory_space<hbm>>
      %dma_wait3A_243 = tpu.memref_slice %arg13[%dma_wait3A_239] : memref<5x!tpu.dma_semaphore, #tpu.memory_space<semaphore_mem>> -> memref<1x!tpu.dma_semaphore, #tpu.memory_space<semaphore_mem>>
      %dma_wait3A_244 = tpu.memref_squeeze %dma_wait3A_243 : memref<1x!tpu.dma_semaphore, #tpu.memory_space<semaphore_mem>> -> memref<!tpu.dma_semaphore, #tpu.memory_space<semaphore_mem>>
      %dma_wait3A_245 = arith.constant 0 : i32
      %dma_wait3A_246 = arith.constant 0 : i32
      %dma_wait3A_247 = tpu.memref_slice %arg3[%dma_wait3A_245, %dma_wait3A_246] : memref<1000000x64xf32, #tpu.memory_space<hbm>> -> memref<128x64xf32, #tpu.memory_space<hbm>>
      tpu.wait_dma2 semaphore(%dma_wait3A_244 : memref<!tpu.dma_semaphore, #tpu.memory_space<semaphore_mem>>) src(%dma_wait3A_247 : memref<128x64xf32, #tpu.memory_space<hbm>>) dst(%arg7 : memref<128x64xf32, #tpu.memory_space<vmem>>)
      %mul3A_248 = arith.constant 128 : i32
      %mul3A_249 = arith.muli %add3A_228, %mul3A_248 : i32
      %add3A_250 = arith.addi %mul3A_2, %mul3A_249 : i32
      %rem3A = arith.constant 200 : i32
      %rem3A_251 = arith.remsi %add3A_250, %rem3A : i32
      %parallel_loop3A = arith.constant 0 : i32
      %parallel_loop3A_252 = arith.constant 128 : i32
      %parallel_loop3A_253 = arith.constant 1 : i32
      scf.for %parallel_loop3A_449 = %parallel_loop3A to %parallel_loop3A_252 step %parallel_loop3A_253  : i32 {
        %parallel_loop3A_450 = arith.addi %rem3A_251, %parallel_loop3A_449 : i32
        %parallel_loop3A_451 = arith.constant 64 : i32
        %parallel_loop3A_452 = arith.muli %parallel_loop3A_450, %parallel_loop3A_451 : i32
        %parallel_loop3A_453 = tpu.assume_multiple %parallel_loop3A_452, 64 : i32
        %parallel_loop3A_454 = arith.index_cast %parallel_loop3A_449 : i32 to index
        %parallel_loop3A_455 = arith.constant 0 : index
        %parallel_loop3A_456 = tpu.vector_load %arg7[%parallel_loop3A_454, %parallel_loop3A_455] {strides = array<i32>} : memref<128x64xf32, #tpu.memory_space<vmem>>, vector<1x16xf32>,
        %parallel_loop3A_457 = vector.shape_cast %parallel_loop3A_456 : vector<1x16xf32> to vector<16xf32>
        %parallel_loop3A_458 = arith.constant 8.000000e+00 : f32
        %parallel_loop3A_459 = vector.broadcast %parallel_loop3A_458 : f32 to vector<16xf32>
        %parallel_loop3A_460 = arith.mulf %parallel_loop3A_457, %parallel_loop3A_459 : vector<16xf32>
        %parallel_loop3A_461 = arith.constant 0 : i32
        %parallel_loop3A_462 = arith.addi %parallel_loop3A_453, %parallel_loop3A_461 : i32
        %parallel_loop3A_463 = arith.index_cast %parallel_loop3A_462 : i32 to index
        %parallel_loop3A_464 = tpu.vector_load %arg12[%parallel_loop3A_463] {strides = array<i32>} : memref<20992xf32, #tpu.memory_space<vmem>>, vector<16xf32>,
        %parallel_loop3A_465 = vector.shape_cast %parallel_loop3A_464 : vector<16xf32> to vector<16xf32>
        %parallel_loop3A_466 = arith.addf %parallel_loop3A_460, %parallel_loop3A_465 : vector<16xf32>
        %parallel_loop3A_467 = arith.index_cast %parallel_loop3A_449 : i32 to index
        %parallel_loop3A_468 = arith.constant 0 : index
        %parallel_loop3A_469 = tpu.vector_load %arg7[%parallel_loop3A_467, %parallel_loop3A_468] {strides = array<i32>} : memref<128x64xf32, #tpu.memory_space<vmem>>, vector<1x16xf32>,
        %parallel_loop3A_470 = vector.shape_cast %parallel_loop3A_469 : vector<1x16xf32> to vector<16xf32>
        %parallel_loop3A_471 = vector.shape_cast %parallel_loop3A_466 : vector<16xf32> to vector<1x16xf32>
        tpu.vector_store %arg7[%parallel_loop3A_467, %parallel_loop3A_468], %parallel_loop3A_471 {strides = array<i32>} : memref<128x64xf32, #tpu.memory_space<vmem>>, vector<1x16xf32>,
        %parallel_loop3A_472 = arith.index_cast %parallel_loop3A_449 : i32 to index
        %parallel_loop3A_473 = arith.constant 16 : index
        %parallel_loop3A_474 = tpu.vector_load %arg7[%parallel_loop3A_472, %parallel_loop3A_473] {strides = array<i32>} : memref<128x64xf32, #tpu.memory_space<vmem>>, vector<1x16xf32>,
        %parallel_loop3A_475 = vector.shape_cast %parallel_loop3A_474 : vector<1x16xf32> to vector<16xf32>
        %parallel_loop3A_476 = arith.constant 8.000000e+00 : f32
        %parallel_loop3A_477 = vector.broadcast %parallel_loop3A_476 : f32 to vector<16xf32>
        %parallel_loop3A_478 = arith.mulf %parallel_loop3A_475, %parallel_loop3A_477 : vector<16xf32>
        %parallel_loop3A_479 = arith.constant 16 : i32
        %parallel_loop3A_480 = arith.addi %parallel_loop3A_453, %parallel_loop3A_479 : i32
        %parallel_loop3A_481 = arith.index_cast %parallel_loop3A_480 : i32 to index
        %parallel_loop3A_482 = tpu.vector_load %arg12[%parallel_loop3A_481] {strides = array<i32>} : memref<20992xf32, #tpu.memory_space<vmem>>, vector<16xf32>,
        %parallel_loop3A_483 = vector.shape_cast %parallel_loop3A_482 : vector<16xf32> to vector<16xf32>
        %parallel_loop3A_484 = arith.addf %parallel_loop3A_478, %parallel_loop3A_483 : vector<16xf32>
        %parallel_loop3A_485 = arith.index_cast %parallel_loop3A_449 : i32 to index
        %parallel_loop3A_486 = arith.constant 16 : index
        %parallel_loop3A_487 = tpu.vector_load %arg7[%parallel_loop3A_485, %parallel_loop3A_486] {strides = array<i32>} : memref<128x64xf32, #tpu.memory_space<vmem>>, vector<1x16xf32>,
        %parallel_loop3A_488 = vector.shape_cast %parallel_loop3A_487 : vector<1x16xf32> to vector<16xf32>
        %parallel_loop3A_489 = vector.shape_cast %parallel_loop3A_484 : vector<16xf32> to vector<1x16xf32>
        tpu.vector_store %arg7[%parallel_loop3A_485, %parallel_loop3A_486], %parallel_loop3A_489 {strides = array<i32>} : memref<128x64xf32, #tpu.memory_space<vmem>>, vector<1x16xf32>,
        %parallel_loop3A_490 = arith.index_cast %parallel_loop3A_449 : i32 to index
        %parallel_loop3A_491 = arith.constant 32 : index
        %parallel_loop3A_492 = tpu.vector_load %arg7[%parallel_loop3A_490, %parallel_loop3A_491] {strides = array<i32>} : memref<128x64xf32, #tpu.memory_space<vmem>>, vector<1x16xf32>,
        %parallel_loop3A_493 = vector.shape_cast %parallel_loop3A_492 : vector<1x16xf32> to vector<16xf32>
        %parallel_loop3A_494 = arith.constant 8.000000e+00 : f32
        %parallel_loop3A_495 = vector.broadcast %parallel_loop3A_494 : f32 to vector<16xf32>
        %parallel_loop3A_496 = arith.mulf %parallel_loop3A_493, %parallel_loop3A_495 : vector<16xf32>
        %parallel_loop3A_497 = arith.constant 32 : i32
        %parallel_loop3A_498 = arith.addi %parallel_loop3A_453, %parallel_loop3A_497 : i32
        %parallel_loop3A_499 = arith.index_cast %parallel_loop3A_498 : i32 to index
        %parallel_loop3A_500 = tpu.vector_load %arg12[%parallel_loop3A_499] {strides = array<i32>} : memref<20992xf32, #tpu.memory_space<vmem>>, vector<16xf32>,
        %parallel_loop3A_501 = vector.shape_cast %parallel_loop3A_500 : vector<16xf32> to vector<16xf32>
        %parallel_loop3A_502 = arith.addf %parallel_loop3A_496, %parallel_loop3A_501 : vector<16xf32>
        %parallel_loop3A_503 = arith.index_cast %parallel_loop3A_449 : i32 to index
        %parallel_loop3A_504 = arith.constant 32 : index
        %parallel_loop3A_505 = tpu.vector_load %arg7[%parallel_loop3A_503, %parallel_loop3A_504] {strides = array<i32>} : memref<128x64xf32, #tpu.memory_space<vmem>>, vector<1x16xf32>,
        %parallel_loop3A_506 = vector.shape_cast %parallel_loop3A_505 : vector<1x16xf32> to vector<16xf32>
        %parallel_loop3A_507 = vector.shape_cast %parallel_loop3A_502 : vector<16xf32> to vector<1x16xf32>
        tpu.vector_store %arg7[%parallel_loop3A_503, %parallel_loop3A_504], %parallel_loop3A_507 {strides = array<i32>} : memref<128x64xf32, #tpu.memory_space<vmem>>, vector<1x16xf32>,
        %parallel_loop3A_508 = arith.index_cast %parallel_loop3A_449 : i32 to index
        %parallel_loop3A_509 = arith.constant 48 : index
        %parallel_loop3A_510 = tpu.vector_load %arg7[%parallel_loop3A_508, %parallel_loop3A_509] {strides = array<i32>} : memref<128x64xf32, #tpu.memory_space<vmem>>, vector<1x16xf32>,
        %parallel_loop3A_511 = vector.shape_cast %parallel_loop3A_510 : vector<1x16xf32> to vector<16xf32>
        %parallel_loop3A_512 = arith.constant 8.000000e+00 : f32
        %parallel_loop3A_513 = vector.broadcast %parallel_loop3A_512 : f32 to vector<16xf32>
        %parallel_loop3A_514 = arith.mulf %parallel_loop3A_511, %parallel_loop3A_513 : vector<16xf32>
        %parallel_loop3A_515 = arith.constant 48 : i32
        %parallel_loop3A_516 = arith.addi %parallel_loop3A_453, %parallel_loop3A_515 : i32
        %parallel_loop3A_517 = arith.index_cast %parallel_loop3A_516 : i32 to index
        %parallel_loop3A_518 = tpu.vector_load %arg12[%parallel_loop3A_517] {strides = array<i32>} : memref<20992xf32, #tpu.memory_space<vmem>>, vector<16xf32>,
        %parallel_loop3A_519 = vector.shape_cast %parallel_loop3A_518 : vector<16xf32> to vector<16xf32>
        %parallel_loop3A_520 = arith.addf %parallel_loop3A_514, %parallel_loop3A_519 : vector<16xf32>
        %parallel_loop3A_521 = arith.index_cast %parallel_loop3A_449 : i32 to index
        %parallel_loop3A_522 = arith.constant 48 : index
        %parallel_loop3A_523 = tpu.vector_load %arg7[%parallel_loop3A_521, %parallel_loop3A_522] {strides = array<i32>} : memref<128x64xf32, #tpu.memory_space<vmem>>, vector<1x16xf32>,
        %parallel_loop3A_524 = vector.shape_cast %parallel_loop3A_523 : vector<1x16xf32> to vector<16xf32>
        %parallel_loop3A_525 = vector.shape_cast %parallel_loop3A_520 : vector<16xf32> to vector<1x16xf32>
        tpu.vector_store %arg7[%parallel_loop3A_521, %parallel_loop3A_522], %parallel_loop3A_525 {strides = array<i32>} : memref<128x64xf32, #tpu.memory_space<vmem>>, vector<1x16xf32>,
      } {sc.loop_unroll_factor = 4 : i64, sc.parallel_access}
      %mul3A_254 = arith.constant 128 : i32
      %mul3A_255 = arith.muli %add3A_228, %mul3A_254 : i32
      %add3A_256 = arith.addi %mul3A_2, %mul3A_255 : i32
      %multiple_of3A_257 = tpu.assume_multiple %add3A_256, 128 : i32
      %dma_start3A_258 = arith.constant 0 : i32
      %dma_start3A_259 = arith.constant 0 : i32
      %dma_start3A_260 = tpu.memref_slice %arg5[%multiple_of3A_257, %dma_start3A_259] : memref<204800x64xf32, #tpu.memory_space<hbm>> -> memref<128x64xf32, #tpu.memory_space<hbm>>
      %dma_start3A_261 = tpu.memref_slice %arg14[%dma_start3A_258] : memref<5x!tpu.dma_semaphore, #tpu.memory_space<semaphore_mem>> -> memref<1x!tpu.dma_semaphore, #tpu.memory_space<semaphore_mem>>
      %dma_start3A_262 = tpu.memref_squeeze %dma_start3A_261 : memref<1x!tpu.dma_semaphore, #tpu.memory_space<semaphore_mem>> -> memref<!tpu.dma_semaphore, #tpu.memory_space<semaphore_mem>>
      %dma_start3A_263 = arith.constant 0 : i32
      %dma_start3A_264 = tpu.memref_slice %arg5[%multiple_of3A_257, %dma_start3A_263] : memref<204800x64xf32, #tpu.memory_space<hbm>> -> memref<128x64xf32, #tpu.memory_space<hbm>>
      tpu.enqueue_dma source(%arg7 : memref<128x64xf32, #tpu.memory_space<vmem>>) target(%dma_start3A_264 : memref<128x64xf32, #tpu.memory_space<hbm>>) target_semaphore(%dma_start3A_262 : memref<!tpu.dma_semaphore, #tpu.memory_space<semaphore_mem>>)
      %mul3A_265 = arith.constant 5 : i32
      %mul3A_266 = arith.muli %scan3A_224, %mul3A_265 : i32
      %add3A_267 = arith.constant 1 : i32
      %add3A_268 = arith.addi %mul3A_266, %add3A_267 : i32
      %add3A_269 = arith.constant 2 : i32
      %add3A_270 = arith.addi %add3A_268, %add3A_269 : i32
      %ge3A_271 = arith.constant 5 : i32
      %ge3A_272 = arith.cmpi sge, %add3A_270, %ge3A_271 : i32
      %convert_element_type3A_273 = arith.extui %ge3A_272 : i1 to i32
      %cond3A_274 = arith.constant 0 : i32
      %cond3A_275 = arith.cmpi ne, %convert_element_type3A_273, %cond3A_274 : i32
      scf.if %cond3A_275 {
        %dma_wait3A_449 = arith.constant 3 : i32
        %dma_wait3A_450 = arith.constant 0 : i32
        %dma_wait3A_451 = arith.constant 0 : i32
        %dma_wait3A_452 = tpu.memref_slice %arg5[%dma_wait3A_450, %dma_wait3A_451] : memref<204800x64xf32, #tpu.memory_space<hbm>> -> memref<128x64xf32, #tpu.memory_space<hbm>>
        %dma_wait3A_453 = tpu.memref_slice %arg14[%dma_wait3A_449] : memref<5x!tpu.dma_semaphore, #tpu.memory_space<semaphore_mem>> -> memref<1x!tpu.dma_semaphore, #tpu.memory_space<semaphore_mem>>
        %dma_wait3A_454 = tpu.memref_squeeze %dma_wait3A_453 : memref<1x!tpu.dma_semaphore, #tpu.memory_space<semaphore_mem>> -> memref<!tpu.dma_semaphore, #tpu.memory_space<semaphore_mem>>
        %dma_wait3A_455 = arith.constant 0 : i32
        %dma_wait3A_456 = arith.constant 0 : i32
        %dma_wait3A_457 = tpu.memref_slice %arg5[%dma_wait3A_455, %dma_wait3A_456] : memref<204800x64xf32, #tpu.memory_space<hbm>> -> memref<128x64xf32, #tpu.memory_space<hbm>>
        tpu.wait_dma2 semaphore(%dma_wait3A_454 : memref<!tpu.dma_semaphore, #tpu.memory_space<semaphore_mem>>) src(%arg10 : memref<128x64xf32, #tpu.memory_space<vmem>>) dst(%dma_wait3A_457 : memref<128x64xf32, #tpu.memory_space<hbm>>)
      } else {
      }
      %add3A_276 = arith.constant 2 : i32
      %add3A_277 = arith.addi %add3A_268, %add3A_276 : i32
      %lt3A_278 = arith.constant 50 : i32
      %lt3A_279 = arith.cmpi slt, %add3A_277, %lt3A_278 : i32
      %convert_element_type3A_280 = arith.extui %lt3A_279 : i1 to i32
      %cond3A_281 = arith.constant 0 : i32
      %cond3A_282 = arith.cmpi ne, %convert_element_type3A_280, %cond3A_281 : i32
      scf.if %cond3A_282 {
        %add3A_449 = arith.constant 2 : i32
        %add3A_450 = arith.addi %add3A_268, %add3A_449 : i32
        %mul3A_451 = arith.constant 128 : i32
        %mul3A_452 = arith.muli %add3A_450, %mul3A_451 : i32
        %add3A_453 = arith.constant 0 : i32
        %add3A_454 = arith.addi %mul3A_452, %add3A_453 : i32
        %get3A_455 = arith.index_cast %add3A_454 : i32 to index
        %get3A_456 = tpu.vector_load %arg6[%get3A_455] {strides = array<i32>} : memref<6400xi32, #tpu.memory_space<vmem>>, vector<16xi32>,
        %get3A_457 = vector.shape_cast %get3A_456 : vector<16xi32> to vector<16xi32>
        %dma_start3A_458 = arith.constant 3 : i32
        %dma_start3A_459 = arith.constant 0 : i32
        %dma_start3A_460 = arith.constant 0 : i32
        %dma_start3A_461 = tpu.memref_slice %arg10[%dma_start3A_459, %dma_start3A_460] : memref<128x64xf32, #tpu.memory_space<vmem>> -> memref<16x64xf32, #tpu.memory_space<vmem>>
        %dma_start3A_462 = arith.constant 0 : i32
        %dma_start3A_463 = arith.constant 0 : i32
        %dma_start3A_464 = tpu.memref_slice %arg3[%dma_start3A_462, %dma_start3A_463] : memref<1000000x64xf32, #tpu.memory_space<hbm>> -> memref<1000000x64xf32, #tpu.memory_space<hbm>>
        %dma_start3A_465 = tpu.memref_slice %arg13[%dma_start3A_458] : memref<5x!tpu.dma_semaphore, #tpu.memory_space<semaphore_mem>> -> memref<1x!tpu.dma_semaphore, #tpu.memory_space<semaphore_mem>>
        %dma_start3A_466 = tpu.memref_squeeze %dma_start3A_465 : memref<1x!tpu.dma_semaphore, #tpu.memory_space<semaphore_mem>> -> memref<!tpu.dma_semaphore, #tpu.memory_space<semaphore_mem>>
        tpu.enqueue_indirect_dma source(%dma_start3A_464 : memref<1000000x64xf32, #tpu.memory_space<hbm>>) target(%dma_start3A_461 : memref<16x64xf32, #tpu.memory_space<vmem>>) offsets(%get3A_457 : vector<16xi32>) semaphore(%dma_start3A_466 : memref<!tpu.dma_semaphore, #tpu.memory_space<semaphore_mem>>)
        %add3A_467 = arith.constant 16 : i32
        %add3A_468 = arith.addi %mul3A_452, %add3A_467 : i32
        %get3A_469 = arith.index_cast %add3A_468 : i32 to index
        %get3A_470 = tpu.vector_load %arg6[%get3A_469] {strides = array<i32>} : memref<6400xi32, #tpu.memory_space<vmem>>, vector<16xi32>,
        %get3A_471 = vector.shape_cast %get3A_470 : vector<16xi32> to vector<16xi32>
        %dma_start3A_472 = arith.constant 3 : i32
        %dma_start3A_473 = arith.constant 16 : i32
        %dma_start3A_474 = arith.constant 0 : i32
        %dma_start3A_475 = tpu.memref_slice %arg10[%dma_start3A_473, %dma_start3A_474] : memref<128x64xf32, #tpu.memory_space<vmem>> -> memref<16x64xf32, #tpu.memory_space<vmem>>
        %dma_start3A_476 = arith.constant 0 : i32
        %dma_start3A_477 = arith.constant 0 : i32
        %dma_start3A_478 = tpu.memref_slice %arg3[%dma_start3A_476, %dma_start3A_477] : memref<1000000x64xf32, #tpu.memory_space<hbm>> -> memref<1000000x64xf32, #tpu.memory_space<hbm>>
        %dma_start3A_479 = tpu.memref_slice %arg13[%dma_start3A_472] : memref<5x!tpu.dma_semaphore, #tpu.memory_space<semaphore_mem>> -> memref<1x!tpu.dma_semaphore, #tpu.memory_space<semaphore_mem>>
        %dma_start3A_480 = tpu.memref_squeeze %dma_start3A_479 : memref<1x!tpu.dma_semaphore, #tpu.memory_space<semaphore_mem>> -> memref<!tpu.dma_semaphore, #tpu.memory_space<semaphore_mem>>
        tpu.enqueue_indirect_dma source(%dma_start3A_478 : memref<1000000x64xf32, #tpu.memory_space<hbm>>) target(%dma_start3A_475 : memref<16x64xf32, #tpu.memory_space<vmem>>) offsets(%get3A_471 : vector<16xi32>) semaphore(%dma_start3A_480 : memref<!tpu.dma_semaphore, #tpu.memory_space<semaphore_mem>>)
        %add3A_481 = arith.constant 32 : i32
        %add3A_482 = arith.addi %mul3A_452, %add3A_481 : i32
        %get3A_483 = arith.index_cast %add3A_482 : i32 to index
        %get3A_484 = tpu.vector_load %arg6[%get3A_483] {strides = array<i32>} : memref<6400xi32, #tpu.memory_space<vmem>>, vector<16xi32>,
        %get3A_485 = vector.shape_cast %get3A_484 : vector<16xi32> to vector<16xi32>
        %dma_start3A_486 = arith.constant 3 : i32
        %dma_start3A_487 = arith.constant 32 : i32
        %dma_start3A_488 = arith.constant 0 : i32
        %dma_start3A_489 = tpu.memref_slice %arg10[%dma_start3A_487, %dma_start3A_488] : memref<128x64xf32, #tpu.memory_space<vmem>> -> memref<16x64xf32, #tpu.memory_space<vmem>>
        %dma_start3A_490 = arith.constant 0 : i32
        %dma_start3A_491 = arith.constant 0 : i32
        %dma_start3A_492 = tpu.memref_slice %arg3[%dma_start3A_490, %dma_start3A_491] : memref<1000000x64xf32, #tpu.memory_space<hbm>> -> memref<1000000x64xf32, #tpu.memory_space<hbm>>
        %dma_start3A_493 = tpu.memref_slice %arg13[%dma_start3A_486] : memref<5x!tpu.dma_semaphore, #tpu.memory_space<semaphore_mem>> -> memref<1x!tpu.dma_semaphore, #tpu.memory_space<semaphore_mem>>
        %dma_start3A_494 = tpu.memref_squeeze %dma_start3A_493 : memref<1x!tpu.dma_semaphore, #tpu.memory_space<semaphore_mem>> -> memref<!tpu.dma_semaphore, #tpu.memory_space<semaphore_mem>>
        tpu.enqueue_indirect_dma source(%dma_start3A_492 : memref<1000000x64xf32, #tpu.memory_space<hbm>>) target(%dma_start3A_489 : memref<16x64xf32, #tpu.memory_space<vmem>>) offsets(%get3A_485 : vector<16xi32>) semaphore(%dma_start3A_494 : memref<!tpu.dma_semaphore, #tpu.memory_space<semaphore_mem>>)
        %add3A_495 = arith.constant 48 : i32
        %add3A_496 = arith.addi %mul3A_452, %add3A_495 : i32
        %get3A_497 = arith.index_cast %add3A_496 : i32 to index
        %get3A_498 = tpu.vector_load %arg6[%get3A_497] {strides = array<i32>} : memref<6400xi32, #tpu.memory_space<vmem>>, vector<16xi32>,
        %get3A_499 = vector.shape_cast %get3A_498 : vector<16xi32> to vector<16xi32>
        %dma_start3A_500 = arith.constant 3 : i32
        %dma_start3A_501 = arith.constant 48 : i32
        %dma_start3A_502 = arith.constant 0 : i32
        %dma_start3A_503 = tpu.memref_slice %arg10[%dma_start3A_501, %dma_start3A_502] : memref<128x64xf32, #tpu.memory_space<vmem>> -> memref<16x64xf32, #tpu.memory_space<vmem>>
        %dma_start3A_504 = arith.constant 0 : i32
        %dma_start3A_505 = arith.constant 0 : i32
        %dma_start3A_506 = tpu.memref_slice %arg3[%dma_start3A_504, %dma_start3A_505] : memref<1000000x64xf32, #tpu.memory_space<hbm>> -> memref<1000000x64xf32, #tpu.memory_space<hbm>>
        %dma_start3A_507 = tpu.memref_slice %arg13[%dma_start3A_500] : memref<5x!tpu.dma_semaphore, #tpu.memory_space<semaphore_mem>> -> memref<1x!tpu.dma_semaphore, #tpu.memory_space<semaphore_mem>>
        %dma_start3A_508 = tpu.memref_squeeze %dma_start3A_507 : memref<1x!tpu.dma_semaphore, #tpu.memory_space<semaphore_mem>> -> memref<!tpu.dma_semaphore, #tpu.memory_space<semaphore_mem>>
        tpu.enqueue_indirect_dma source(%dma_start3A_506 : memref<1000000x64xf32, #tpu.memory_space<hbm>>) target(%dma_start3A_503 : memref<16x64xf32, #tpu.memory_space<vmem>>) offsets(%get3A_499 : vector<16xi32>) semaphore(%dma_start3A_508 : memref<!tpu.dma_semaphore, #tpu.memory_space<semaphore_mem>>)
        %add3A_509 = arith.constant 64 : i32
        %add3A_510 = arith.addi %mul3A_452, %add3A_509 : i32
        %get3A_511 = arith.index_cast %add3A_510 : i32 to index
        %get3A_512 = tpu.vector_load %arg6[%get3A_511] {strides = array<i32>} : memref<6400xi32, #tpu.memory_space<vmem>>, vector<16xi32>,
        %get3A_513 = vector.shape_cast %get3A_512 : vector<16xi32> to vector<16xi32>
        %dma_start3A_514 = arith.constant 3 : i32
        %dma_start3A_515 = arith.constant 64 : i32
        %dma_start3A_516 = arith.constant 0 : i32
        %dma_start3A_517 = tpu.memref_slice %arg10[%dma_start3A_515, %dma_start3A_516] : memref<128x64xf32, #tpu.memory_space<vmem>> -> memref<16x64xf32, #tpu.memory_space<vmem>>
        %dma_start3A_518 = arith.constant 0 : i32
        %dma_start3A_519 = arith.constant 0 : i32
        %dma_start3A_520 = tpu.memref_slice %arg3[%dma_start3A_518, %dma_start3A_519] : memref<1000000x64xf32, #tpu.memory_space<hbm>> -> memref<1000000x64xf32, #tpu.memory_space<hbm>>
        %dma_start3A_521 = tpu.memref_slice %arg13[%dma_start3A_514] : memref<5x!tpu.dma_semaphore, #tpu.memory_space<semaphore_mem>> -> memref<1x!tpu.dma_semaphore, #tpu.memory_space<semaphore_mem>>
        %dma_start3A_522 = tpu.memref_squeeze %dma_start3A_521 : memref<1x!tpu.dma_semaphore, #tpu.memory_space<semaphore_mem>> -> memref<!tpu.dma_semaphore, #tpu.memory_space<semaphore_mem>>
        tpu.enqueue_indirect_dma source(%dma_start3A_520 : memref<1000000x64xf32, #tpu.memory_space<hbm>>) target(%dma_start3A_517 : memref<16x64xf32, #tpu.memory_space<vmem>>) offsets(%get3A_513 : vector<16xi32>) semaphore(%dma_start3A_522 : memref<!tpu.dma_semaphore, #tpu.memory_space<semaphore_mem>>)
        %add3A_523 = arith.constant 80 : i32
        %add3A_524 = arith.addi %mul3A_452, %add3A_523 : i32
        %get3A_525 = arith.index_cast %add3A_524 : i32 to index
        %get3A_526 = tpu.vector_load %arg6[%get3A_525] {strides = array<i32>} : memref<6400xi32, #tpu.memory_space<vmem>>, vector<16xi32>,
        %get3A_527 = vector.shape_cast %get3A_526 : vector<16xi32> to vector<16xi32>
        %dma_start3A_528 = arith.constant 3 : i32
        %dma_start3A_529 = arith.constant 80 : i32
        %dma_start3A_530 = arith.constant 0 : i32
        %dma_start3A_531 = tpu.memref_slice %arg10[%dma_start3A_529, %dma_start3A_530] : memref<128x64xf32, #tpu.memory_space<vmem>> -> memref<16x64xf32, #tpu.memory_space<vmem>>
        %dma_start3A_532 = arith.constant 0 : i32
        %dma_start3A_533 = arith.constant 0 : i32
        %dma_start3A_534 = tpu.memref_slice %arg3[%dma_start3A_532, %dma_start3A_533] : memref<1000000x64xf32, #tpu.memory_space<hbm>> -> memref<1000000x64xf32, #tpu.memory_space<hbm>>
        %dma_start3A_535 = tpu.memref_slice %arg13[%dma_start3A_528] : memref<5x!tpu.dma_semaphore, #tpu.memory_space<semaphore_mem>> -> memref<1x!tpu.dma_semaphore, #tpu.memory_space<semaphore_mem>>
        %dma_start3A_536 = tpu.memref_squeeze %dma_start3A_535 : memref<1x!tpu.dma_semaphore, #tpu.memory_space<semaphore_mem>> -> memref<!tpu.dma_semaphore, #tpu.memory_space<semaphore_mem>>
        tpu.enqueue_indirect_dma source(%dma_start3A_534 : memref<1000000x64xf32, #tpu.memory_space<hbm>>) target(%dma_start3A_531 : memref<16x64xf32, #tpu.memory_space<vmem>>) offsets(%get3A_527 : vector<16xi32>) semaphore(%dma_start3A_536 : memref<!tpu.dma_semaphore, #tpu.memory_space<semaphore_mem>>)
        %add3A_537 = arith.constant 96 : i32
        %add3A_538 = arith.addi %mul3A_452, %add3A_537 : i32
        %get3A_539 = arith.index_cast %add3A_538 : i32 to index
        %get3A_540 = tpu.vector_load %arg6[%get3A_539] {strides = array<i32>} : memref<6400xi32, #tpu.memory_space<vmem>>, vector<16xi32>,
        %get3A_541 = vector.shape_cast %get3A_540 : vector<16xi32> to vector<16xi32>
        %dma_start3A_542 = arith.constant 3 : i32
        %dma_start3A_543 = arith.constant 96 : i32
        %dma_start3A_544 = arith.constant 0 : i32
        %dma_start3A_545 = tpu.memref_slice %arg10[%dma_start3A_543, %dma_start3A_544] : memref<128x64xf32, #tpu.memory_space<vmem>> -> memref<16x64xf32, #tpu.memory_space<vmem>>
        %dma_start3A_546 = arith.constant 0 : i32
        %dma_start3A_547 = arith.constant 0 : i32
        %dma_start3A_548 = tpu.memref_slice %arg3[%dma_start3A_546, %dma_start3A_547] : memref<1000000x64xf32, #tpu.memory_space<hbm>> -> memref<1000000x64xf32, #tpu.memory_space<hbm>>
        %dma_start3A_549 = tpu.memref_slice %arg13[%dma_start3A_542] : memref<5x!tpu.dma_semaphore, #tpu.memory_space<semaphore_mem>> -> memref<1x!tpu.dma_semaphore, #tpu.memory_space<semaphore_mem>>
        %dma_start3A_550 = tpu.memref_squeeze %dma_start3A_549 : memref<1x!tpu.dma_semaphore, #tpu.memory_space<semaphore_mem>> -> memref<!tpu.dma_semaphore, #tpu.memory_space<semaphore_mem>>
        tpu.enqueue_indirect_dma source(%dma_start3A_548 : memref<1000000x64xf32, #tpu.memory_space<hbm>>) target(%dma_start3A_545 : memref<16x64xf32, #tpu.memory_space<vmem>>) offsets(%get3A_541 : vector<16xi32>) semaphore(%dma_start3A_550 : memref<!tpu.dma_semaphore, #tpu.memory_space<semaphore_mem>>)
        %add3A_551 = arith.constant 112 : i32
        %add3A_552 = arith.addi %mul3A_452, %add3A_551 : i32
        %get3A_553 = arith.index_cast %add3A_552 : i32 to index
        %get3A_554 = tpu.vector_load %arg6[%get3A_553] {strides = array<i32>} : memref<6400xi32, #tpu.memory_space<vmem>>, vector<16xi32>,
        %get3A_555 = vector.shape_cast %get3A_554 : vector<16xi32> to vector<16xi32>
        %dma_start3A_556 = arith.constant 3 : i32
        %dma_start3A_557 = arith.constant 112 : i32
        %dma_start3A_558 = arith.constant 0 : i32
        %dma_start3A_559 = tpu.memref_slice %arg10[%dma_start3A_557, %dma_start3A_558] : memref<128x64xf32, #tpu.memory_space<vmem>> -> memref<16x64xf32, #tpu.memory_space<vmem>>
        %dma_start3A_560 = arith.constant 0 : i32
        %dma_start3A_561 = arith.constant 0 : i32
        %dma_start3A_562 = tpu.memref_slice %arg3[%dma_start3A_560, %dma_start3A_561] : memref<1000000x64xf32, #tpu.memory_space<hbm>> -> memref<1000000x64xf32, #tpu.memory_space<hbm>>
        %dma_start3A_563 = tpu.memref_slice %arg13[%dma_start3A_556] : memref<5x!tpu.dma_semaphore, #tpu.memory_space<semaphore_mem>> -> memref<1x!tpu.dma_semaphore, #tpu.memory_space<semaphore_mem>>
        %dma_start3A_564 = tpu.memref_squeeze %dma_start3A_563 : memref<1x!tpu.dma_semaphore, #tpu.memory_space<semaphore_mem>> -> memref<!tpu.dma_semaphore, #tpu.memory_space<semaphore_mem>>
        tpu.enqueue_indirect_dma source(%dma_start3A_562 : memref<1000000x64xf32, #tpu.memory_space<hbm>>) target(%dma_start3A_559 : memref<16x64xf32, #tpu.memory_space<vmem>>) offsets(%get3A_555 : vector<16xi32>) semaphore(%dma_start3A_564 : memref<!tpu.dma_semaphore, #tpu.memory_space<semaphore_mem>>)
      } else {
      }
      %dma_wait3A_283 = arith.constant 1 : i32
      %dma_wait3A_284 = arith.constant 0 : i32
      %dma_wait3A_285 = arith.constant 0 : i32
      %dma_wait3A_286 = tpu.memref_slice %arg3[%dma_wait3A_284, %dma_wait3A_285] : memref<1000000x64xf32, #tpu.memory_space<hbm>> -> memref<128x64xf32, #tpu.memory_space<hbm>>
      %dma_wait3A_287 = tpu.memref_slice %arg13[%dma_wait3A_283] : memref<5x!tpu.dma_semaphore, #tpu.memory_space<semaphore_mem>> -> memref<1x!tpu.dma_semaphore, #tpu.memory_space<semaphore_mem>>
      %dma_wait3A_288 = tpu.memref_squeeze %dma_wait3A_287 : memref<1x!tpu.dma_semaphore, #tpu.memory_space<semaphore_mem>> -> memref<!tpu.dma_semaphore, #tpu.memory_space<semaphore_mem>>
      %dma_wait3A_289 = arith.constant 0 : i32
      %dma_wait3A_290 = arith.constant 0 : i32
      %dma_wait3A_291 = tpu.memref_slice %arg3[%dma_wait3A_289, %dma_wait3A_290] : memref<1000000x64xf32, #tpu.memory_space<hbm>> -> memref<128x64xf32, #tpu.memory_space<hbm>>
      tpu.wait_dma2 semaphore(%dma_wait3A_288 : memref<!tpu.dma_semaphore, #tpu.memory_space<semaphore_mem>>) src(%dma_wait3A_291 : memref<128x64xf32, #tpu.memory_space<hbm>>) dst(%arg8 : memref<128x64xf32, #tpu.memory_space<vmem>>)
      %mul3A_292 = arith.constant 128 : i32
      %mul3A_293 = arith.muli %add3A_268, %mul3A_292 : i32
      %add3A_294 = arith.addi %mul3A_2, %mul3A_293 : i32
      %rem3A_295 = arith.constant 200 : i32
      %rem3A_296 = arith.remsi %add3A_294, %rem3A_295 : i32
      %parallel_loop3A_297 = arith.constant 0 : i32
      %parallel_loop3A_298 = arith.constant 128 : i32
      %parallel_loop3A_299 = arith.constant 1 : i32
      scf.for %parallel_loop3A_449 = %parallel_loop3A_297 to %parallel_loop3A_298 step %parallel_loop3A_299  : i32 {
        %parallel_loop3A_450 = arith.addi %rem3A_296, %parallel_loop3A_449 : i32
        %parallel_loop3A_451 = arith.constant 64 : i32
        %parallel_loop3A_452 = arith.muli %parallel_loop3A_450, %parallel_loop3A_451 : i32
        %parallel_loop3A_453 = tpu.assume_multiple %parallel_loop3A_452, 64 : i32
        %parallel_loop3A_454 = arith.index_cast %parallel_loop3A_449 : i32 to index
        %parallel_loop3A_455 = arith.constant 0 : index
        %parallel_loop3A_456 = tpu.vector_load %arg8[%parallel_loop3A_454, %parallel_loop3A_455] {strides = array<i32>} : memref<128x64xf32, #tpu.memory_space<vmem>>, vector<1x16xf32>,
        %parallel_loop3A_457 = vector.shape_cast %parallel_loop3A_456 : vector<1x16xf32> to vector<16xf32>
        %parallel_loop3A_458 = arith.constant 8.000000e+00 : f32
        %parallel_loop3A_459 = vector.broadcast %parallel_loop3A_458 : f32 to vector<16xf32>
        %parallel_loop3A_460 = arith.mulf %parallel_loop3A_457, %parallel_loop3A_459 : vector<16xf32>
        %parallel_loop3A_461 = arith.constant 0 : i32
        %parallel_loop3A_462 = arith.addi %parallel_loop3A_453, %parallel_loop3A_461 : i32
        %parallel_loop3A_463 = arith.index_cast %parallel_loop3A_462 : i32 to index
        %parallel_loop3A_464 = tpu.vector_load %arg12[%parallel_loop3A_463] {strides = array<i32>} : memref<20992xf32, #tpu.memory_space<vmem>>, vector<16xf32>,
        %parallel_loop3A_465 = vector.shape_cast %parallel_loop3A_464 : vector<16xf32> to vector<16xf32>
        %parallel_loop3A_466 = arith.addf %parallel_loop3A_460, %parallel_loop3A_465 : vector<16xf32>
        %parallel_loop3A_467 = arith.index_cast %parallel_loop3A_449 : i32 to index
        %parallel_loop3A_468 = arith.constant 0 : index
        %parallel_loop3A_469 = tpu.vector_load %arg8[%parallel_loop3A_467, %parallel_loop3A_468] {strides = array<i32>} : memref<128x64xf32, #tpu.memory_space<vmem>>, vector<1x16xf32>,
        %parallel_loop3A_470 = vector.shape_cast %parallel_loop3A_469 : vector<1x16xf32> to vector<16xf32>
        %parallel_loop3A_471 = vector.shape_cast %parallel_loop3A_466 : vector<16xf32> to vector<1x16xf32>
        tpu.vector_store %arg8[%parallel_loop3A_467, %parallel_loop3A_468], %parallel_loop3A_471 {strides = array<i32>} : memref<128x64xf32, #tpu.memory_space<vmem>>, vector<1x16xf32>,
        %parallel_loop3A_472 = arith.index_cast %parallel_loop3A_449 : i32 to index
        %parallel_loop3A_473 = arith.constant 16 : index
        %parallel_loop3A_474 = tpu.vector_load %arg8[%parallel_loop3A_472, %parallel_loop3A_473] {strides = array<i32>} : memref<128x64xf32, #tpu.memory_space<vmem>>, vector<1x16xf32>,
        %parallel_loop3A_475 = vector.shape_cast %parallel_loop3A_474 : vector<1x16xf32> to vector<16xf32>
        %parallel_loop3A_476 = arith.constant 8.000000e+00 : f32
        %parallel_loop3A_477 = vector.broadcast %parallel_loop3A_476 : f32 to vector<16xf32>
        %parallel_loop3A_478 = arith.mulf %parallel_loop3A_475, %parallel_loop3A_477 : vector<16xf32>
        %parallel_loop3A_479 = arith.constant 16 : i32
        %parallel_loop3A_480 = arith.addi %parallel_loop3A_453, %parallel_loop3A_479 : i32
        %parallel_loop3A_481 = arith.index_cast %parallel_loop3A_480 : i32 to index
        %parallel_loop3A_482 = tpu.vector_load %arg12[%parallel_loop3A_481] {strides = array<i32>} : memref<20992xf32, #tpu.memory_space<vmem>>, vector<16xf32>,
        %parallel_loop3A_483 = vector.shape_cast %parallel_loop3A_482 : vector<16xf32> to vector<16xf32>
        %parallel_loop3A_484 = arith.addf %parallel_loop3A_478, %parallel_loop3A_483 : vector<16xf32>
        %parallel_loop3A_485 = arith.index_cast %parallel_loop3A_449 : i32 to index
        %parallel_loop3A_486 = arith.constant 16 : index
        %parallel_loop3A_487 = tpu.vector_load %arg8[%parallel_loop3A_485, %parallel_loop3A_486] {strides = array<i32>} : memref<128x64xf32, #tpu.memory_space<vmem>>, vector<1x16xf32>,
        %parallel_loop3A_488 = vector.shape_cast %parallel_loop3A_487 : vector<1x16xf32> to vector<16xf32>
        %parallel_loop3A_489 = vector.shape_cast %parallel_loop3A_484 : vector<16xf32> to vector<1x16xf32>
        tpu.vector_store %arg8[%parallel_loop3A_485, %parallel_loop3A_486], %parallel_loop3A_489 {strides = array<i32>} : memref<128x64xf32, #tpu.memory_space<vmem>>, vector<1x16xf32>,
        %parallel_loop3A_490 = arith.index_cast %parallel_loop3A_449 : i32 to index
        %parallel_loop3A_491 = arith.constant 32 : index
        %parallel_loop3A_492 = tpu.vector_load %arg8[%parallel_loop3A_490, %parallel_loop3A_491] {strides = array<i32>} : memref<128x64xf32, #tpu.memory_space<vmem>>, vector<1x16xf32>,
        %parallel_loop3A_493 = vector.shape_cast %parallel_loop3A_492 : vector<1x16xf32> to vector<16xf32>
        %parallel_loop3A_494 = arith.constant 8.000000e+00 : f32
        %parallel_loop3A_495 = vector.broadcast %parallel_loop3A_494 : f32 to vector<16xf32>
        %parallel_loop3A_496 = arith.mulf %parallel_loop3A_493, %parallel_loop3A_495 : vector<16xf32>
        %parallel_loop3A_497 = arith.constant 32 : i32
        %parallel_loop3A_498 = arith.addi %parallel_loop3A_453, %parallel_loop3A_497 : i32
        %parallel_loop3A_499 = arith.index_cast %parallel_loop3A_498 : i32 to index
        %parallel_loop3A_500 = tpu.vector_load %arg12[%parallel_loop3A_499] {strides = array<i32>} : memref<20992xf32, #tpu.memory_space<vmem>>, vector<16xf32>,
        %parallel_loop3A_501 = vector.shape_cast %parallel_loop3A_500 : vector<16xf32> to vector<16xf32>
        %parallel_loop3A_502 = arith.addf %parallel_loop3A_496, %parallel_loop3A_501 : vector<16xf32>
        %parallel_loop3A_503 = arith.index_cast %parallel_loop3A_449 : i32 to index
        %parallel_loop3A_504 = arith.constant 32 : index
        %parallel_loop3A_505 = tpu.vector_load %arg8[%parallel_loop3A_503, %parallel_loop3A_504] {strides = array<i32>} : memref<128x64xf32, #tpu.memory_space<vmem>>, vector<1x16xf32>,
        %parallel_loop3A_506 = vector.shape_cast %parallel_loop3A_505 : vector<1x16xf32> to vector<16xf32>
        %parallel_loop3A_507 = vector.shape_cast %parallel_loop3A_502 : vector<16xf32> to vector<1x16xf32>
        tpu.vector_store %arg8[%parallel_loop3A_503, %parallel_loop3A_504], %parallel_loop3A_507 {strides = array<i32>} : memref<128x64xf32, #tpu.memory_space<vmem>>, vector<1x16xf32>,
        %parallel_loop3A_508 = arith.index_cast %parallel_loop3A_449 : i32 to index
        %parallel_loop3A_509 = arith.constant 48 : index
        %parallel_loop3A_510 = tpu.vector_load %arg8[%parallel_loop3A_508, %parallel_loop3A_509] {strides = array<i32>} : memref<128x64xf32, #tpu.memory_space<vmem>>, vector<1x16xf32>,
        %parallel_loop3A_511 = vector.shape_cast %parallel_loop3A_510 : vector<1x16xf32> to vector<16xf32>
        %parallel_loop3A_512 = arith.constant 8.000000e+00 : f32
        %parallel_loop3A_513 = vector.broadcast %parallel_loop3A_512 : f32 to vector<16xf32>
        %parallel_loop3A_514 = arith.mulf %parallel_loop3A_511, %parallel_loop3A_513 : vector<16xf32>
        %parallel_loop3A_515 = arith.constant 48 : i32
        %parallel_loop3A_516 = arith.addi %parallel_loop3A_453, %parallel_loop3A_515 : i32
        %parallel_loop3A_517 = arith.index_cast %parallel_loop3A_516 : i32 to index
        %parallel_loop3A_518 = tpu.vector_load %arg12[%parallel_loop3A_517] {strides = array<i32>} : memref<20992xf32, #tpu.memory_space<vmem>>, vector<16xf32>,
        %parallel_loop3A_519 = vector.shape_cast %parallel_loop3A_518 : vector<16xf32> to vector<16xf32>
        %parallel_loop3A_520 = arith.addf %parallel_loop3A_514, %parallel_loop3A_519 : vector<16xf32>
        %parallel_loop3A_521 = arith.index_cast %parallel_loop3A_449 : i32 to index
        %parallel_loop3A_522 = arith.constant 48 : index
        %parallel_loop3A_523 = tpu.vector_load %arg8[%parallel_loop3A_521, %parallel_loop3A_522] {strides = array<i32>} : memref<128x64xf32, #tpu.memory_space<vmem>>, vector<1x16xf32>,
        %parallel_loop3A_524 = vector.shape_cast %parallel_loop3A_523 : vector<1x16xf32> to vector<16xf32>
        %parallel_loop3A_525 = vector.shape_cast %parallel_loop3A_520 : vector<16xf32> to vector<1x16xf32>
        tpu.vector_store %arg8[%parallel_loop3A_521, %parallel_loop3A_522], %parallel_loop3A_525 {strides = array<i32>} : memref<128x64xf32, #tpu.memory_space<vmem>>, vector<1x16xf32>,
      } {sc.loop_unroll_factor = 4 : i64, sc.parallel_access}
      %mul3A_300 = arith.constant 128 : i32
      %mul3A_301 = arith.muli %add3A_268, %mul3A_300 : i32
      %add3A_302 = arith.addi %mul3A_2, %mul3A_301 : i32
      %multiple_of3A_303 = tpu.assume_multiple %add3A_302, 128 : i32
      %dma_start3A_304 = arith.constant 1 : i32
      %dma_start3A_305 = arith.constant 0 : i32
      %dma_start3A_306 = tpu.memref_slice %arg5[%multiple_of3A_303, %dma_start3A_305] : memref<204800x64xf32, #tpu.memory_space<hbm>> -> memref<128x64xf32, #tpu.memory_space<hbm>>
      %dma_start3A_307 = tpu.memref_slice %arg14[%dma_start3A_304] : memref<5x!tpu.dma_semaphore, #tpu.memory_space<semaphore_mem>> -> memref<1x!tpu.dma_semaphore, #tpu.memory_space<semaphore_mem>>
      %dma_start3A_308 = tpu.memref_squeeze %dma_start3A_307 : memref<1x!tpu.dma_semaphore, #tpu.memory_space<semaphore_mem>> -> memref<!tpu.dma_semaphore, #tpu.memory_space<semaphore_mem>>
      %dma_start3A_309 = arith.constant 0 : i32
      %dma_start3A_310 = tpu.memref_slice %arg5[%multiple_of3A_303, %dma_start3A_309] : memref<204800x64xf32, #tpu.memory_space<hbm>> -> memref<128x64xf32, #tpu.memory_space<hbm>>
      tpu.enqueue_dma source(%arg8 : memref<128x64xf32, #tpu.memory_space<vmem>>) target(%dma_start3A_310 : memref<128x64xf32, #tpu.memory_space<hbm>>) target_semaphore(%dma_start3A_308 : memref<!tpu.dma_semaphore, #tpu.memory_space<semaphore_mem>>)
      %mul3A_311 = arith.constant 5 : i32
      %mul3A_312 = arith.muli %scan3A_224, %mul3A_311 : i32
      %add3A_313 = arith.constant 2 : i32
      %add3A_314 = arith.addi %mul3A_312, %add3A_313 : i32
      %add3A_315 = arith.constant 2 : i32
      %add3A_316 = arith.addi %add3A_314, %add3A_315 : i32
      %ge3A_317 = arith.constant 5 : i32
      %ge3A_318 = arith.cmpi sge, %add3A_316, %ge3A_317 : i32
      %convert_element_type3A_319 = arith.extui %ge3A_318 : i1 to i32
      %cond3A_320 = arith.constant 0 : i32
      %cond3A_321 = arith.cmpi ne, %convert_element_type3A_319, %cond3A_320 : i32
      scf.if %cond3A_321 {
        %dma_wait3A_449 = arith.constant 4 : i32
        %dma_wait3A_450 = arith.constant 0 : i32
        %dma_wait3A_451 = arith.constant 0 : i32
        %dma_wait3A_452 = tpu.memref_slice %arg5[%dma_wait3A_450, %dma_wait3A_451] : memref<204800x64xf32, #tpu.memory_space<hbm>> -> memref<128x64xf32, #tpu.memory_space<hbm>>
        %dma_wait3A_453 = tpu.memref_slice %arg14[%dma_wait3A_449] : memref<5x!tpu.dma_semaphore, #tpu.memory_space<semaphore_mem>> -> memref<1x!tpu.dma_semaphore, #tpu.memory_space<semaphore_mem>>
        %dma_wait3A_454 = tpu.memref_squeeze %dma_wait3A_453 : memref<1x!tpu.dma_semaphore, #tpu.memory_space<semaphore_mem>> -> memref<!tpu.dma_semaphore, #tpu.memory_space<semaphore_mem>>
        %dma_wait3A_455 = arith.constant 0 : i32
        %dma_wait3A_456 = arith.constant 0 : i32
        %dma_wait3A_457 = tpu.memref_slice %arg5[%dma_wait3A_455, %dma_wait3A_456] : memref<204800x64xf32, #tpu.memory_space<hbm>> -> memref<128x64xf32, #tpu.memory_space<hbm>>
        tpu.wait_dma2 semaphore(%dma_wait3A_454 : memref<!tpu.dma_semaphore, #tpu.memory_space<semaphore_mem>>) src(%arg11 : memref<128x64xf32, #tpu.memory_space<vmem>>) dst(%dma_wait3A_457 : memref<128x64xf32, #tpu.memory_space<hbm>>)
      } else {
      }
      %add3A_322 = arith.constant 2 : i32
      %add3A_323 = arith.addi %add3A_314, %add3A_322 : i32
      %lt3A_324 = arith.constant 50 : i32
      %lt3A_325 = arith.cmpi slt, %add3A_323, %lt3A_324 : i32
      %convert_element_type3A_326 = arith.extui %lt3A_325 : i1 to i32
      %cond3A_327 = arith.constant 0 : i32
      %cond3A_328 = arith.cmpi ne, %convert_element_type3A_326, %cond3A_327 : i32
      scf.if %cond3A_328 {
        %add3A_449 = arith.constant 2 : i32
        %add3A_450 = arith.addi %add3A_314, %add3A_449 : i32
        %mul3A_451 = arith.constant 128 : i32
        %mul3A_452 = arith.muli %add3A_450, %mul3A_451 : i32
        %add3A_453 = arith.constant 0 : i32
        %add3A_454 = arith.addi %mul3A_452, %add3A_453 : i32
        %get3A_455 = arith.index_cast %add3A_454 : i32 to index
        %get3A_456 = tpu.vector_load %arg6[%get3A_455] {strides = array<i32>} : memref<6400xi32, #tpu.memory_space<vmem>>, vector<16xi32>,
        %get3A_457 = vector.shape_cast %get3A_456 : vector<16xi32> to vector<16xi32>
        %dma_start3A_458 = arith.constant 4 : i32
        %dma_start3A_459 = arith.constant 0 : i32
        %dma_start3A_460 = arith.constant 0 : i32
        %dma_start3A_461 = tpu.memref_slice %arg11[%dma_start3A_459, %dma_start3A_460] : memref<128x64xf32, #tpu.memory_space<vmem>> -> memref<16x64xf32, #tpu.memory_space<vmem>>
        %dma_start3A_462 = arith.constant 0 : i32
        %dma_start3A_463 = arith.constant 0 : i32
        %dma_start3A_464 = tpu.memref_slice %arg3[%dma_start3A_462, %dma_start3A_463] : memref<1000000x64xf32, #tpu.memory_space<hbm>> -> memref<1000000x64xf32, #tpu.memory_space<hbm>>
        %dma_start3A_465 = tpu.memref_slice %arg13[%dma_start3A_458] : memref<5x!tpu.dma_semaphore, #tpu.memory_space<semaphore_mem>> -> memref<1x!tpu.dma_semaphore, #tpu.memory_space<semaphore_mem>>
        %dma_start3A_466 = tpu.memref_squeeze %dma_start3A_465 : memref<1x!tpu.dma_semaphore, #tpu.memory_space<semaphore_mem>> -> memref<!tpu.dma_semaphore, #tpu.memory_space<semaphore_mem>>
        tpu.enqueue_indirect_dma source(%dma_start3A_464 : memref<1000000x64xf32, #tpu.memory_space<hbm>>) target(%dma_start3A_461 : memref<16x64xf32, #tpu.memory_space<vmem>>) offsets(%get3A_457 : vector<16xi32>) semaphore(%dma_start3A_466 : memref<!tpu.dma_semaphore, #tpu.memory_space<semaphore_mem>>)
        %add3A_467 = arith.constant 16 : i32
        %add3A_468 = arith.addi %mul3A_452, %add3A_467 : i32
        %get3A_469 = arith.index_cast %add3A_468 : i32 to index
        %get3A_470 = tpu.vector_load %arg6[%get3A_469] {strides = array<i32>} : memref<6400xi32, #tpu.memory_space<vmem>>, vector<16xi32>,
        %get3A_471 = vector.shape_cast %get3A_470 : vector<16xi32> to vector<16xi32>
        %dma_start3A_472 = arith.constant 4 : i32
        %dma_start3A_473 = arith.constant 16 : i32
        %dma_start3A_474 = arith.constant 0 : i32
        %dma_start3A_475 = tpu.memref_slice %arg11[%dma_start3A_473, %dma_start3A_474] : memref<128x64xf32, #tpu.memory_space<vmem>> -> memref<16x64xf32, #tpu.memory_space<vmem>>
        %dma_start3A_476 = arith.constant 0 : i32
        %dma_start3A_477 = arith.constant 0 : i32
        %dma_start3A_478 = tpu.memref_slice %arg3[%dma_start3A_476, %dma_start3A_477] : memref<1000000x64xf32, #tpu.memory_space<hbm>> -> memref<1000000x64xf32, #tpu.memory_space<hbm>>
        %dma_start3A_479 = tpu.memref_slice %arg13[%dma_start3A_472] : memref<5x!tpu.dma_semaphore, #tpu.memory_space<semaphore_mem>> -> memref<1x!tpu.dma_semaphore, #tpu.memory_space<semaphore_mem>>
        %dma_start3A_480 = tpu.memref_squeeze %dma_start3A_479 : memref<1x!tpu.dma_semaphore, #tpu.memory_space<semaphore_mem>> -> memref<!tpu.dma_semaphore, #tpu.memory_space<semaphore_mem>>
        tpu.enqueue_indirect_dma source(%dma_start3A_478 : memref<1000000x64xf32, #tpu.memory_space<hbm>>) target(%dma_start3A_475 : memref<16x64xf32, #tpu.memory_space<vmem>>) offsets(%get3A_471 : vector<16xi32>) semaphore(%dma_start3A_480 : memref<!tpu.dma_semaphore, #tpu.memory_space<semaphore_mem>>)
        %add3A_481 = arith.constant 32 : i32
        %add3A_482 = arith.addi %mul3A_452, %add3A_481 : i32
        %get3A_483 = arith.index_cast %add3A_482 : i32 to index
        %get3A_484 = tpu.vector_load %arg6[%get3A_483] {strides = array<i32>} : memref<6400xi32, #tpu.memory_space<vmem>>, vector<16xi32>,
        %get3A_485 = vector.shape_cast %get3A_484 : vector<16xi32> to vector<16xi32>
        %dma_start3A_486 = arith.constant 4 : i32
        %dma_start3A_487 = arith.constant 32 : i32
        %dma_start3A_488 = arith.constant 0 : i32
        %dma_start3A_489 = tpu.memref_slice %arg11[%dma_start3A_487, %dma_start3A_488] : memref<128x64xf32, #tpu.memory_space<vmem>> -> memref<16x64xf32, #tpu.memory_space<vmem>>
        %dma_start3A_490 = arith.constant 0 : i32
        %dma_start3A_491 = arith.constant 0 : i32
        %dma_start3A_492 = tpu.memref_slice %arg3[%dma_start3A_490, %dma_start3A_491] : memref<1000000x64xf32, #tpu.memory_space<hbm>> -> memref<1000000x64xf32, #tpu.memory_space<hbm>>
        %dma_start3A_493 = tpu.memref_slice %arg13[%dma_start3A_486] : memref<5x!tpu.dma_semaphore, #tpu.memory_space<semaphore_mem>> -> memref<1x!tpu.dma_semaphore, #tpu.memory_space<semaphore_mem>>
        %dma_start3A_494 = tpu.memref_squeeze %dma_start3A_493 : memref<1x!tpu.dma_semaphore, #tpu.memory_space<semaphore_mem>> -> memref<!tpu.dma_semaphore, #tpu.memory_space<semaphore_mem>>
        tpu.enqueue_indirect_dma source(%dma_start3A_492 : memref<1000000x64xf32, #tpu.memory_space<hbm>>) target(%dma_start3A_489 : memref<16x64xf32, #tpu.memory_space<vmem>>) offsets(%get3A_485 : vector<16xi32>) semaphore(%dma_start3A_494 : memref<!tpu.dma_semaphore, #tpu.memory_space<semaphore_mem>>)
        %add3A_495 = arith.constant 48 : i32
        %add3A_496 = arith.addi %mul3A_452, %add3A_495 : i32
        %get3A_497 = arith.index_cast %add3A_496 : i32 to index
        %get3A_498 = tpu.vector_load %arg6[%get3A_497] {strides = array<i32>} : memref<6400xi32, #tpu.memory_space<vmem>>, vector<16xi32>,
        %get3A_499 = vector.shape_cast %get3A_498 : vector<16xi32> to vector<16xi32>
        %dma_start3A_500 = arith.constant 4 : i32
        %dma_start3A_501 = arith.constant 48 : i32
        %dma_start3A_502 = arith.constant 0 : i32
        %dma_start3A_503 = tpu.memref_slice %arg11[%dma_start3A_501, %dma_start3A_502] : memref<128x64xf32, #tpu.memory_space<vmem>> -> memref<16x64xf32, #tpu.memory_space<vmem>>
        %dma_start3A_504 = arith.constant 0 : i32
        %dma_start3A_505 = arith.constant 0 : i32
        %dma_start3A_506 = tpu.memref_slice %arg3[%dma_start3A_504, %dma_start3A_505] : memref<1000000x64xf32, #tpu.memory_space<hbm>> -> memref<1000000x64xf32, #tpu.memory_space<hbm>>
        %dma_start3A_507 = tpu.memref_slice %arg13[%dma_start3A_500] : memref<5x!tpu.dma_semaphore, #tpu.memory_space<semaphore_mem>> -> memref<1x!tpu.dma_semaphore, #tpu.memory_space<semaphore_mem>>
        %dma_start3A_508 = tpu.memref_squeeze %dma_start3A_507 : memref<1x!tpu.dma_semaphore, #tpu.memory_space<semaphore_mem>> -> memref<!tpu.dma_semaphore, #tpu.memory_space<semaphore_mem>>
        tpu.enqueue_indirect_dma source(%dma_start3A_506 : memref<1000000x64xf32, #tpu.memory_space<hbm>>) target(%dma_start3A_503 : memref<16x64xf32, #tpu.memory_space<vmem>>) offsets(%get3A_499 : vector<16xi32>) semaphore(%dma_start3A_508 : memref<!tpu.dma_semaphore, #tpu.memory_space<semaphore_mem>>)
        %add3A_509 = arith.constant 64 : i32
        %add3A_510 = arith.addi %mul3A_452, %add3A_509 : i32
        %get3A_511 = arith.index_cast %add3A_510 : i32 to index
        %get3A_512 = tpu.vector_load %arg6[%get3A_511] {strides = array<i32>} : memref<6400xi32, #tpu.memory_space<vmem>>, vector<16xi32>,
        %get3A_513 = vector.shape_cast %get3A_512 : vector<16xi32> to vector<16xi32>
        %dma_start3A_514 = arith.constant 4 : i32
        %dma_start3A_515 = arith.constant 64 : i32
        %dma_start3A_516 = arith.constant 0 : i32
        %dma_start3A_517 = tpu.memref_slice %arg11[%dma_start3A_515, %dma_start3A_516] : memref<128x64xf32, #tpu.memory_space<vmem>> -> memref<16x64xf32, #tpu.memory_space<vmem>>
        %dma_start3A_518 = arith.constant 0 : i32
        %dma_start3A_519 = arith.constant 0 : i32
        %dma_start3A_520 = tpu.memref_slice %arg3[%dma_start3A_518, %dma_start3A_519] : memref<1000000x64xf32, #tpu.memory_space<hbm>> -> memref<1000000x64xf32, #tpu.memory_space<hbm>>
        %dma_start3A_521 = tpu.memref_slice %arg13[%dma_start3A_514] : memref<5x!tpu.dma_semaphore, #tpu.memory_space<semaphore_mem>> -> memref<1x!tpu.dma_semaphore, #tpu.memory_space<semaphore_mem>>
        %dma_start3A_522 = tpu.memref_squeeze %dma_start3A_521 : memref<1x!tpu.dma_semaphore, #tpu.memory_space<semaphore_mem>> -> memref<!tpu.dma_semaphore, #tpu.memory_space<semaphore_mem>>
        tpu.enqueue_indirect_dma source(%dma_start3A_520 : memref<1000000x64xf32, #tpu.memory_space<hbm>>) target(%dma_start3A_517 : memref<16x64xf32, #tpu.memory_space<vmem>>) offsets(%get3A_513 : vector<16xi32>) semaphore(%dma_start3A_522 : memref<!tpu.dma_semaphore, #tpu.memory_space<semaphore_mem>>)
        %add3A_523 = arith.constant 80 : i32
        %add3A_524 = arith.addi %mul3A_452, %add3A_523 : i32
        %get3A_525 = arith.index_cast %add3A_524 : i32 to index
        %get3A_526 = tpu.vector_load %arg6[%get3A_525] {strides = array<i32>} : memref<6400xi32, #tpu.memory_space<vmem>>, vector<16xi32>,
        %get3A_527 = vector.shape_cast %get3A_526 : vector<16xi32> to vector<16xi32>
        %dma_start3A_528 = arith.constant 4 : i32
        %dma_start3A_529 = arith.constant 80 : i32
        %dma_start3A_530 = arith.constant 0 : i32
        %dma_start3A_531 = tpu.memref_slice %arg11[%dma_start3A_529, %dma_start3A_530] : memref<128x64xf32, #tpu.memory_space<vmem>> -> memref<16x64xf32, #tpu.memory_space<vmem>>
        %dma_start3A_532 = arith.constant 0 : i32
        %dma_start3A_533 = arith.constant 0 : i32
        %dma_start3A_534 = tpu.memref_slice %arg3[%dma_start3A_532, %dma_start3A_533] : memref<1000000x64xf32, #tpu.memory_space<hbm>> -> memref<1000000x64xf32, #tpu.memory_space<hbm>>
        %dma_start3A_535 = tpu.memref_slice %arg13[%dma_start3A_528] : memref<5x!tpu.dma_semaphore, #tpu.memory_space<semaphore_mem>> -> memref<1x!tpu.dma_semaphore, #tpu.memory_space<semaphore_mem>>
        %dma_start3A_536 = tpu.memref_squeeze %dma_start3A_535 : memref<1x!tpu.dma_semaphore, #tpu.memory_space<semaphore_mem>> -> memref<!tpu.dma_semaphore, #tpu.memory_space<semaphore_mem>>
        tpu.enqueue_indirect_dma source(%dma_start3A_534 : memref<1000000x64xf32, #tpu.memory_space<hbm>>) target(%dma_start3A_531 : memref<16x64xf32, #tpu.memory_space<vmem>>) offsets(%get3A_527 : vector<16xi32>) semaphore(%dma_start3A_536 : memref<!tpu.dma_semaphore, #tpu.memory_space<semaphore_mem>>)
        %add3A_537 = arith.constant 96 : i32
        %add3A_538 = arith.addi %mul3A_452, %add3A_537 : i32
        %get3A_539 = arith.index_cast %add3A_538 : i32 to index
        %get3A_540 = tpu.vector_load %arg6[%get3A_539] {strides = array<i32>} : memref<6400xi32, #tpu.memory_space<vmem>>, vector<16xi32>,
        %get3A_541 = vector.shape_cast %get3A_540 : vector<16xi32> to vector<16xi32>
        %dma_start3A_542 = arith.constant 4 : i32
        %dma_start3A_543 = arith.constant 96 : i32
        %dma_start3A_544 = arith.constant 0 : i32
        %dma_start3A_545 = tpu.memref_slice %arg11[%dma_start3A_543, %dma_start3A_544] : memref<128x64xf32, #tpu.memory_space<vmem>> -> memref<16x64xf32, #tpu.memory_space<vmem>>
        %dma_start3A_546 = arith.constant 0 : i32
        %dma_start3A_547 = arith.constant 0 : i32
        %dma_start3A_548 = tpu.memref_slice %arg3[%dma_start3A_546, %dma_start3A_547] : memref<1000000x64xf32, #tpu.memory_space<hbm>> -> memref<1000000x64xf32, #tpu.memory_space<hbm>>
        %dma_start3A_549 = tpu.memref_slice %arg13[%dma_start3A_542] : memref<5x!tpu.dma_semaphore, #tpu.memory_space<semaphore_mem>> -> memref<1x!tpu.dma_semaphore, #tpu.memory_space<semaphore_mem>>
        %dma_start3A_550 = tpu.memref_squeeze %dma_start3A_549 : memref<1x!tpu.dma_semaphore, #tpu.memory_space<semaphore_mem>> -> memref<!tpu.dma_semaphore, #tpu.memory_space<semaphore_mem>>
        tpu.enqueue_indirect_dma source(%dma_start3A_548 : memref<1000000x64xf32, #tpu.memory_space<hbm>>) target(%dma_start3A_545 : memref<16x64xf32, #tpu.memory_space<vmem>>) offsets(%get3A_541 : vector<16xi32>) semaphore(%dma_start3A_550 : memref<!tpu.dma_semaphore, #tpu.memory_space<semaphore_mem>>)
        %add3A_551 = arith.constant 112 : i32
        %add3A_552 = arith.addi %mul3A_452, %add3A_551 : i32
        %get3A_553 = arith.index_cast %add3A_552 : i32 to index
        %get3A_554 = tpu.vector_load %arg6[%get3A_553] {strides = array<i32>} : memref<6400xi32, #tpu.memory_space<vmem>>, vector<16xi32>,
        %get3A_555 = vector.shape_cast %get3A_554 : vector<16xi32> to vector<16xi32>
        %dma_start3A_556 = arith.constant 4 : i32
        %dma_start3A_557 = arith.constant 112 : i32
        %dma_start3A_558 = arith.constant 0 : i32
        %dma_start3A_559 = tpu.memref_slice %arg11[%dma_start3A_557, %dma_start3A_558] : memref<128x64xf32, #tpu.memory_space<vmem>> -> memref<16x64xf32, #tpu.memory_space<vmem>>
        %dma_start3A_560 = arith.constant 0 : i32
        %dma_start3A_561 = arith.constant 0 : i32
        %dma_start3A_562 = tpu.memref_slice %arg3[%dma_start3A_560, %dma_start3A_561] : memref<1000000x64xf32, #tpu.memory_space<hbm>> -> memref<1000000x64xf32, #tpu.memory_space<hbm>>
        %dma_start3A_563 = tpu.memref_slice %arg13[%dma_start3A_556] : memref<5x!tpu.dma_semaphore, #tpu.memory_space<semaphore_mem>> -> memref<1x!tpu.dma_semaphore, #tpu.memory_space<semaphore_mem>>
        %dma_start3A_564 = tpu.memref_squeeze %dma_start3A_563 : memref<1x!tpu.dma_semaphore, #tpu.memory_space<semaphore_mem>> -> memref<!tpu.dma_semaphore, #tpu.memory_space<semaphore_mem>>
        tpu.enqueue_indirect_dma source(%dma_start3A_562 : memref<1000000x64xf32, #tpu.memory_space<hbm>>) target(%dma_start3A_559 : memref<16x64xf32, #tpu.memory_space<vmem>>) offsets(%get3A_555 : vector<16xi32>) semaphore(%dma_start3A_564 : memref<!tpu.dma_semaphore, #tpu.memory_space<semaphore_mem>>)
      } else {
      }
      %dma_wait3A_329 = arith.constant 2 : i32
      %dma_wait3A_330 = arith.constant 0 : i32
      %dma_wait3A_331 = arith.constant 0 : i32
      %dma_wait3A_332 = tpu.memref_slice %arg3[%dma_wait3A_330, %dma_wait3A_331] : memref<1000000x64xf32, #tpu.memory_space<hbm>> -> memref<128x64xf32, #tpu.memory_space<hbm>>
      %dma_wait3A_333 = tpu.memref_slice %arg13[%dma_wait3A_329] : memref<5x!tpu.dma_semaphore, #tpu.memory_space<semaphore_mem>> -> memref<1x!tpu.dma_semaphore, #tpu.memory_space<semaphore_mem>>
      %dma_wait3A_334 = tpu.memref_squeeze %dma_wait3A_333 : memref<1x!tpu.dma_semaphore, #tpu.memory_space<semaphore_mem>> -> memref<!tpu.dma_semaphore, #tpu.memory_space<semaphore_mem>>
      %dma_wait3A_335 = arith.constant 0 : i32
      %dma_wait3A_336 = arith.constant 0 : i32
      %dma_wait3A_337 = tpu.memref_slice %arg3[%dma_wait3A_335, %dma_wait3A_336] : memref<1000000x64xf32, #tpu.memory_space<hbm>> -> memref<128x64xf32, #tpu.memory_space<hbm>>
      tpu.wait_dma2 semaphore(%dma_wait3A_334 : memref<!tpu.dma_semaphore, #tpu.memory_space<semaphore_mem>>) src(%dma_wait3A_337 : memref<128x64xf32, #tpu.memory_space<hbm>>) dst(%arg9 : memref<128x64xf32, #tpu.memory_space<vmem>>)
      %mul3A_338 = arith.constant 128 : i32
      %mul3A_339 = arith.muli %add3A_314, %mul3A_338 : i32
      %add3A_340 = arith.addi %mul3A_2, %mul3A_339 : i32
      %rem3A_341 = arith.constant 200 : i32
      %rem3A_342 = arith.remsi %add3A_340, %rem3A_341 : i32
      %parallel_loop3A_343 = arith.constant 0 : i32
      %parallel_loop3A_344 = arith.constant 128 : i32
      %parallel_loop3A_345 = arith.constant 1 : i32
      scf.for %parallel_loop3A_449 = %parallel_loop3A_343 to %parallel_loop3A_344 step %parallel_loop3A_345  : i32 {
        %parallel_loop3A_450 = arith.addi %rem3A_342, %parallel_loop3A_449 : i32
        %parallel_loop3A_451 = arith.constant 64 : i32
        %parallel_loop3A_452 = arith.muli %parallel_loop3A_450, %parallel_loop3A_451 : i32
        %parallel_loop3A_453 = tpu.assume_multiple %parallel_loop3A_452, 64 : i32
        %parallel_loop3A_454 = arith.index_cast %parallel_loop3A_449 : i32 to index
        %parallel_loop3A_455 = arith.constant 0 : index
        %parallel_loop3A_456 = tpu.vector_load %arg9[%parallel_loop3A_454, %parallel_loop3A_455] {strides = array<i32>} : memref<128x64xf32, #tpu.memory_space<vmem>>, vector<1x16xf32>,
        %parallel_loop3A_457 = vector.shape_cast %parallel_loop3A_456 : vector<1x16xf32> to vector<16xf32>
        %parallel_loop3A_458 = arith.constant 8.000000e+00 : f32
        %parallel_loop3A_459 = vector.broadcast %parallel_loop3A_458 : f32 to vector<16xf32>
        %parallel_loop3A_460 = arith.mulf %parallel_loop3A_457, %parallel_loop3A_459 : vector<16xf32>
        %parallel_loop3A_461 = arith.constant 0 : i32
        %parallel_loop3A_462 = arith.addi %parallel_loop3A_453, %parallel_loop3A_461 : i32
        %parallel_loop3A_463 = arith.index_cast %parallel_loop3A_462 : i32 to index
        %parallel_loop3A_464 = tpu.vector_load %arg12[%parallel_loop3A_463] {strides = array<i32>} : memref<20992xf32, #tpu.memory_space<vmem>>, vector<16xf32>,
        %parallel_loop3A_465 = vector.shape_cast %parallel_loop3A_464 : vector<16xf32> to vector<16xf32>
        %parallel_loop3A_466 = arith.addf %parallel_loop3A_460, %parallel_loop3A_465 : vector<16xf32>
        %parallel_loop3A_467 = arith.index_cast %parallel_loop3A_449 : i32 to index
        %parallel_loop3A_468 = arith.constant 0 : index
        %parallel_loop3A_469 = tpu.vector_load %arg9[%parallel_loop3A_467, %parallel_loop3A_468] {strides = array<i32>} : memref<128x64xf32, #tpu.memory_space<vmem>>, vector<1x16xf32>,
        %parallel_loop3A_470 = vector.shape_cast %parallel_loop3A_469 : vector<1x16xf32> to vector<16xf32>
        %parallel_loop3A_471 = vector.shape_cast %parallel_loop3A_466 : vector<16xf32> to vector<1x16xf32>
        tpu.vector_store %arg9[%parallel_loop3A_467, %parallel_loop3A_468], %parallel_loop3A_471 {strides = array<i32>} : memref<128x64xf32, #tpu.memory_space<vmem>>, vector<1x16xf32>,
        %parallel_loop3A_472 = arith.index_cast %parallel_loop3A_449 : i32 to index
        %parallel_loop3A_473 = arith.constant 16 : index
        %parallel_loop3A_474 = tpu.vector_load %arg9[%parallel_loop3A_472, %parallel_loop3A_473] {strides = array<i32>} : memref<128x64xf32, #tpu.memory_space<vmem>>, vector<1x16xf32>,
        %parallel_loop3A_475 = vector.shape_cast %parallel_loop3A_474 : vector<1x16xf32> to vector<16xf32>
        %parallel_loop3A_476 = arith.constant 8.000000e+00 : f32
        %parallel_loop3A_477 = vector.broadcast %parallel_loop3A_476 : f32 to vector<16xf32>
        %parallel_loop3A_478 = arith.mulf %parallel_loop3A_475, %parallel_loop3A_477 : vector<16xf32>
        %parallel_loop3A_479 = arith.constant 16 : i32
        %parallel_loop3A_480 = arith.addi %parallel_loop3A_453, %parallel_loop3A_479 : i32
        %parallel_loop3A_481 = arith.index_cast %parallel_loop3A_480 : i32 to index
        %parallel_loop3A_482 = tpu.vector_load %arg12[%parallel_loop3A_481] {strides = array<i32>} : memref<20992xf32, #tpu.memory_space<vmem>>, vector<16xf32>,
        %parallel_loop3A_483 = vector.shape_cast %parallel_loop3A_482 : vector<16xf32> to vector<16xf32>
        %parallel_loop3A_484 = arith.addf %parallel_loop3A_478, %parallel_loop3A_483 : vector<16xf32>
        %parallel_loop3A_485 = arith.index_cast %parallel_loop3A_449 : i32 to index
        %parallel_loop3A_486 = arith.constant 16 : index
        %parallel_loop3A_487 = tpu.vector_load %arg9[%parallel_loop3A_485, %parallel_loop3A_486] {strides = array<i32>} : memref<128x64xf32, #tpu.memory_space<vmem>>, vector<1x16xf32>,
        %parallel_loop3A_488 = vector.shape_cast %parallel_loop3A_487 : vector<1x16xf32> to vector<16xf32>
        %parallel_loop3A_489 = vector.shape_cast %parallel_loop3A_484 : vector<16xf32> to vector<1x16xf32>
        tpu.vector_store %arg9[%parallel_loop3A_485, %parallel_loop3A_486], %parallel_loop3A_489 {strides = array<i32>} : memref<128x64xf32, #tpu.memory_space<vmem>>, vector<1x16xf32>,
        %parallel_loop3A_490 = arith.index_cast %parallel_loop3A_449 : i32 to index
        %parallel_loop3A_491 = arith.constant 32 : index
        %parallel_loop3A_492 = tpu.vector_load %arg9[%parallel_loop3A_490, %parallel_loop3A_491] {strides = array<i32>} : memref<128x64xf32, #tpu.memory_space<vmem>>, vector<1x16xf32>,
        %parallel_loop3A_493 = vector.shape_cast %parallel_loop3A_492 : vector<1x16xf32> to vector<16xf32>
        %parallel_loop3A_494 = arith.constant 8.000000e+00 : f32
        %parallel_loop3A_495 = vector.broadcast %parallel_loop3A_494 : f32 to vector<16xf32>
        %parallel_loop3A_496 = arith.mulf %parallel_loop3A_493, %parallel_loop3A_495 : vector<16xf32>
        %parallel_loop3A_497 = arith.constant 32 : i32
        %parallel_loop3A_498 = arith.addi %parallel_loop3A_453, %parallel_loop3A_497 : i32
        %parallel_loop3A_499 = arith.index_cast %parallel_loop3A_498 : i32 to index
        %parallel_loop3A_500 = tpu.vector_load %arg12[%parallel_loop3A_499] {strides = array<i32>} : memref<20992xf32, #tpu.memory_space<vmem>>, vector<16xf32>,
        %parallel_loop3A_501 = vector.shape_cast %parallel_loop3A_500 : vector<16xf32> to vector<16xf32>
        %parallel_loop3A_502 = arith.addf %parallel_loop3A_496, %parallel_loop3A_501 : vector<16xf32>
        %parallel_loop3A_503 = arith.index_cast %parallel_loop3A_449 : i32 to index
        %parallel_loop3A_504 = arith.constant 32 : index
        %parallel_loop3A_505 = tpu.vector_load %arg9[%parallel_loop3A_503, %parallel_loop3A_504] {strides = array<i32>} : memref<128x64xf32, #tpu.memory_space<vmem>>, vector<1x16xf32>,
        %parallel_loop3A_506 = vector.shape_cast %parallel_loop3A_505 : vector<1x16xf32> to vector<16xf32>
        %parallel_loop3A_507 = vector.shape_cast %parallel_loop3A_502 : vector<16xf32> to vector<1x16xf32>
        tpu.vector_store %arg9[%parallel_loop3A_503, %parallel_loop3A_504], %parallel_loop3A_507 {strides = array<i32>} : memref<128x64xf32, #tpu.memory_space<vmem>>, vector<1x16xf32>,
        %parallel_loop3A_508 = arith.index_cast %parallel_loop3A_449 : i32 to index
        %parallel_loop3A_509 = arith.constant 48 : index
        %parallel_loop3A_510 = tpu.vector_load %arg9[%parallel_loop3A_508, %parallel_loop3A_509] {strides = array<i32>} : memref<128x64xf32, #tpu.memory_space<vmem>>, vector<1x16xf32>,
        %parallel_loop3A_511 = vector.shape_cast %parallel_loop3A_510 : vector<1x16xf32> to vector<16xf32>
        %parallel_loop3A_512 = arith.constant 8.000000e+00 : f32
        %parallel_loop3A_513 = vector.broadcast %parallel_loop3A_512 : f32 to vector<16xf32>
        %parallel_loop3A_514 = arith.mulf %parallel_loop3A_511, %parallel_loop3A_513 : vector<16xf32>
        %parallel_loop3A_515 = arith.constant 48 : i32
        %parallel_loop3A_516 = arith.addi %parallel_loop3A_453, %parallel_loop3A_515 : i32
        %parallel_loop3A_517 = arith.index_cast %parallel_loop3A_516 : i32 to index
        %parallel_loop3A_518 = tpu.vector_load %arg12[%parallel_loop3A_517] {strides = array<i32>} : memref<20992xf32, #tpu.memory_space<vmem>>, vector<16xf32>,
        %parallel_loop3A_519 = vector.shape_cast %parallel_loop3A_518 : vector<16xf32> to vector<16xf32>
        %parallel_loop3A_520 = arith.addf %parallel_loop3A_514, %parallel_loop3A_519 : vector<16xf32>
        %parallel_loop3A_521 = arith.index_cast %parallel_loop3A_449 : i32 to index
        %parallel_loop3A_522 = arith.constant 48 : index
        %parallel_loop3A_523 = tpu.vector_load %arg9[%parallel_loop3A_521, %parallel_loop3A_522] {strides = array<i32>} : memref<128x64xf32, #tpu.memory_space<vmem>>, vector<1x16xf32>,
        %parallel_loop3A_524 = vector.shape_cast %parallel_loop3A_523 : vector<1x16xf32> to vector<16xf32>
        %parallel_loop3A_525 = vector.shape_cast %parallel_loop3A_520 : vector<16xf32> to vector<1x16xf32>
        tpu.vector_store %arg9[%parallel_loop3A_521, %parallel_loop3A_522], %parallel_loop3A_525 {strides = array<i32>} : memref<128x64xf32, #tpu.memory_space<vmem>>, vector<1x16xf32>,
      } {sc.loop_unroll_factor = 4 : i64, sc.parallel_access}
      %mul3A_346 = arith.constant 128 : i32
      %mul3A_347 = arith.muli %add3A_314, %mul3A_346 : i32
      %add3A_348 = arith.addi %mul3A_2, %mul3A_347 : i32
      %multiple_of3A_349 = tpu.assume_multiple %add3A_348, 128 : i32
      %dma_start3A_350 = arith.constant 2 : i32
      %dma_start3A_351 = arith.constant 0 : i32
      %dma_start3A_352 = tpu.memref_slice %arg5[%multiple_of3A_349, %dma_start3A_351] : memref<204800x64xf32, #tpu.memory_space<hbm>> -> memref<128x64xf32, #tpu.memory_space<hbm>>
      %dma_start3A_353 = tpu.memref_slice %arg14[%dma_start3A_350] : memref<5x!tpu.dma_semaphore, #tpu.memory_space<semaphore_mem>> -> memref<1x!tpu.dma_semaphore, #tpu.memory_space<semaphore_mem>>
      %dma_start3A_354 = tpu.memref_squeeze %dma_start3A_353 : memref<1x!tpu.dma_semaphore, #tpu.memory_space<semaphore_mem>> -> memref<!tpu.dma_semaphore, #tpu.memory_space<semaphore_mem>>
      %dma_start3A_355 = arith.constant 0 : i32
      %dma_start3A_356 = tpu.memref_slice %arg5[%multiple_of3A_349, %dma_start3A_355] : memref<204800x64xf32, #tpu.memory_space<hbm>> -> memref<128x64xf32, #tpu.memory_space<hbm>>
      tpu.enqueue_dma source(%arg9 : memref<128x64xf32, #tpu.memory_space<vmem>>) target(%dma_start3A_356 : memref<128x64xf32, #tpu.memory_space<hbm>>) target_semaphore(%dma_start3A_354 : memref<!tpu.dma_semaphore, #tpu.memory_space<semaphore_mem>>)
      %mul3A_357 = arith.constant 5 : i32
      %mul3A_358 = arith.muli %scan3A_224, %mul3A_357 : i32
      %add3A_359 = arith.constant 3 : i32
      %add3A_360 = arith.addi %mul3A_358, %add3A_359 : i32
      %add3A_361 = arith.constant 2 : i32
      %add3A_362 = arith.addi %add3A_360, %add3A_361 : i32
      %ge3A_363 = arith.constant 5 : i32
      %ge3A_364 = arith.cmpi sge, %add3A_362, %ge3A_363 : i32
      %convert_element_type3A_365 = arith.extui %ge3A_364 : i1 to i32
      %cond3A_366 = arith.constant 0 : i32
      %cond3A_367 = arith.cmpi ne, %convert_element_type3A_365, %cond3A_366 : i32
      scf.if %cond3A_367 {
        %dma_wait3A_449 = arith.constant 0 : i32
        %dma_wait3A_450 = arith.constant 0 : i32
        %dma_wait3A_451 = arith.constant 0 : i32
        %dma_wait3A_452 = tpu.memref_slice %arg5[%dma_wait3A_450, %dma_wait3A_451] : memref<204800x64xf32, #tpu.memory_space<hbm>> -> memref<128x64xf32, #tpu.memory_space<hbm>>
        %dma_wait3A_453 = tpu.memref_slice %arg14[%dma_wait3A_449] : memref<5x!tpu.dma_semaphore, #tpu.memory_space<semaphore_mem>> -> memref<1x!tpu.dma_semaphore, #tpu.memory_space<semaphore_mem>>
        %dma_wait3A_454 = tpu.memref_squeeze %dma_wait3A_453 : memref<1x!tpu.dma_semaphore, #tpu.memory_space<semaphore_mem>> -> memref<!tpu.dma_semaphore, #tpu.memory_space<semaphore_mem>>
        %dma_wait3A_455 = arith.constant 0 : i32
        %dma_wait3A_456 = arith.constant 0 : i32
        %dma_wait3A_457 = tpu.memref_slice %arg5[%dma_wait3A_455, %dma_wait3A_456] : memref<204800x64xf32, #tpu.memory_space<hbm>> -> memref<128x64xf32, #tpu.memory_space<hbm>>
        tpu.wait_dma2 semaphore(%dma_wait3A_454 : memref<!tpu.dma_semaphore, #tpu.memory_space<semaphore_mem>>) src(%arg7 : memref<128x64xf32, #tpu.memory_space<vmem>>) dst(%dma_wait3A_457 : memref<128x64xf32, #tpu.memory_space<hbm>>)
      } else {
      }
      %add3A_368 = arith.constant 2 : i32
      %add3A_369 = arith.addi %add3A_360, %add3A_368 : i32
      %lt3A_370 = arith.constant 50 : i32
      %lt3A_371 = arith.cmpi slt, %add3A_369, %lt3A_370 : i32
      %convert_element_type3A_372 = arith.extui %lt3A_371 : i1 to i32
      %cond3A_373 = arith.constant 0 : i32
      %cond3A_374 = arith.cmpi ne, %convert_element_type3A_372, %cond3A_373 : i32
      scf.if %cond3A_374 {
        %add3A_449 = arith.constant 2 : i32
        %add3A_450 = arith.addi %add3A_360, %add3A_449 : i32
        %mul3A_451 = arith.constant 128 : i32
        %mul3A_452 = arith.muli %add3A_450, %mul3A_451 : i32
        %add3A_453 = arith.constant 0 : i32
        %add3A_454 = arith.addi %mul3A_452, %add3A_453 : i32
        %get3A_455 = arith.index_cast %add3A_454 : i32 to index
        %get3A_456 = tpu.vector_load %arg6[%get3A_455] {strides = array<i32>} : memref<6400xi32, #tpu.memory_space<vmem>>, vector<16xi32>,
        %get3A_457 = vector.shape_cast %get3A_456 : vector<16xi32> to vector<16xi32>
        %dma_start3A_458 = arith.constant 0 : i32
        %dma_start3A_459 = arith.constant 0 : i32
        %dma_start3A_460 = arith.constant 0 : i32
        %dma_start3A_461 = tpu.memref_slice %arg7[%dma_start3A_459, %dma_start3A_460] : memref<128x64xf32, #tpu.memory_space<vmem>> -> memref<16x64xf32, #tpu.memory_space<vmem>>
        %dma_start3A_462 = arith.constant 0 : i32
        %dma_start3A_463 = arith.constant 0 : i32
        %dma_start3A_464 = tpu.memref_slice %arg3[%dma_start3A_462, %dma_start3A_463] : memref<1000000x64xf32, #tpu.memory_space<hbm>> -> memref<1000000x64xf32, #tpu.memory_space<hbm>>
        %dma_start3A_465 = tpu.memref_slice %arg13[%dma_start3A_458] : memref<5x!tpu.dma_semaphore, #tpu.memory_space<semaphore_mem>> -> memref<1x!tpu.dma_semaphore, #tpu.memory_space<semaphore_mem>>
        %dma_start3A_466 = tpu.memref_squeeze %dma_start3A_465 : memref<1x!tpu.dma_semaphore, #tpu.memory_space<semaphore_mem>> -> memref<!tpu.dma_semaphore, #tpu.memory_space<semaphore_mem>>
        tpu.enqueue_indirect_dma source(%dma_start3A_464 : memref<1000000x64xf32, #tpu.memory_space<hbm>>) target(%dma_start3A_461 : memref<16x64xf32, #tpu.memory_space<vmem>>) offsets(%get3A_457 : vector<16xi32>) semaphore(%dma_start3A_466 : memref<!tpu.dma_semaphore, #tpu.memory_space<semaphore_mem>>)
        %add3A_467 = arith.constant 16 : i32
        %add3A_468 = arith.addi %mul3A_452, %add3A_467 : i32
        %get3A_469 = arith.index_cast %add3A_468 : i32 to index
        %get3A_470 = tpu.vector_load %arg6[%get3A_469] {strides = array<i32>} : memref<6400xi32, #tpu.memory_space<vmem>>, vector<16xi32>,
        %get3A_471 = vector.shape_cast %get3A_470 : vector<16xi32> to vector<16xi32>
        %dma_start3A_472 = arith.constant 0 : i32
        %dma_start3A_473 = arith.constant 16 : i32
        %dma_start3A_474 = arith.constant 0 : i32
        %dma_start3A_475 = tpu.memref_slice %arg7[%dma_start3A_473, %dma_start3A_474] : memref<128x64xf32, #tpu.memory_space<vmem>> -> memref<16x64xf32, #tpu.memory_space<vmem>>
        %dma_start3A_476 = arith.constant 0 : i32
        %dma_start3A_477 = arith.constant 0 : i32
        %dma_start3A_478 = tpu.memref_slice %arg3[%dma_start3A_476, %dma_start3A_477] : memref<1000000x64xf32, #tpu.memory_space<hbm>> -> memref<1000000x64xf32, #tpu.memory_space<hbm>>
        %dma_start3A_479 = tpu.memref_slice %arg13[%dma_start3A_472] : memref<5x!tpu.dma_semaphore, #tpu.memory_space<semaphore_mem>> -> memref<1x!tpu.dma_semaphore, #tpu.memory_space<semaphore_mem>>
        %dma_start3A_480 = tpu.memref_squeeze %dma_start3A_479 : memref<1x!tpu.dma_semaphore, #tpu.memory_space<semaphore_mem>> -> memref<!tpu.dma_semaphore, #tpu.memory_space<semaphore_mem>>
        tpu.enqueue_indirect_dma source(%dma_start3A_478 : memref<1000000x64xf32, #tpu.memory_space<hbm>>) target(%dma_start3A_475 : memref<16x64xf32, #tpu.memory_space<vmem>>) offsets(%get3A_471 : vector<16xi32>) semaphore(%dma_start3A_480 : memref<!tpu.dma_semaphore, #tpu.memory_space<semaphore_mem>>)
        %add3A_481 = arith.constant 32 : i32
        %add3A_482 = arith.addi %mul3A_452, %add3A_481 : i32
        %get3A_483 = arith.index_cast %add3A_482 : i32 to index
        %get3A_484 = tpu.vector_load %arg6[%get3A_483] {strides = array<i32>} : memref<6400xi32, #tpu.memory_space<vmem>>, vector<16xi32>,
        %get3A_485 = vector.shape_cast %get3A_484 : vector<16xi32> to vector<16xi32>
        %dma_start3A_486 = arith.constant 0 : i32
        %dma_start3A_487 = arith.constant 32 : i32
        %dma_start3A_488 = arith.constant 0 : i32
        %dma_start3A_489 = tpu.memref_slice %arg7[%dma_start3A_487, %dma_start3A_488] : memref<128x64xf32, #tpu.memory_space<vmem>> -> memref<16x64xf32, #tpu.memory_space<vmem>>
        %dma_start3A_490 = arith.constant 0 : i32
        %dma_start3A_491 = arith.constant 0 : i32
        %dma_start3A_492 = tpu.memref_slice %arg3[%dma_start3A_490, %dma_start3A_491] : memref<1000000x64xf32, #tpu.memory_space<hbm>> -> memref<1000000x64xf32, #tpu.memory_space<hbm>>
        %dma_start3A_493 = tpu.memref_slice %arg13[%dma_start3A_486] : memref<5x!tpu.dma_semaphore, #tpu.memory_space<semaphore_mem>> -> memref<1x!tpu.dma_semaphore, #tpu.memory_space<semaphore_mem>>
        %dma_start3A_494 = tpu.memref_squeeze %dma_start3A_493 : memref<1x!tpu.dma_semaphore, #tpu.memory_space<semaphore_mem>> -> memref<!tpu.dma_semaphore, #tpu.memory_space<semaphore_mem>>
        tpu.enqueue_indirect_dma source(%dma_start3A_492 : memref<1000000x64xf32, #tpu.memory_space<hbm>>) target(%dma_start3A_489 : memref<16x64xf32, #tpu.memory_space<vmem>>) offsets(%get3A_485 : vector<16xi32>) semaphore(%dma_start3A_494 : memref<!tpu.dma_semaphore, #tpu.memory_space<semaphore_mem>>)
        %add3A_495 = arith.constant 48 : i32
        %add3A_496 = arith.addi %mul3A_452, %add3A_495 : i32
        %get3A_497 = arith.index_cast %add3A_496 : i32 to index
        %get3A_498 = tpu.vector_load %arg6[%get3A_497] {strides = array<i32>} : memref<6400xi32, #tpu.memory_space<vmem>>, vector<16xi32>,
        %get3A_499 = vector.shape_cast %get3A_498 : vector<16xi32> to vector<16xi32>
        %dma_start3A_500 = arith.constant 0 : i32
        %dma_start3A_501 = arith.constant 48 : i32
        %dma_start3A_502 = arith.constant 0 : i32
        %dma_start3A_503 = tpu.memref_slice %arg7[%dma_start3A_501, %dma_start3A_502] : memref<128x64xf32, #tpu.memory_space<vmem>> -> memref<16x64xf32, #tpu.memory_space<vmem>>
        %dma_start3A_504 = arith.constant 0 : i32
        %dma_start3A_505 = arith.constant 0 : i32
        %dma_start3A_506 = tpu.memref_slice %arg3[%dma_start3A_504, %dma_start3A_505] : memref<1000000x64xf32, #tpu.memory_space<hbm>> -> memref<1000000x64xf32, #tpu.memory_space<hbm>>
        %dma_start3A_507 = tpu.memref_slice %arg13[%dma_start3A_500] : memref<5x!tpu.dma_semaphore, #tpu.memory_space<semaphore_mem>> -> memref<1x!tpu.dma_semaphore, #tpu.memory_space<semaphore_mem>>
        %dma_start3A_508 = tpu.memref_squeeze %dma_start3A_507 : memref<1x!tpu.dma_semaphore, #tpu.memory_space<semaphore_mem>> -> memref<!tpu.dma_semaphore, #tpu.memory_space<semaphore_mem>>
        tpu.enqueue_indirect_dma source(%dma_start3A_506 : memref<1000000x64xf32, #tpu.memory_space<hbm>>) target(%dma_start3A_503 : memref<16x64xf32, #tpu.memory_space<vmem>>) offsets(%get3A_499 : vector<16xi32>) semaphore(%dma_start3A_508 : memref<!tpu.dma_semaphore, #tpu.memory_space<semaphore_mem>>)
        %add3A_509 = arith.constant 64 : i32
        %add3A_510 = arith.addi %mul3A_452, %add3A_509 : i32
        %get3A_511 = arith.index_cast %add3A_510 : i32 to index
        %get3A_512 = tpu.vector_load %arg6[%get3A_511] {strides = array<i32>} : memref<6400xi32, #tpu.memory_space<vmem>>, vector<16xi32>,
        %get3A_513 = vector.shape_cast %get3A_512 : vector<16xi32> to vector<16xi32>
        %dma_start3A_514 = arith.constant 0 : i32
        %dma_start3A_515 = arith.constant 64 : i32
        %dma_start3A_516 = arith.constant 0 : i32
        %dma_start3A_517 = tpu.memref_slice %arg7[%dma_start3A_515, %dma_start3A_516] : memref<128x64xf32, #tpu.memory_space<vmem>> -> memref<16x64xf32, #tpu.memory_space<vmem>>
        %dma_start3A_518 = arith.constant 0 : i32
        %dma_start3A_519 = arith.constant 0 : i32
        %dma_start3A_520 = tpu.memref_slice %arg3[%dma_start3A_518, %dma_start3A_519] : memref<1000000x64xf32, #tpu.memory_space<hbm>> -> memref<1000000x64xf32, #tpu.memory_space<hbm>>
        %dma_start3A_521 = tpu.memref_slice %arg13[%dma_start3A_514] : memref<5x!tpu.dma_semaphore, #tpu.memory_space<semaphore_mem>> -> memref<1x!tpu.dma_semaphore, #tpu.memory_space<semaphore_mem>>
        %dma_start3A_522 = tpu.memref_squeeze %dma_start3A_521 : memref<1x!tpu.dma_semaphore, #tpu.memory_space<semaphore_mem>> -> memref<!tpu.dma_semaphore, #tpu.memory_space<semaphore_mem>>
        tpu.enqueue_indirect_dma source(%dma_start3A_520 : memref<1000000x64xf32, #tpu.memory_space<hbm>>) target(%dma_start3A_517 : memref<16x64xf32, #tpu.memory_space<vmem>>) offsets(%get3A_513 : vector<16xi32>) semaphore(%dma_start3A_522 : memref<!tpu.dma_semaphore, #tpu.memory_space<semaphore_mem>>)
        %add3A_523 = arith.constant 80 : i32
        %add3A_524 = arith.addi %mul3A_452, %add3A_523 : i32
        %get3A_525 = arith.index_cast %add3A_524 : i32 to index
        %get3A_526 = tpu.vector_load %arg6[%get3A_525] {strides = array<i32>} : memref<6400xi32, #tpu.memory_space<vmem>>, vector<16xi32>,
        %get3A_527 = vector.shape_cast %get3A_526 : vector<16xi32> to vector<16xi32>
        %dma_start3A_528 = arith.constant 0 : i32
        %dma_start3A_529 = arith.constant 80 : i32
        %dma_start3A_530 = arith.constant 0 : i32
        %dma_start3A_531 = tpu.memref_slice %arg7[%dma_start3A_529, %dma_start3A_530] : memref<128x64xf32, #tpu.memory_space<vmem>> -> memref<16x64xf32, #tpu.memory_space<vmem>>
        %dma_start3A_532 = arith.constant 0 : i32
        %dma_start3A_533 = arith.constant 0 : i32
        %dma_start3A_534 = tpu.memref_slice %arg3[%dma_start3A_532, %dma_start3A_533] : memref<1000000x64xf32, #tpu.memory_space<hbm>> -> memref<1000000x64xf32, #tpu.memory_space<hbm>>
        %dma_start3A_535 = tpu.memref_slice %arg13[%dma_start3A_528] : memref<5x!tpu.dma_semaphore, #tpu.memory_space<semaphore_mem>> -> memref<1x!tpu.dma_semaphore, #tpu.memory_space<semaphore_mem>>
        %dma_start3A_536 = tpu.memref_squeeze %dma_start3A_535 : memref<1x!tpu.dma_semaphore, #tpu.memory_space<semaphore_mem>> -> memref<!tpu.dma_semaphore, #tpu.memory_space<semaphore_mem>>
        tpu.enqueue_indirect_dma source(%dma_start3A_534 : memref<1000000x64xf32, #tpu.memory_space<hbm>>) target(%dma_start3A_531 : memref<16x64xf32, #tpu.memory_space<vmem>>) offsets(%get3A_527 : vector<16xi32>) semaphore(%dma_start3A_536 : memref<!tpu.dma_semaphore, #tpu.memory_space<semaphore_mem>>)
        %add3A_537 = arith.constant 96 : i32
        %add3A_538 = arith.addi %mul3A_452, %add3A_537 : i32
        %get3A_539 = arith.index_cast %add3A_538 : i32 to index
        %get3A_540 = tpu.vector_load %arg6[%get3A_539] {strides = array<i32>} : memref<6400xi32, #tpu.memory_space<vmem>>, vector<16xi32>,
        %get3A_541 = vector.shape_cast %get3A_540 : vector<16xi32> to vector<16xi32>
        %dma_start3A_542 = arith.constant 0 : i32
        %dma_start3A_543 = arith.constant 96 : i32
        %dma_start3A_544 = arith.constant 0 : i32
        %dma_start3A_545 = tpu.memref_slice %arg7[%dma_start3A_543, %dma_start3A_544] : memref<128x64xf32, #tpu.memory_space<vmem>> -> memref<16x64xf32, #tpu.memory_space<vmem>>
        %dma_start3A_546 = arith.constant 0 : i32
        %dma_start3A_547 = arith.constant 0 : i32
        %dma_start3A_548 = tpu.memref_slice %arg3[%dma_start3A_546, %dma_start3A_547] : memref<1000000x64xf32, #tpu.memory_space<hbm>> -> memref<1000000x64xf32, #tpu.memory_space<hbm>>
        %dma_start3A_549 = tpu.memref_slice %arg13[%dma_start3A_542] : memref<5x!tpu.dma_semaphore, #tpu.memory_space<semaphore_mem>> -> memref<1x!tpu.dma_semaphore, #tpu.memory_space<semaphore_mem>>
        %dma_start3A_550 = tpu.memref_squeeze %dma_start3A_549 : memref<1x!tpu.dma_semaphore, #tpu.memory_space<semaphore_mem>> -> memref<!tpu.dma_semaphore, #tpu.memory_space<semaphore_mem>>
        tpu.enqueue_indirect_dma source(%dma_start3A_548 : memref<1000000x64xf32, #tpu.memory_space<hbm>>) target(%dma_start3A_545 : memref<16x64xf32, #tpu.memory_space<vmem>>) offsets(%get3A_541 : vector<16xi32>) semaphore(%dma_start3A_550 : memref<!tpu.dma_semaphore, #tpu.memory_space<semaphore_mem>>)
        %add3A_551 = arith.constant 112 : i32
        %add3A_552 = arith.addi %mul3A_452, %add3A_551 : i32
        %get3A_553 = arith.index_cast %add3A_552 : i32 to index
        %get3A_554 = tpu.vector_load %arg6[%get3A_553] {strides = array<i32>} : memref<6400xi32, #tpu.memory_space<vmem>>, vector<16xi32>,
        %get3A_555 = vector.shape_cast %get3A_554 : vector<16xi32> to vector<16xi32>
        %dma_start3A_556 = arith.constant 0 : i32
        %dma_start3A_557 = arith.constant 112 : i32
        %dma_start3A_558 = arith.constant 0 : i32
        %dma_start3A_559 = tpu.memref_slice %arg7[%dma_start3A_557, %dma_start3A_558] : memref<128x64xf32, #tpu.memory_space<vmem>> -> memref<16x64xf32, #tpu.memory_space<vmem>>
        %dma_start3A_560 = arith.constant 0 : i32
        %dma_start3A_561 = arith.constant 0 : i32
        %dma_start3A_562 = tpu.memref_slice %arg3[%dma_start3A_560, %dma_start3A_561] : memref<1000000x64xf32, #tpu.memory_space<hbm>> -> memref<1000000x64xf32, #tpu.memory_space<hbm>>
        %dma_start3A_563 = tpu.memref_slice %arg13[%dma_start3A_556] : memref<5x!tpu.dma_semaphore, #tpu.memory_space<semaphore_mem>> -> memref<1x!tpu.dma_semaphore, #tpu.memory_space<semaphore_mem>>
        %dma_start3A_564 = tpu.memref_squeeze %dma_start3A_563 : memref<1x!tpu.dma_semaphore, #tpu.memory_space<semaphore_mem>> -> memref<!tpu.dma_semaphore, #tpu.memory_space<semaphore_mem>>
        tpu.enqueue_indirect_dma source(%dma_start3A_562 : memref<1000000x64xf32, #tpu.memory_space<hbm>>) target(%dma_start3A_559 : memref<16x64xf32, #tpu.memory_space<vmem>>) offsets(%get3A_555 : vector<16xi32>) semaphore(%dma_start3A_564 : memref<!tpu.dma_semaphore, #tpu.memory_space<semaphore_mem>>)
      } else {
      }
      %dma_wait3A_375 = arith.constant 3 : i32
      %dma_wait3A_376 = arith.constant 0 : i32
      %dma_wait3A_377 = arith.constant 0 : i32
      %dma_wait3A_378 = tpu.memref_slice %arg3[%dma_wait3A_376, %dma_wait3A_377] : memref<1000000x64xf32, #tpu.memory_space<hbm>> -> memref<128x64xf32, #tpu.memory_space<hbm>>
      %dma_wait3A_379 = tpu.memref_slice %arg13[%dma_wait3A_375] : memref<5x!tpu.dma_semaphore, #tpu.memory_space<semaphore_mem>> -> memref<1x!tpu.dma_semaphore, #tpu.memory_space<semaphore_mem>>
      %dma_wait3A_380 = tpu.memref_squeeze %dma_wait3A_379 : memref<1x!tpu.dma_semaphore, #tpu.memory_space<semaphore_mem>> -> memref<!tpu.dma_semaphore, #tpu.memory_space<semaphore_mem>>
      %dma_wait3A_381 = arith.constant 0 : i32
      %dma_wait3A_382 = arith.constant 0 : i32
      %dma_wait3A_383 = tpu.memref_slice %arg3[%dma_wait3A_381, %dma_wait3A_382] : memref<1000000x64xf32, #tpu.memory_space<hbm>> -> memref<128x64xf32, #tpu.memory_space<hbm>>
      tpu.wait_dma2 semaphore(%dma_wait3A_380 : memref<!tpu.dma_semaphore, #tpu.memory_space<semaphore_mem>>) src(%dma_wait3A_383 : memref<128x64xf32, #tpu.memory_space<hbm>>) dst(%arg10 : memref<128x64xf32, #tpu.memory_space<vmem>>)
      %mul3A_384 = arith.constant 128 : i32
      %mul3A_385 = arith.muli %add3A_360, %mul3A_384 : i32
      %add3A_386 = arith.addi %mul3A_2, %mul3A_385 : i32
      %rem3A_387 = arith.constant 200 : i32
      %rem3A_388 = arith.remsi %add3A_386, %rem3A_387 : i32
      %parallel_loop3A_389 = arith.constant 0 : i32
      %parallel_loop3A_390 = arith.constant 128 : i32
      %parallel_loop3A_391 = arith.constant 1 : i32
      scf.for %parallel_loop3A_449 = %parallel_loop3A_389 to %parallel_loop3A_390 step %parallel_loop3A_391  : i32 {
        %parallel_loop3A_450 = arith.addi %rem3A_388, %parallel_loop3A_449 : i32
        %parallel_loop3A_451 = arith.constant 64 : i32
        %parallel_loop3A_452 = arith.muli %parallel_loop3A_450, %parallel_loop3A_451 : i32
        %parallel_loop3A_453 = tpu.assume_multiple %parallel_loop3A_452, 64 : i32
        %parallel_loop3A_454 = arith.index_cast %parallel_loop3A_449 : i32 to index
        %parallel_loop3A_455 = arith.constant 0 : index
        %parallel_loop3A_456 = tpu.vector_load %arg10[%parallel_loop3A_454, %parallel_loop3A_455] {strides = array<i32>} : memref<128x64xf32, #tpu.memory_space<vmem>>, vector<1x16xf32>,
        %parallel_loop3A_457 = vector.shape_cast %parallel_loop3A_456 : vector<1x16xf32> to vector<16xf32>
        %parallel_loop3A_458 = arith.constant 8.000000e+00 : f32
        %parallel_loop3A_459 = vector.broadcast %parallel_loop3A_458 : f32 to vector<16xf32>
        %parallel_loop3A_460 = arith.mulf %parallel_loop3A_457, %parallel_loop3A_459 : vector<16xf32>
        %parallel_loop3A_461 = arith.constant 0 : i32
        %parallel_loop3A_462 = arith.addi %parallel_loop3A_453, %parallel_loop3A_461 : i32
        %parallel_loop3A_463 = arith.index_cast %parallel_loop3A_462 : i32 to index
        %parallel_loop3A_464 = tpu.vector_load %arg12[%parallel_loop3A_463] {strides = array<i32>} : memref<20992xf32, #tpu.memory_space<vmem>>, vector<16xf32>,
        %parallel_loop3A_465 = vector.shape_cast %parallel_loop3A_464 : vector<16xf32> to vector<16xf32>
        %parallel_loop3A_466 = arith.addf %parallel_loop3A_460, %parallel_loop3A_465 : vector<16xf32>
        %parallel_loop3A_467 = arith.index_cast %parallel_loop3A_449 : i32 to index
        %parallel_loop3A_468 = arith.constant 0 : index
        %parallel_loop3A_469 = tpu.vector_load %arg10[%parallel_loop3A_467, %parallel_loop3A_468] {strides = array<i32>} : memref<128x64xf32, #tpu.memory_space<vmem>>, vector<1x16xf32>,
        %parallel_loop3A_470 = vector.shape_cast %parallel_loop3A_469 : vector<1x16xf32> to vector<16xf32>
        %parallel_loop3A_471 = vector.shape_cast %parallel_loop3A_466 : vector<16xf32> to vector<1x16xf32>
        tpu.vector_store %arg10[%parallel_loop3A_467, %parallel_loop3A_468], %parallel_loop3A_471 {strides = array<i32>} : memref<128x64xf32, #tpu.memory_space<vmem>>, vector<1x16xf32>,
        %parallel_loop3A_472 = arith.index_cast %parallel_loop3A_449 : i32 to index
        %parallel_loop3A_473 = arith.constant 16 : index
        %parallel_loop3A_474 = tpu.vector_load %arg10[%parallel_loop3A_472, %parallel_loop3A_473] {strides = array<i32>} : memref<128x64xf32, #tpu.memory_space<vmem>>, vector<1x16xf32>,
        %parallel_loop3A_475 = vector.shape_cast %parallel_loop3A_474 : vector<1x16xf32> to vector<16xf32>
        %parallel_loop3A_476 = arith.constant 8.000000e+00 : f32
        %parallel_loop3A_477 = vector.broadcast %parallel_loop3A_476 : f32 to vector<16xf32>
        %parallel_loop3A_478 = arith.mulf %parallel_loop3A_475, %parallel_loop3A_477 : vector<16xf32>
        %parallel_loop3A_479 = arith.constant 16 : i32
        %parallel_loop3A_480 = arith.addi %parallel_loop3A_453, %parallel_loop3A_479 : i32
        %parallel_loop3A_481 = arith.index_cast %parallel_loop3A_480 : i32 to index
        %parallel_loop3A_482 = tpu.vector_load %arg12[%parallel_loop3A_481] {strides = array<i32>} : memref<20992xf32, #tpu.memory_space<vmem>>, vector<16xf32>,
        %parallel_loop3A_483 = vector.shape_cast %parallel_loop3A_482 : vector<16xf32> to vector<16xf32>
        %parallel_loop3A_484 = arith.addf %parallel_loop3A_478, %parallel_loop3A_483 : vector<16xf32>
        %parallel_loop3A_485 = arith.index_cast %parallel_loop3A_449 : i32 to index
        %parallel_loop3A_486 = arith.constant 16 : index
        %parallel_loop3A_487 = tpu.vector_load %arg10[%parallel_loop3A_485, %parallel_loop3A_486] {strides = array<i32>} : memref<128x64xf32, #tpu.memory_space<vmem>>, vector<1x16xf32>,
        %parallel_loop3A_488 = vector.shape_cast %parallel_loop3A_487 : vector<1x16xf32> to vector<16xf32>
        %parallel_loop3A_489 = vector.shape_cast %parallel_loop3A_484 : vector<16xf32> to vector<1x16xf32>
        tpu.vector_store %arg10[%parallel_loop3A_485, %parallel_loop3A_486], %parallel_loop3A_489 {strides = array<i32>} : memref<128x64xf32, #tpu.memory_space<vmem>>, vector<1x16xf32>,
        %parallel_loop3A_490 = arith.index_cast %parallel_loop3A_449 : i32 to index
        %parallel_loop3A_491 = arith.constant 32 : index
        %parallel_loop3A_492 = tpu.vector_load %arg10[%parallel_loop3A_490, %parallel_loop3A_491] {strides = array<i32>} : memref<128x64xf32, #tpu.memory_space<vmem>>, vector<1x16xf32>,
        %parallel_loop3A_493 = vector.shape_cast %parallel_loop3A_492 : vector<1x16xf32> to vector<16xf32>
        %parallel_loop3A_494 = arith.constant 8.000000e+00 : f32
        %parallel_loop3A_495 = vector.broadcast %parallel_loop3A_494 : f32 to vector<16xf32>
        %parallel_loop3A_496 = arith.mulf %parallel_loop3A_493, %parallel_loop3A_495 : vector<16xf32>
        %parallel_loop3A_497 = arith.constant 32 : i32
        %parallel_loop3A_498 = arith.addi %parallel_loop3A_453, %parallel_loop3A_497 : i32
        %parallel_loop3A_499 = arith.index_cast %parallel_loop3A_498 : i32 to index
        %parallel_loop3A_500 = tpu.vector_load %arg12[%parallel_loop3A_499] {strides = array<i32>} : memref<20992xf32, #tpu.memory_space<vmem>>, vector<16xf32>,
        %parallel_loop3A_501 = vector.shape_cast %parallel_loop3A_500 : vector<16xf32> to vector<16xf32>
        %parallel_loop3A_502 = arith.addf %parallel_loop3A_496, %parallel_loop3A_501 : vector<16xf32>
        %parallel_loop3A_503 = arith.index_cast %parallel_loop3A_449 : i32 to index
        %parallel_loop3A_504 = arith.constant 32 : index
        %parallel_loop3A_505 = tpu.vector_load %arg10[%parallel_loop3A_503, %parallel_loop3A_504] {strides = array<i32>} : memref<128x64xf32, #tpu.memory_space<vmem>>, vector<1x16xf32>,
        %parallel_loop3A_506 = vector.shape_cast %parallel_loop3A_505 : vector<1x16xf32> to vector<16xf32>
        %parallel_loop3A_507 = vector.shape_cast %parallel_loop3A_502 : vector<16xf32> to vector<1x16xf32>
        tpu.vector_store %arg10[%parallel_loop3A_503, %parallel_loop3A_504], %parallel_loop3A_507 {strides = array<i32>} : memref<128x64xf32, #tpu.memory_space<vmem>>, vector<1x16xf32>,
        %parallel_loop3A_508 = arith.index_cast %parallel_loop3A_449 : i32 to index
        %parallel_loop3A_509 = arith.constant 48 : index
        %parallel_loop3A_510 = tpu.vector_load %arg10[%parallel_loop3A_508, %parallel_loop3A_509] {strides = array<i32>} : memref<128x64xf32, #tpu.memory_space<vmem>>, vector<1x16xf32>,
        %parallel_loop3A_511 = vector.shape_cast %parallel_loop3A_510 : vector<1x16xf32> to vector<16xf32>
        %parallel_loop3A_512 = arith.constant 8.000000e+00 : f32
        %parallel_loop3A_513 = vector.broadcast %parallel_loop3A_512 : f32 to vector<16xf32>
        %parallel_loop3A_514 = arith.mulf %parallel_loop3A_511, %parallel_loop3A_513 : vector<16xf32>
        %parallel_loop3A_515 = arith.constant 48 : i32
        %parallel_loop3A_516 = arith.addi %parallel_loop3A_453, %parallel_loop3A_515 : i32
        %parallel_loop3A_517 = arith.index_cast %parallel_loop3A_516 : i32 to index
        %parallel_loop3A_518 = tpu.vector_load %arg12[%parallel_loop3A_517] {strides = array<i32>} : memref<20992xf32, #tpu.memory_space<vmem>>, vector<16xf32>,
        %parallel_loop3A_519 = vector.shape_cast %parallel_loop3A_518 : vector<16xf32> to vector<16xf32>
        %parallel_loop3A_520 = arith.addf %parallel_loop3A_514, %parallel_loop3A_519 : vector<16xf32>
        %parallel_loop3A_521 = arith.index_cast %parallel_loop3A_449 : i32 to index
        %parallel_loop3A_522 = arith.constant 48 : index
        %parallel_loop3A_523 = tpu.vector_load %arg10[%parallel_loop3A_521, %parallel_loop3A_522] {strides = array<i32>} : memref<128x64xf32, #tpu.memory_space<vmem>>, vector<1x16xf32>,
        %parallel_loop3A_524 = vector.shape_cast %parallel_loop3A_523 : vector<1x16xf32> to vector<16xf32>
        %parallel_loop3A_525 = vector.shape_cast %parallel_loop3A_520 : vector<16xf32> to vector<1x16xf32>
        tpu.vector_store %arg10[%parallel_loop3A_521, %parallel_loop3A_522], %parallel_loop3A_525 {strides = array<i32>} : memref<128x64xf32, #tpu.memory_space<vmem>>, vector<1x16xf32>,
      } {sc.loop_unroll_factor = 4 : i64, sc.parallel_access}
      %mul3A_392 = arith.constant 128 : i32
      %mul3A_393 = arith.muli %add3A_360, %mul3A_392 : i32
      %add3A_394 = arith.addi %mul3A_2, %mul3A_393 : i32
      %multiple_of3A_395 = tpu.assume_multiple %add3A_394, 128 : i32
      %dma_start3A_396 = arith.constant 3 : i32
      %dma_start3A_397 = arith.constant 0 : i32
      %dma_start3A_398 = tpu.memref_slice %arg5[%multiple_of3A_395, %dma_start3A_397] : memref<204800x64xf32, #tpu.memory_space<hbm>> -> memref<128x64xf32, #tpu.memory_space<hbm>>
      %dma_start3A_399 = tpu.memref_slice %arg14[%dma_start3A_396] : memref<5x!tpu.dma_semaphore, #tpu.memory_space<semaphore_mem>> -> memref<1x!tpu.dma_semaphore, #tpu.memory_space<semaphore_mem>>
      %dma_start3A_400 = tpu.memref_squeeze %dma_start3A_399 : memref<1x!tpu.dma_semaphore, #tpu.memory_space<semaphore_mem>> -> memref<!tpu.dma_semaphore, #tpu.memory_space<semaphore_mem>>
      %dma_start3A_401 = arith.constant 0 : i32
      %dma_start3A_402 = tpu.memref_slice %arg5[%multiple_of3A_395, %dma_start3A_401] : memref<204800x64xf32, #tpu.memory_space<hbm>> -> memref<128x64xf32, #tpu.memory_space<hbm>>
      tpu.enqueue_dma source(%arg10 : memref<128x64xf32, #tpu.memory_space<vmem>>) target(%dma_start3A_402 : memref<128x64xf32, #tpu.memory_space<hbm>>) target_semaphore(%dma_start3A_400 : memref<!tpu.dma_semaphore, #tpu.memory_space<semaphore_mem>>)
      %mul3A_403 = arith.constant 5 : i32
      %mul3A_404 = arith.muli %scan3A_224, %mul3A_403 : i32
      %add3A_405 = arith.constant 4 : i32
      %add3A_406 = arith.addi %mul3A_404, %add3A_405 : i32
      %add3A_407 = arith.constant 2 : i32
      %add3A_408 = arith.addi %add3A_406, %add3A_407 : i32
      %ge3A_409 = arith.constant 5 : i32
      %ge3A_410 = arith.cmpi sge, %add3A_408, %ge3A_409 : i32
      %convert_element_type3A_411 = arith.extui %ge3A_410 : i1 to i32
      %cond3A_412 = arith.constant 0 : i32
      %cond3A_413 = arith.cmpi ne, %convert_element_type3A_411, %cond3A_412 : i32
      scf.if %cond3A_413 {
        %dma_wait3A_449 = arith.constant 1 : i32
        %dma_wait3A_450 = arith.constant 0 : i32
        %dma_wait3A_451 = arith.constant 0 : i32
        %dma_wait3A_452 = tpu.memref_slice %arg5[%dma_wait3A_450, %dma_wait3A_451] : memref<204800x64xf32, #tpu.memory_space<hbm>> -> memref<128x64xf32, #tpu.memory_space<hbm>>
        %dma_wait3A_453 = tpu.memref_slice %arg14[%dma_wait3A_449] : memref<5x!tpu.dma_semaphore, #tpu.memory_space<semaphore_mem>> -> memref<1x!tpu.dma_semaphore, #tpu.memory_space<semaphore_mem>>
        %dma_wait3A_454 = tpu.memref_squeeze %dma_wait3A_453 : memref<1x!tpu.dma_semaphore, #tpu.memory_space<semaphore_mem>> -> memref<!tpu.dma_semaphore, #tpu.memory_space<semaphore_mem>>
        %dma_wait3A_455 = arith.constant 0 : i32
        %dma_wait3A_456 = arith.constant 0 : i32
        %dma_wait3A_457 = tpu.memref_slice %arg5[%dma_wait3A_455, %dma_wait3A_456] : memref<204800x64xf32, #tpu.memory_space<hbm>> -> memref<128x64xf32, #tpu.memory_space<hbm>>
        tpu.wait_dma2 semaphore(%dma_wait3A_454 : memref<!tpu.dma_semaphore, #tpu.memory_space<semaphore_mem>>) src(%arg8 : memref<128x64xf32, #tpu.memory_space<vmem>>) dst(%dma_wait3A_457 : memref<128x64xf32, #tpu.memory_space<hbm>>)
      } else {
      }
      %add3A_414 = arith.constant 2 : i32
      %add3A_415 = arith.addi %add3A_406, %add3A_414 : i32
      %lt3A_416 = arith.constant 50 : i32
      %lt3A_417 = arith.cmpi slt, %add3A_415, %lt3A_416 : i32
      %convert_element_type3A_418 = arith.extui %lt3A_417 : i1 to i32
      %cond3A_419 = arith.constant 0 : i32
      %cond3A_420 = arith.cmpi ne, %convert_element_type3A_418, %cond3A_419 : i32
      scf.if %cond3A_420 {
        %add3A_449 = arith.constant 2 : i32
        %add3A_450 = arith.addi %add3A_406, %add3A_449 : i32
        %mul3A_451 = arith.constant 128 : i32
        %mul3A_452 = arith.muli %add3A_450, %mul3A_451 : i32
        %add3A_453 = arith.constant 0 : i32
        %add3A_454 = arith.addi %mul3A_452, %add3A_453 : i32
        %get3A_455 = arith.index_cast %add3A_454 : i32 to index
        %get3A_456 = tpu.vector_load %arg6[%get3A_455] {strides = array<i32>} : memref<6400xi32, #tpu.memory_space<vmem>>, vector<16xi32>,
        %get3A_457 = vector.shape_cast %get3A_456 : vector<16xi32> to vector<16xi32>
        %dma_start3A_458 = arith.constant 1 : i32
        %dma_start3A_459 = arith.constant 0 : i32
        %dma_start3A_460 = arith.constant 0 : i32
        %dma_start3A_461 = tpu.memref_slice %arg8[%dma_start3A_459, %dma_start3A_460] : memref<128x64xf32, #tpu.memory_space<vmem>> -> memref<16x64xf32, #tpu.memory_space<vmem>>
        %dma_start3A_462 = arith.constant 0 : i32
        %dma_start3A_463 = arith.constant 0 : i32
        %dma_start3A_464 = tpu.memref_slice %arg3[%dma_start3A_462, %dma_start3A_463] : memref<1000000x64xf32, #tpu.memory_space<hbm>> -> memref<1000000x64xf32, #tpu.memory_space<hbm>>
        %dma_start3A_465 = tpu.memref_slice %arg13[%dma_start3A_458] : memref<5x!tpu.dma_semaphore, #tpu.memory_space<semaphore_mem>> -> memref<1x!tpu.dma_semaphore, #tpu.memory_space<semaphore_mem>>
        %dma_start3A_466 = tpu.memref_squeeze %dma_start3A_465 : memref<1x!tpu.dma_semaphore, #tpu.memory_space<semaphore_mem>> -> memref<!tpu.dma_semaphore, #tpu.memory_space<semaphore_mem>>
        tpu.enqueue_indirect_dma source(%dma_start3A_464 : memref<1000000x64xf32, #tpu.memory_space<hbm>>) target(%dma_start3A_461 : memref<16x64xf32, #tpu.memory_space<vmem>>) offsets(%get3A_457 : vector<16xi32>) semaphore(%dma_start3A_466 : memref<!tpu.dma_semaphore, #tpu.memory_space<semaphore_mem>>)
        %add3A_467 = arith.constant 16 : i32
        %add3A_468 = arith.addi %mul3A_452, %add3A_467 : i32
        %get3A_469 = arith.index_cast %add3A_468 : i32 to index
        %get3A_470 = tpu.vector_load %arg6[%get3A_469] {strides = array<i32>} : memref<6400xi32, #tpu.memory_space<vmem>>, vector<16xi32>,
        %get3A_471 = vector.shape_cast %get3A_470 : vector<16xi32> to vector<16xi32>
        %dma_start3A_472 = arith.constant 1 : i32
        %dma_start3A_473 = arith.constant 16 : i32
        %dma_start3A_474 = arith.constant 0 : i32
        %dma_start3A_475 = tpu.memref_slice %arg8[%dma_start3A_473, %dma_start3A_474] : memref<128x64xf32, #tpu.memory_space<vmem>> -> memref<16x64xf32, #tpu.memory_space<vmem>>
        %dma_start3A_476 = arith.constant 0 : i32
        %dma_start3A_477 = arith.constant 0 : i32
        %dma_start3A_478 = tpu.memref_slice %arg3[%dma_start3A_476, %dma_start3A_477] : memref<1000000x64xf32, #tpu.memory_space<hbm>> -> memref<1000000x64xf32, #tpu.memory_space<hbm>>
        %dma_start3A_479 = tpu.memref_slice %arg13[%dma_start3A_472] : memref<5x!tpu.dma_semaphore, #tpu.memory_space<semaphore_mem>> -> memref<1x!tpu.dma_semaphore, #tpu.memory_space<semaphore_mem>>
        %dma_start3A_480 = tpu.memref_squeeze %dma_start3A_479 : memref<1x!tpu.dma_semaphore, #tpu.memory_space<semaphore_mem>> -> memref<!tpu.dma_semaphore, #tpu.memory_space<semaphore_mem>>
        tpu.enqueue_indirect_dma source(%dma_start3A_478 : memref<1000000x64xf32, #tpu.memory_space<hbm>>) target(%dma_start3A_475 : memref<16x64xf32, #tpu.memory_space<vmem>>) offsets(%get3A_471 : vector<16xi32>) semaphore(%dma_start3A_480 : memref<!tpu.dma_semaphore, #tpu.memory_space<semaphore_mem>>)
        %add3A_481 = arith.constant 32 : i32
        %add3A_482 = arith.addi %mul3A_452, %add3A_481 : i32
        %get3A_483 = arith.index_cast %add3A_482 : i32 to index
        %get3A_484 = tpu.vector_load %arg6[%get3A_483] {strides = array<i32>} : memref<6400xi32, #tpu.memory_space<vmem>>, vector<16xi32>,
        %get3A_485 = vector.shape_cast %get3A_484 : vector<16xi32> to vector<16xi32>
        %dma_start3A_486 = arith.constant 1 : i32
        %dma_start3A_487 = arith.constant 32 : i32
        %dma_start3A_488 = arith.constant 0 : i32
        %dma_start3A_489 = tpu.memref_slice %arg8[%dma_start3A_487, %dma_start3A_488] : memref<128x64xf32, #tpu.memory_space<vmem>> -> memref<16x64xf32, #tpu.memory_space<vmem>>
        %dma_start3A_490 = arith.constant 0 : i32
        %dma_start3A_491 = arith.constant 0 : i32
        %dma_start3A_492 = tpu.memref_slice %arg3[%dma_start3A_490, %dma_start3A_491] : memref<1000000x64xf32, #tpu.memory_space<hbm>> -> memref<1000000x64xf32, #tpu.memory_space<hbm>>
        %dma_start3A_493 = tpu.memref_slice %arg13[%dma_start3A_486] : memref<5x!tpu.dma_semaphore, #tpu.memory_space<semaphore_mem>> -> memref<1x!tpu.dma_semaphore, #tpu.memory_space<semaphore_mem>>
        %dma_start3A_494 = tpu.memref_squeeze %dma_start3A_493 : memref<1x!tpu.dma_semaphore, #tpu.memory_space<semaphore_mem>> -> memref<!tpu.dma_semaphore, #tpu.memory_space<semaphore_mem>>
        tpu.enqueue_indirect_dma source(%dma_start3A_492 : memref<1000000x64xf32, #tpu.memory_space<hbm>>) target(%dma_start3A_489 : memref<16x64xf32, #tpu.memory_space<vmem>>) offsets(%get3A_485 : vector<16xi32>) semaphore(%dma_start3A_494 : memref<!tpu.dma_semaphore, #tpu.memory_space<semaphore_mem>>)
        %add3A_495 = arith.constant 48 : i32
        %add3A_496 = arith.addi %mul3A_452, %add3A_495 : i32
        %get3A_497 = arith.index_cast %add3A_496 : i32 to index
        %get3A_498 = tpu.vector_load %arg6[%get3A_497] {strides = array<i32>} : memref<6400xi32, #tpu.memory_space<vmem>>, vector<16xi32>,
        %get3A_499 = vector.shape_cast %get3A_498 : vector<16xi32> to vector<16xi32>
        %dma_start3A_500 = arith.constant 1 : i32
        %dma_start3A_501 = arith.constant 48 : i32
        %dma_start3A_502 = arith.constant 0 : i32
        %dma_start3A_503 = tpu.memref_slice %arg8[%dma_start3A_501, %dma_start3A_502] : memref<128x64xf32, #tpu.memory_space<vmem>> -> memref<16x64xf32, #tpu.memory_space<vmem>>
        %dma_start3A_504 = arith.constant 0 : i32
        %dma_start3A_505 = arith.constant 0 : i32
        %dma_start3A_506 = tpu.memref_slice %arg3[%dma_start3A_504, %dma_start3A_505] : memref<1000000x64xf32, #tpu.memory_space<hbm>> -> memref<1000000x64xf32, #tpu.memory_space<hbm>>
        %dma_start3A_507 = tpu.memref_slice %arg13[%dma_start3A_500] : memref<5x!tpu.dma_semaphore, #tpu.memory_space<semaphore_mem>> -> memref<1x!tpu.dma_semaphore, #tpu.memory_space<semaphore_mem>>
        %dma_start3A_508 = tpu.memref_squeeze %dma_start3A_507 : memref<1x!tpu.dma_semaphore, #tpu.memory_space<semaphore_mem>> -> memref<!tpu.dma_semaphore, #tpu.memory_space<semaphore_mem>>
        tpu.enqueue_indirect_dma source(%dma_start3A_506 : memref<1000000x64xf32, #tpu.memory_space<hbm>>) target(%dma_start3A_503 : memref<16x64xf32, #tpu.memory_space<vmem>>) offsets(%get3A_499 : vector<16xi32>) semaphore(%dma_start3A_508 : memref<!tpu.dma_semaphore, #tpu.memory_space<semaphore_mem>>)
        %add3A_509 = arith.constant 64 : i32
        %add3A_510 = arith.addi %mul3A_452, %add3A_509 : i32
        %get3A_511 = arith.index_cast %add3A_510 : i32 to index
        %get3A_512 = tpu.vector_load %arg6[%get3A_511] {strides = array<i32>} : memref<6400xi32, #tpu.memory_space<vmem>>, vector<16xi32>,
        %get3A_513 = vector.shape_cast %get3A_512 : vector<16xi32> to vector<16xi32>
        %dma_start3A_514 = arith.constant 1 : i32
        %dma_start3A_515 = arith.constant 64 : i32
        %dma_start3A_516 = arith.constant 0 : i32
        %dma_start3A_517 = tpu.memref_slice %arg8[%dma_start3A_515, %dma_start3A_516] : memref<128x64xf32, #tpu.memory_space<vmem>> -> memref<16x64xf32, #tpu.memory_space<vmem>>
        %dma_start3A_518 = arith.constant 0 : i32
        %dma_start3A_519 = arith.constant 0 : i32
        %dma_start3A_520 = tpu.memref_slice %arg3[%dma_start3A_518, %dma_start3A_519] : memref<1000000x64xf32, #tpu.memory_space<hbm>> -> memref<1000000x64xf32, #tpu.memory_space<hbm>>
        %dma_start3A_521 = tpu.memref_slice %arg13[%dma_start3A_514] : memref<5x!tpu.dma_semaphore, #tpu.memory_space<semaphore_mem>> -> memref<1x!tpu.dma_semaphore, #tpu.memory_space<semaphore_mem>>
        %dma_start3A_522 = tpu.memref_squeeze %dma_start3A_521 : memref<1x!tpu.dma_semaphore, #tpu.memory_space<semaphore_mem>> -> memref<!tpu.dma_semaphore, #tpu.memory_space<semaphore_mem>>
        tpu.enqueue_indirect_dma source(%dma_start3A_520 : memref<1000000x64xf32, #tpu.memory_space<hbm>>) target(%dma_start3A_517 : memref<16x64xf32, #tpu.memory_space<vmem>>) offsets(%get3A_513 : vector<16xi32>) semaphore(%dma_start3A_522 : memref<!tpu.dma_semaphore, #tpu.memory_space<semaphore_mem>>)
        %add3A_523 = arith.constant 80 : i32
        %add3A_524 = arith.addi %mul3A_452, %add3A_523 : i32
        %get3A_525 = arith.index_cast %add3A_524 : i32 to index
        %get3A_526 = tpu.vector_load %arg6[%get3A_525] {strides = array<i32>} : memref<6400xi32, #tpu.memory_space<vmem>>, vector<16xi32>,
        %get3A_527 = vector.shape_cast %get3A_526 : vector<16xi32> to vector<16xi32>
        %dma_start3A_528 = arith.constant 1 : i32
        %dma_start3A_529 = arith.constant 80 : i32
        %dma_start3A_530 = arith.constant 0 : i32
        %dma_start3A_531 = tpu.memref_slice %arg8[%dma_start3A_529, %dma_start3A_530] : memref<128x64xf32, #tpu.memory_space<vmem>> -> memref<16x64xf32, #tpu.memory_space<vmem>>
        %dma_start3A_532 = arith.constant 0 : i32
        %dma_start3A_533 = arith.constant 0 : i32
        %dma_start3A_534 = tpu.memref_slice %arg3[%dma_start3A_532, %dma_start3A_533] : memref<1000000x64xf32, #tpu.memory_space<hbm>> -> memref<1000000x64xf32, #tpu.memory_space<hbm>>
        %dma_start3A_535 = tpu.memref_slice %arg13[%dma_start3A_528] : memref<5x!tpu.dma_semaphore, #tpu.memory_space<semaphore_mem>> -> memref<1x!tpu.dma_semaphore, #tpu.memory_space<semaphore_mem>>
        %dma_start3A_536 = tpu.memref_squeeze %dma_start3A_535 : memref<1x!tpu.dma_semaphore, #tpu.memory_space<semaphore_mem>> -> memref<!tpu.dma_semaphore, #tpu.memory_space<semaphore_mem>>
        tpu.enqueue_indirect_dma source(%dma_start3A_534 : memref<1000000x64xf32, #tpu.memory_space<hbm>>) target(%dma_start3A_531 : memref<16x64xf32, #tpu.memory_space<vmem>>) offsets(%get3A_527 : vector<16xi32>) semaphore(%dma_start3A_536 : memref<!tpu.dma_semaphore, #tpu.memory_space<semaphore_mem>>)
        %add3A_537 = arith.constant 96 : i32
        %add3A_538 = arith.addi %mul3A_452, %add3A_537 : i32
        %get3A_539 = arith.index_cast %add3A_538 : i32 to index
        %get3A_540 = tpu.vector_load %arg6[%get3A_539] {strides = array<i32>} : memref<6400xi32, #tpu.memory_space<vmem>>, vector<16xi32>,
        %get3A_541 = vector.shape_cast %get3A_540 : vector<16xi32> to vector<16xi32>
        %dma_start3A_542 = arith.constant 1 : i32
        %dma_start3A_543 = arith.constant 96 : i32
        %dma_start3A_544 = arith.constant 0 : i32
        %dma_start3A_545 = tpu.memref_slice %arg8[%dma_start3A_543, %dma_start3A_544] : memref<128x64xf32, #tpu.memory_space<vmem>> -> memref<16x64xf32, #tpu.memory_space<vmem>>
        %dma_start3A_546 = arith.constant 0 : i32
        %dma_start3A_547 = arith.constant 0 : i32
        %dma_start3A_548 = tpu.memref_slice %arg3[%dma_start3A_546, %dma_start3A_547] : memref<1000000x64xf32, #tpu.memory_space<hbm>> -> memref<1000000x64xf32, #tpu.memory_space<hbm>>
        %dma_start3A_549 = tpu.memref_slice %arg13[%dma_start3A_542] : memref<5x!tpu.dma_semaphore, #tpu.memory_space<semaphore_mem>> -> memref<1x!tpu.dma_semaphore, #tpu.memory_space<semaphore_mem>>
        %dma_start3A_550 = tpu.memref_squeeze %dma_start3A_549 : memref<1x!tpu.dma_semaphore, #tpu.memory_space<semaphore_mem>> -> memref<!tpu.dma_semaphore, #tpu.memory_space<semaphore_mem>>
        tpu.enqueue_indirect_dma source(%dma_start3A_548 : memref<1000000x64xf32, #tpu.memory_space<hbm>>) target(%dma_start3A_545 : memref<16x64xf32, #tpu.memory_space<vmem>>) offsets(%get3A_541 : vector<16xi32>) semaphore(%dma_start3A_550 : memref<!tpu.dma_semaphore, #tpu.memory_space<semaphore_mem>>)
        %add3A_551 = arith.constant 112 : i32
        %add3A_552 = arith.addi %mul3A_452, %add3A_551 : i32
        %get3A_553 = arith.index_cast %add3A_552 : i32 to index
        %get3A_554 = tpu.vector_load %arg6[%get3A_553] {strides = array<i32>} : memref<6400xi32, #tpu.memory_space<vmem>>, vector<16xi32>,
        %get3A_555 = vector.shape_cast %get3A_554 : vector<16xi32> to vector<16xi32>
        %dma_start3A_556 = arith.constant 1 : i32
        %dma_start3A_557 = arith.constant 112 : i32
        %dma_start3A_558 = arith.constant 0 : i32
        %dma_start3A_559 = tpu.memref_slice %arg8[%dma_start3A_557, %dma_start3A_558] : memref<128x64xf32, #tpu.memory_space<vmem>> -> memref<16x64xf32, #tpu.memory_space<vmem>>
        %dma_start3A_560 = arith.constant 0 : i32
        %dma_start3A_561 = arith.constant 0 : i32
        %dma_start3A_562 = tpu.memref_slice %arg3[%dma_start3A_560, %dma_start3A_561] : memref<1000000x64xf32, #tpu.memory_space<hbm>> -> memref<1000000x64xf32, #tpu.memory_space<hbm>>
        %dma_start3A_563 = tpu.memref_slice %arg13[%dma_start3A_556] : memref<5x!tpu.dma_semaphore, #tpu.memory_space<semaphore_mem>> -> memref<1x!tpu.dma_semaphore, #tpu.memory_space<semaphore_mem>>
        %dma_start3A_564 = tpu.memref_squeeze %dma_start3A_563 : memref<1x!tpu.dma_semaphore, #tpu.memory_space<semaphore_mem>> -> memref<!tpu.dma_semaphore, #tpu.memory_space<semaphore_mem>>
        tpu.enqueue_indirect_dma source(%dma_start3A_562 : memref<1000000x64xf32, #tpu.memory_space<hbm>>) target(%dma_start3A_559 : memref<16x64xf32, #tpu.memory_space<vmem>>) offsets(%get3A_555 : vector<16xi32>) semaphore(%dma_start3A_564 : memref<!tpu.dma_semaphore, #tpu.memory_space<semaphore_mem>>)
      } else {
      }
      %dma_wait3A_421 = arith.constant 4 : i32
      %dma_wait3A_422 = arith.constant 0 : i32
      %dma_wait3A_423 = arith.constant 0 : i32
      %dma_wait3A_424 = tpu.memref_slice %arg3[%dma_wait3A_422, %dma_wait3A_423] : memref<1000000x64xf32, #tpu.memory_space<hbm>> -> memref<128x64xf32, #tpu.memory_space<hbm>>
      %dma_wait3A_425 = tpu.memref_slice %arg13[%dma_wait3A_421] : memref<5x!tpu.dma_semaphore, #tpu.memory_space<semaphore_mem>> -> memref<1x!tpu.dma_semaphore, #tpu.memory_space<semaphore_mem>>
      %dma_wait3A_426 = tpu.memref_squeeze %dma_wait3A_425 : memref<1x!tpu.dma_semaphore, #tpu.memory_space<semaphore_mem>> -> memref<!tpu.dma_semaphore, #tpu.memory_space<semaphore_mem>>
      %dma_wait3A_427 = arith.constant 0 : i32
      %dma_wait3A_428 = arith.constant 0 : i32
      %dma_wait3A_429 = tpu.memref_slice %arg3[%dma_wait3A_427, %dma_wait3A_428] : memref<1000000x64xf32, #tpu.memory_space<hbm>> -> memref<128x64xf32, #tpu.memory_space<hbm>>
      tpu.wait_dma2 semaphore(%dma_wait3A_426 : memref<!tpu.dma_semaphore, #tpu.memory_space<semaphore_mem>>) src(%dma_wait3A_429 : memref<128x64xf32, #tpu.memory_space<hbm>>) dst(%arg11 : memref<128x64xf32, #tpu.memory_space<vmem>>)
      %mul3A_430 = arith.constant 128 : i32
      %mul3A_431 = arith.muli %add3A_406, %mul3A_430 : i32
      %add3A_432 = arith.addi %mul3A_2, %mul3A_431 : i32
      %rem3A_433 = arith.constant 200 : i32
      %rem3A_434 = arith.remsi %add3A_432, %rem3A_433 : i32
      %parallel_loop3A_435 = arith.constant 0 : i32
      %parallel_loop3A_436 = arith.constant 128 : i32
      %parallel_loop3A_437 = arith.constant 1 : i32
      scf.for %parallel_loop3A_449 = %parallel_loop3A_435 to %parallel_loop3A_436 step %parallel_loop3A_437  : i32 {
        %parallel_loop3A_450 = arith.addi %rem3A_434, %parallel_loop3A_449 : i32
        %parallel_loop3A_451 = arith.constant 64 : i32
        %parallel_loop3A_452 = arith.muli %parallel_loop3A_450, %parallel_loop3A_451 : i32
        %parallel_loop3A_453 = tpu.assume_multiple %parallel_loop3A_452, 64 : i32
        %parallel_loop3A_454 = arith.index_cast %parallel_loop3A_449 : i32 to index
        %parallel_loop3A_455 = arith.constant 0 : index
        %parallel_loop3A_456 = tpu.vector_load %arg11[%parallel_loop3A_454, %parallel_loop3A_455] {strides = array<i32>} : memref<128x64xf32, #tpu.memory_space<vmem>>, vector<1x16xf32>,
        %parallel_loop3A_457 = vector.shape_cast %parallel_loop3A_456 : vector<1x16xf32> to vector<16xf32>
        %parallel_loop3A_458 = arith.constant 8.000000e+00 : f32
        %parallel_loop3A_459 = vector.broadcast %parallel_loop3A_458 : f32 to vector<16xf32>
        %parallel_loop3A_460 = arith.mulf %parallel_loop3A_457, %parallel_loop3A_459 : vector<16xf32>
        %parallel_loop3A_461 = arith.constant 0 : i32
        %parallel_loop3A_462 = arith.addi %parallel_loop3A_453, %parallel_loop3A_461 : i32
        %parallel_loop3A_463 = arith.index_cast %parallel_loop3A_462 : i32 to index
        %parallel_loop3A_464 = tpu.vector_load %arg12[%parallel_loop3A_463] {strides = array<i32>} : memref<20992xf32, #tpu.memory_space<vmem>>, vector<16xf32>,
        %parallel_loop3A_465 = vector.shape_cast %parallel_loop3A_464 : vector<16xf32> to vector<16xf32>
        %parallel_loop3A_466 = arith.addf %parallel_loop3A_460, %parallel_loop3A_465 : vector<16xf32>
        %parallel_loop3A_467 = arith.index_cast %parallel_loop3A_449 : i32 to index
        %parallel_loop3A_468 = arith.constant 0 : index
        %parallel_loop3A_469 = tpu.vector_load %arg11[%parallel_loop3A_467, %parallel_loop3A_468] {strides = array<i32>} : memref<128x64xf32, #tpu.memory_space<vmem>>, vector<1x16xf32>,
        %parallel_loop3A_470 = vector.shape_cast %parallel_loop3A_469 : vector<1x16xf32> to vector<16xf32>
        %parallel_loop3A_471 = vector.shape_cast %parallel_loop3A_466 : vector<16xf32> to vector<1x16xf32>
        tpu.vector_store %arg11[%parallel_loop3A_467, %parallel_loop3A_468], %parallel_loop3A_471 {strides = array<i32>} : memref<128x64xf32, #tpu.memory_space<vmem>>, vector<1x16xf32>,
        %parallel_loop3A_472 = arith.index_cast %parallel_loop3A_449 : i32 to index
        %parallel_loop3A_473 = arith.constant 16 : index
        %parallel_loop3A_474 = tpu.vector_load %arg11[%parallel_loop3A_472, %parallel_loop3A_473] {strides = array<i32>} : memref<128x64xf32, #tpu.memory_space<vmem>>, vector<1x16xf32>,
        %parallel_loop3A_475 = vector.shape_cast %parallel_loop3A_474 : vector<1x16xf32> to vector<16xf32>
        %parallel_loop3A_476 = arith.constant 8.000000e+00 : f32
        %parallel_loop3A_477 = vector.broadcast %parallel_loop3A_476 : f32 to vector<16xf32>
        %parallel_loop3A_478 = arith.mulf %parallel_loop3A_475, %parallel_loop3A_477 : vector<16xf32>
        %parallel_loop3A_479 = arith.constant 16 : i32
        %parallel_loop3A_480 = arith.addi %parallel_loop3A_453, %parallel_loop3A_479 : i32
        %parallel_loop3A_481 = arith.index_cast %parallel_loop3A_480 : i32 to index
        %parallel_loop3A_482 = tpu.vector_load %arg12[%parallel_loop3A_481] {strides = array<i32>} : memref<20992xf32, #tpu.memory_space<vmem>>, vector<16xf32>,
        %parallel_loop3A_483 = vector.shape_cast %parallel_loop3A_482 : vector<16xf32> to vector<16xf32>
        %parallel_loop3A_484 = arith.addf %parallel_loop3A_478, %parallel_loop3A_483 : vector<16xf32>
        %parallel_loop3A_485 = arith.index_cast %parallel_loop3A_449 : i32 to index
        %parallel_loop3A_486 = arith.constant 16 : index
        %parallel_loop3A_487 = tpu.vector_load %arg11[%parallel_loop3A_485, %parallel_loop3A_486] {strides = array<i32>} : memref<128x64xf32, #tpu.memory_space<vmem>>, vector<1x16xf32>,
        %parallel_loop3A_488 = vector.shape_cast %parallel_loop3A_487 : vector<1x16xf32> to vector<16xf32>
        %parallel_loop3A_489 = vector.shape_cast %parallel_loop3A_484 : vector<16xf32> to vector<1x16xf32>
        tpu.vector_store %arg11[%parallel_loop3A_485, %parallel_loop3A_486], %parallel_loop3A_489 {strides = array<i32>} : memref<128x64xf32, #tpu.memory_space<vmem>>, vector<1x16xf32>,
        %parallel_loop3A_490 = arith.index_cast %parallel_loop3A_449 : i32 to index
        %parallel_loop3A_491 = arith.constant 32 : index
        %parallel_loop3A_492 = tpu.vector_load %arg11[%parallel_loop3A_490, %parallel_loop3A_491] {strides = array<i32>} : memref<128x64xf32, #tpu.memory_space<vmem>>, vector<1x16xf32>,
        %parallel_loop3A_493 = vector.shape_cast %parallel_loop3A_492 : vector<1x16xf32> to vector<16xf32>
        %parallel_loop3A_494 = arith.constant 8.000000e+00 : f32
        %parallel_loop3A_495 = vector.broadcast %parallel_loop3A_494 : f32 to vector<16xf32>
        %parallel_loop3A_496 = arith.mulf %parallel_loop3A_493, %parallel_loop3A_495 : vector<16xf32>
        %parallel_loop3A_497 = arith.constant 32 : i32
        %parallel_loop3A_498 = arith.addi %parallel_loop3A_453, %parallel_loop3A_497 : i32
        %parallel_loop3A_499 = arith.index_cast %parallel_loop3A_498 : i32 to index
        %parallel_loop3A_500 = tpu.vector_load %arg12[%parallel_loop3A_499] {strides = array<i32>} : memref<20992xf32, #tpu.memory_space<vmem>>, vector<16xf32>,
        %parallel_loop3A_501 = vector.shape_cast %parallel_loop3A_500 : vector<16xf32> to vector<16xf32>
        %parallel_loop3A_502 = arith.addf %parallel_loop3A_496, %parallel_loop3A_501 : vector<16xf32>
        %parallel_loop3A_503 = arith.index_cast %parallel_loop3A_449 : i32 to index
        %parallel_loop3A_504 = arith.constant 32 : index
        %parallel_loop3A_505 = tpu.vector_load %arg11[%parallel_loop3A_503, %parallel_loop3A_504] {strides = array<i32>} : memref<128x64xf32, #tpu.memory_space<vmem>>, vector<1x16xf32>,
        %parallel_loop3A_506 = vector.shape_cast %parallel_loop3A_505 : vector<1x16xf32> to vector<16xf32>
        %parallel_loop3A_507 = vector.shape_cast %parallel_loop3A_502 : vector<16xf32> to vector<1x16xf32>
        tpu.vector_store %arg11[%parallel_loop3A_503, %parallel_loop3A_504], %parallel_loop3A_507 {strides = array<i32>} : memref<128x64xf32, #tpu.memory_space<vmem>>, vector<1x16xf32>,
        %parallel_loop3A_508 = arith.index_cast %parallel_loop3A_449 : i32 to index
        %parallel_loop3A_509 = arith.constant 48 : index
        %parallel_loop3A_510 = tpu.vector_load %arg11[%parallel_loop3A_508, %parallel_loop3A_509] {strides = array<i32>} : memref<128x64xf32, #tpu.memory_space<vmem>>, vector<1x16xf32>,
        %parallel_loop3A_511 = vector.shape_cast %parallel_loop3A_510 : vector<1x16xf32> to vector<16xf32>
        %parallel_loop3A_512 = arith.constant 8.000000e+00 : f32
        %parallel_loop3A_513 = vector.broadcast %parallel_loop3A_512 : f32 to vector<16xf32>
        %parallel_loop3A_514 = arith.mulf %parallel_loop3A_511, %parallel_loop3A_513 : vector<16xf32>
        %parallel_loop3A_515 = arith.constant 48 : i32
        %parallel_loop3A_516 = arith.addi %parallel_loop3A_453, %parallel_loop3A_515 : i32
        %parallel_loop3A_517 = arith.index_cast %parallel_loop3A_516 : i32 to index
        %parallel_loop3A_518 = tpu.vector_load %arg12[%parallel_loop3A_517] {strides = array<i32>} : memref<20992xf32, #tpu.memory_space<vmem>>, vector<16xf32>,
        %parallel_loop3A_519 = vector.shape_cast %parallel_loop3A_518 : vector<16xf32> to vector<16xf32>
        %parallel_loop3A_520 = arith.addf %parallel_loop3A_514, %parallel_loop3A_519 : vector<16xf32>
        %parallel_loop3A_521 = arith.index_cast %parallel_loop3A_449 : i32 to index
        %parallel_loop3A_522 = arith.constant 48 : index
        %parallel_loop3A_523 = tpu.vector_load %arg11[%parallel_loop3A_521, %parallel_loop3A_522] {strides = array<i32>} : memref<128x64xf32, #tpu.memory_space<vmem>>, vector<1x16xf32>,
        %parallel_loop3A_524 = vector.shape_cast %parallel_loop3A_523 : vector<1x16xf32> to vector<16xf32>
        %parallel_loop3A_525 = vector.shape_cast %parallel_loop3A_520 : vector<16xf32> to vector<1x16xf32>
        tpu.vector_store %arg11[%parallel_loop3A_521, %parallel_loop3A_522], %parallel_loop3A_525 {strides = array<i32>} : memref<128x64xf32, #tpu.memory_space<vmem>>, vector<1x16xf32>,
      } {sc.loop_unroll_factor = 4 : i64, sc.parallel_access}
      %mul3A_438 = arith.constant 128 : i32
      %mul3A_439 = arith.muli %add3A_406, %mul3A_438 : i32
      %add3A_440 = arith.addi %mul3A_2, %mul3A_439 : i32
      %multiple_of3A_441 = tpu.assume_multiple %add3A_440, 128 : i32
      %dma_start3A_442 = arith.constant 4 : i32
      %dma_start3A_443 = arith.constant 0 : i32
      %dma_start3A_444 = tpu.memref_slice %arg5[%multiple_of3A_441, %dma_start3A_443] : memref<204800x64xf32, #tpu.memory_space<hbm>> -> memref<128x64xf32, #tpu.memory_space<hbm>>
      %dma_start3A_445 = tpu.memref_slice %arg14[%dma_start3A_442] : memref<5x!tpu.dma_semaphore, #tpu.memory_space<semaphore_mem>> -> memref<1x!tpu.dma_semaphore, #tpu.memory_space<semaphore_mem>>
      %dma_start3A_446 = tpu.memref_squeeze %dma_start3A_445 : memref<1x!tpu.dma_semaphore, #tpu.memory_space<semaphore_mem>> -> memref<!tpu.dma_semaphore, #tpu.memory_space<semaphore_mem>>
      %dma_start3A_447 = arith.constant 0 : i32
      %dma_start3A_448 = tpu.memref_slice %arg5[%multiple_of3A_441, %dma_start3A_447] : memref<204800x64xf32, #tpu.memory_space<hbm>> -> memref<128x64xf32, #tpu.memory_space<hbm>>
      tpu.enqueue_dma source(%arg11 : memref<128x64xf32, #tpu.memory_space<vmem>>) target(%dma_start3A_448 : memref<128x64xf32, #tpu.memory_space<hbm>>) target_semaphore(%dma_start3A_446 : memref<!tpu.dma_semaphore, #tpu.memory_space<semaphore_mem>>)
    }
    %scan3A_197 = arith.constant 10 : i32
    %dma_wait3A = arith.constant 2 : i32
    %dma_wait3A_198 = arith.constant 0 : i32
    %dma_wait3A_199 = arith.constant 0 : i32
    %dma_wait3A_200 = tpu.memref_slice %arg5[%dma_wait3A_198, %dma_wait3A_199] : memref<204800x64xf32, #tpu.memory_space<hbm>> -> memref<128x64xf32, #tpu.memory_space<hbm>>
    %dma_wait3A_201 = tpu.memref_slice %arg14[%dma_wait3A] : memref<5x!tpu.dma_semaphore, #tpu.memory_space<semaphore_mem>> -> memref<1x!tpu.dma_semaphore, #tpu.memory_space<semaphore_mem>>
    %dma_wait3A_202 = tpu.memref_squeeze %dma_wait3A_201 : memref<1x!tpu.dma_semaphore, #tpu.memory_space<semaphore_mem>> -> memref<!tpu.dma_semaphore, #tpu.memory_space<semaphore_mem>>
    %dma_wait3A_203 = arith.constant 0 : i32
    %dma_wait3A_204 = arith.constant 0 : i32
    %dma_wait3A_205 = tpu.memref_slice %arg5[%dma_wait3A_203, %dma_wait3A_204] : memref<204800x64xf32, #tpu.memory_space<hbm>> -> memref<128x64xf32, #tpu.memory_space<hbm>>
    tpu.wait_dma2 semaphore(%dma_wait3A_202 : memref<!tpu.dma_semaphore, #tpu.memory_space<semaphore_mem>>) src(%arg9 : memref<128x64xf32, #tpu.memory_space<vmem>>) dst(%dma_wait3A_205 : memref<128x64xf32, #tpu.memory_space<hbm>>)
    %dma_wait3A_206 = arith.constant 3 : i32
    %dma_wait3A_207 = arith.constant 0 : i32
    %dma_wait3A_208 = arith.constant 0 : i32
    %dma_wait3A_209 = tpu.memref_slice %arg5[%dma_wait3A_207, %dma_wait3A_208] : memref<204800x64xf32, #tpu.memory_space<hbm>> -> memref<128x64xf32, #tpu.memory_space<hbm>>
    %dma_wait3A_210 = tpu.memref_slice %arg14[%dma_wait3A_206] : memref<5x!tpu.dma_semaphore, #tpu.memory_space<semaphore_mem>> -> memref<1x!tpu.dma_semaphore, #tpu.memory_space<semaphore_mem>>
    %dma_wait3A_211 = tpu.memref_squeeze %dma_wait3A_210 : memref<1x!tpu.dma_semaphore, #tpu.memory_space<semaphore_mem>> -> memref<!tpu.dma_semaphore, #tpu.memory_space<semaphore_mem>>
    %dma_wait3A_212 = arith.constant 0 : i32
    %dma_wait3A_213 = arith.constant 0 : i32
    %dma_wait3A_214 = tpu.memref_slice %arg5[%dma_wait3A_212, %dma_wait3A_213] : memref<204800x64xf32, #tpu.memory_space<hbm>> -> memref<128x64xf32, #tpu.memory_space<hbm>>
    tpu.wait_dma2 semaphore(%dma_wait3A_211 : memref<!tpu.dma_semaphore, #tpu.memory_space<semaphore_mem>>) src(%arg10 : memref<128x64xf32, #tpu.memory_space<vmem>>) dst(%dma_wait3A_214 : memref<128x64xf32, #tpu.memory_space<hbm>>)
    %dma_wait3A_215 = arith.constant 4 : i32
    %dma_wait3A_216 = arith.constant 0 : i32
    %dma_wait3A_217 = arith.constant 0 : i32
    %dma_wait3A_218 = tpu.memref_slice %arg5[%dma_wait3A_216, %dma_wait3A_217] : memref<204800x64xf32, #tpu.memory_space<hbm>> -> memref<128x64xf32, #tpu.memory_space<hbm>>
    %dma_wait3A_219 = tpu.memref_slice %arg14[%dma_wait3A_215] : memref<5x!tpu.dma_semaphore, #tpu.memory_space<semaphore_mem>> -> memref<1x!tpu.dma_semaphore, #tpu.memory_space<semaphore_mem>>
    %dma_wait3A_220 = tpu.memref_squeeze %dma_wait3A_219 : memref<1x!tpu.dma_semaphore, #tpu.memory_space<semaphore_mem>> -> memref<!tpu.dma_semaphore, #tpu.memory_space<semaphore_mem>>
    %dma_wait3A_221 = arith.constant 0 : i32
    %dma_wait3A_222 = arith.constant 0 : i32
    %dma_wait3A_223 = tpu.memref_slice %arg5[%dma_wait3A_221, %dma_wait3A_222] : memref<204800x64xf32, #tpu.memory_space<hbm>> -> memref<128x64xf32, #tpu.memory_space<hbm>>
    tpu.wait_dma2 semaphore(%dma_wait3A_220 : memref<!tpu.dma_semaphore, #tpu.memory_space<semaphore_mem>>) src(%arg11 : memref<128x64xf32, #tpu.memory_space<vmem>>) dst(%dma_wait3A_223 : memref<128x64xf32, #tpu.memory_space<hbm>>)
    return
  }
}

module attributes {stable_mosaic.version = 14 : i64} {
  func.func @_pos_body(%arg0: memref<328x64xf32, #tpu.memory_space<vmem>>) attributes {dimension_semantics = [], scalar_prefetch = 0 : i64, scratch_operands = 0 : i64, tpu.core_type = #tpu.core_type<tc>} {
    %iota3A = tpu.iota {dimensions = array<i32: 0>} : vector<328x64xi32>
    %rem3A = arith.constant 200 : i32
    %rem3A_0 = vector.broadcast %rem3A : i32 to vector<328x64xi32>
    %rem3A_1 = arith.remsi %iota3A, %rem3A_0 : vector<328x64xi32>
    %convert_element_type3A = arith.sitofp %rem3A_1 : vector<328x64xi32> to vector<328x64xf32>
    %iota3A_2 = tpu.iota {dimensions = array<i32: 1>} : vector<328x64xi32>
    %shift_right_arithmetic3A = arith.constant 1 : i32
    %shift_right_arithmetic3A_3 = vector.broadcast %shift_right_arithmetic3A : i32 to vector<328x64xi32>
    %shift_right_arithmetic3A_4 = arith.shrsi %iota3A_2, %shift_right_arithmetic3A_3 : vector<328x64xi32>
    %shift_left3A = arith.constant 1 : i32
    %shift_left3A_5 = vector.broadcast %shift_left3A : i32 to vector<328x64xi32>
    %shift_left3A_6 = arith.shli %shift_right_arithmetic3A_4, %shift_left3A_5 : vector<328x64xi32>
    %convert_element_type3A_7 = arith.sitofp %shift_left3A_6 : vector<328x64xi32> to vector<328x64xf32>
    %mul3A = arith.constant -0.14391157 : f32
    %mul3A_8 = vector.broadcast %mul3A : f32 to vector<328x64xf32>
    %mul3A_9 = arith.mulf %convert_element_type3A_7, %mul3A_8 : vector<328x64xf32>
    %exp3A = math.exp %mul3A_9 : vector<328x64xf32>
    %mul3A_10 = arith.mulf %convert_element_type3A, %exp3A : vector<328x64xf32>
    %and3A = arith.constant 1 : i32
    %and3A_11 = vector.broadcast %and3A : i32 to vector<328x64xi32>
    %and3A_12 = arith.andi %iota3A_2, %and3A_11 : vector<328x64xi32>
    %eq3A = arith.constant 0 : i32
    %eq3A_13 = vector.broadcast %eq3A : i32 to vector<328x64xi32>
    %eq3A_14 = arith.cmpi eq, %and3A_12, %eq3A_13 : vector<328x64xi32>
    %sin3A = math.sin %mul3A_10 : vector<328x64xf32>
    %cos3A = math.cos %mul3A_10 : vector<328x64xf32>
    %select_n3A = arith.select %eq3A_14, %sin3A, %cos3A : vector<328x64xi1>, vector<328x64xf32>
    %swap3A = arith.constant 0 : index
    %swap3A_15 = arith.constant 0 : index
    %swap3A_16 = vector.load %arg0[%swap3A, %swap3A_15] : memref<328x64xf32, #tpu.memory_space<vmem>>, vector<328x64xf32>
    tpu.vector_store %arg0[%swap3A, %swap3A_15], %select_n3A {strides = array<i32>} : memref<328x64xf32, #tpu.memory_space<vmem>>, vector<328x64xf32>,
    return
  }
}

</mosaic_0001>

<sc_bundles>
// kernel: kernel.4.cloned.1.call-start
scs
__scs_entry_jumppad:
0x0: {  	(pc) =	sbr.rel $0x88, $3  }
0x1: {  	(tag) =	ssettag $0x0;
	lr =	simm.s32 $0x1  }
0x2: {  	[smem:$0x3F9F] =	sst lr;
	_ =	strace $0xD0000000  }
0x3: {  	_ = 	snop  }
0x4: {  	_ = 	snop  }
0x5: {  	_ = 	snop  }
0x6: {  	_ = 	snop  }
0x7: {  	_ = 	snop  }
__scs_overlays_trampoline_lowered:
0x8: {  	[smem:$0x3FAE] =	sst s0  }
0x9: {  	[smem:$0x3FAF] =	sst s1  }
0xa: {  	[smem:$0x3FB0] =	sst s2  }
0xb: {  	[smem:$0x3FB1] =	sst s3  }
0xc: {  	[smem:$0x3FB2] =	sst s4  }
0xd: {  	[smem:$0x3FB3] =	sst s5  }
0xe: {  	[smem:$0x3FB4] =	sst s6  }
0xf: {  	[smem:$0x3FB5] =	sst s7  }
0x10: {  	[smem:$0x3FB6] =	sst s8  }
0x11: {  	[smem:$0x3FB7] =	sst s9;
	s0 =	simm.s32 @!p0 $0x0  }
0x12: {  	s1 =	sld [smem:$0x3F9D];
	s0 =	simm.s32 @p0 $0x1  }
0x13: {  	[smem:$0x3FB8] =	sst s0;
	s0 =	simm.s32 @!p1 $0x0  }
0x14: {  	s2 =	sld [smem:$0x3F9C];
	s0 =	simm.s32 @p1 $0x1  }
0x15: {  	[smem:$0x3FB9] =	sst s0;
	s0 =	simm.s32 @!p2 $0x0  }
0x16: {  	s3 =	sld [smem:$0x3FDB];
	s0 =	simm.s32 @p2 $0x1  }
0x17: {  	s4 =	simm.s32 $0x1BF5;
	[smem:$0x3FBB] =	sst s0  }
0x18: {  	s0 =	sld [smem:$0x3F9E];
	_ =	swait.ge [sflag:s4], $0x0  }
0x19: {  	s7 =	sld [smem:$0x3F9F]  }
0x1a: {  	s8 =	sadd.s32 $0xFFFFE003, lr  }
0x1b: {  	s9 =	sadd.s32 $0xFFFFFEF7, lr;
	s5 =	simm.s32 $0xFFFFFFFF;
	p2 =	slt.u32 s8, $0xFFFFF086  }
0x1c: {  	p1 =	slt.u32 s9, $0xF7A;
	s5 =	simm.s32 @!p2 $0x0  }
0x1d: {  	s5 =	simm.s32 @p1 $0x1;
	p0 =	seq.s32 s7, s2  }
0x1e: {  	s7 =	smul.u32 @!p0 $0xF7A, s2;
	p2 =	seq.s32 @!p0 s5, $0x0  }
0x1f: {  	s9 =	smul.u32 $0xF7A, s1;
	s8 =	simm.s32 @!p0 $0x1BF5;
	p2 =	por !p2, p0  }
0x20: {  	[sflag:s8] =	ssyncset.s32 @!p0 $0xFFFFF086;
	s6 =	sadd.s32 @!p0 s3, s7;
	s7 =	simm.s32 @!p0 $0x108  }
0x21: {  	s3 =	sadd.s32 s3, s9;
	s6 =	sadd.s32 @!p0 $0x88, s6;
	s7 =	simm.s32 @p2 $0x1082  }
0x22: {  	[simem:s7], [sflag:s8] =	dma.local @!p0 [hbm:s6], $0xF7A  }
0x23: {  	s9 =	sor.u32 $0xD0000000, s2;
	s6 =	simm.s32 $0x108;
	_ =	swait.ge @!p0 [sflag:s8], $0x0  }
0x24: {  	s3 =	sadd.s32 $0x88, s3;
	s6 =	simm.s32 @!p1 $0x1082;
	[sflag:s4] =	ssyncset.s32 $0xFFFFF086  }
0x25: {  	[simem:s6], [sflag:s4] =	dma.local [hbm:s3], $0xF7A  }
0x26: {  	[smem:$0x3F9F] =	sst s1;
	(tag) =	ssettag s2;
	_ =	strace s9  }
0x27: {  	s1 =	sld [smem:$0x3FAF]  }
0x28: {  	s2 =	sld [smem:$0x3FB0]  }
0x29: {  	s4 =	sld [smem:$0x3FB2]  }
0x2a: {  	p0 =	seq.s32 s5, $0x0;
	s5 =	sld [smem:$0x3FB3]  }
0x2b: {  	s6 =	sld [smem:$0x3FB4]  }
0x2c: {  	s7 =	sld [smem:$0x3FB5]  }
0x2d: {  	s3 =	simm.s32 $0x108;
	s8 =	sld [smem:$0x3FB6]  }
0x2e: {  	s3 =	simm.s32 @!p0 $0x1082;
	s9 =	sld [smem:$0x3FB7]  }
0x2f: {  	lr =	sadd.s32 s0, s3;
	s0 =	sld [smem:$0x3FAE]  }
0x30: {  	s3 =	sld [smem:$0x3FB1]  }
0x31: {  	[smem:$0x3FBA] =	sst s10  }
0x32: {  	s10 =	sld [smem:$0x3FB8];
	_ =	sdelay $0x3  }
0x33: {  	p0 =	seq.s32 s10, $0x1;
	s10 =	sld [smem:$0x3FBA];
	_ =	sdelay $0x3  }
0x34: {  	[smem:$0x3FBA] =	sst s10  }
0x35: {  	s10 =	sld [smem:$0x3FB9];
	_ =	sdelay $0x3  }
0x36: {  	p1 =	seq.s32 s10, $0x1;
	s10 =	sld [smem:$0x3FBA];
	_ =	sdelay $0x3  }
0x37: {  	[smem:$0x3FBA] =	sst s10  }
0x38: {  	s10 =	sld [smem:$0x3FBB]  }
0x39: {  	_ = 	snop;
	(pc) =	sbr.ind lr, $3  }
0x3a: {  	_ = 	snop  }
0x3b: {  	_ = 	snop  }
0x3c: {  	p2 =	seq.s32 s10, $0x1;
	s10 =	sld [smem:$0x3FBA]  }
0x3d: {  	_ =	shalt  }
0x3e: {  	_ =	shalt  }
0x3f: {  	_ =	shalt  }
0x40: {  	_ =	shalt  }
0x41: {  	_ =	shalt  }
0x42: {  	_ =	shalt  }
0x43: {  	_ =	shalt  }
0x44: {  	_ =	shalt  }
0x45: {  	_ =	shalt  }
0x46: {  	_ =	shalt  }
0x47: {  	_ =	shalt  }
0x48: {  	_ =	shalt  }
0x49: {  	_ =	shalt  }
0x4a: {  	_ =	shalt  }
0x4b: {  	_ =	shalt  }
0x4c: {  	_ =	shalt  }
0x4d: {  	_ =	shalt  }
0x4e: {  	_ =	shalt  }
0x4f: {  	_ =	shalt  }
0x50: {  	_ =	shalt  }
0x51: {  	_ =	shalt  }
0x52: {  	_ =	shalt  }
0x53: {  	_ =	shalt  }
0x54: {  	_ =	shalt  }
0x55: {  	_ =	shalt  }
0x56: {  	_ =	shalt  }
0x57: {  	_ =	shalt  }
0x58: {  	_ =	shalt  }
0x59: {  	_ =	shalt  }
0x5a: {  	_ =	shalt  }
0x5b: {  	_ =	shalt  }
0x5c: {  	_ =	shalt  }
0x5d: {  	_ =	shalt  }
0x5e: {  	_ =	shalt  }
0x5f: {  	_ =	shalt  }
0x60: {  	_ =	shalt  }
0x61: {  	_ =	shalt  }
0x62: {  	_ =	shalt  }
0x63: {  	_ =	shalt  }
0x64: {  	_ =	shalt  }
0x65: {  	_ =	shalt  }
0x66: {  	_ =	shalt  }
0x67: {  	_ =	shalt  }
0x68: {  	_ =	shalt  }
0x69: {  	_ =	shalt  }
0x6a: {  	_ =	shalt  }
0x6b: {  	_ =	shalt  }
0x6c: {  	_ =	shalt  }
0x6d: {  	_ =	shalt  }
0x6e: {  	_ =	shalt  }
0x6f: {  	_ =	shalt  }
0x70: {  	_ =	shalt  }
0x71: {  	_ =	shalt  }
0x72: {  	_ =	shalt  }
0x73: {  	_ =	shalt  }
0x74: {  	_ =	shalt  }
0x75: {  	_ =	shalt  }
0x76: {  	_ =	shalt  }
0x77: {  	_ =	shalt  }
0x78: {  	_ =	shalt  }
0x79: {  	_ =	shalt  }
0x7a: {  	_ =	shalt  }
0x7b: {  	_ =	shalt  }
0x7c: {  	_ =	shalt  }
0x7d: {  	_ =	shalt  }
0x7e: {  	_ =	shalt  }
0x7f: {  	_ =	shalt  }
0x80: {  	_ =	shalt  }
0x81: {  	_ =	shalt  }
0x82: {  	_ =	shalt  }
0x83: {  	_ =	shalt  }
0x84: {  	_ =	shalt  }
0x85: {  	_ =	shalt  }
0x86: {  	_ =	shalt  }
0x87: {  	_ =	shalt  }
.Lfunc_end0:
.L_simem_size_0:
called_computation.1_lowered:
.L_overlay_start_0:
0x88: {  	s2 =	sld [smem:$0x3FD9]  }
0x89: {  	s3 =	sld [smem:$0x3FFE];
	_ =	sdelay $0x1  }
0x8a: {  	s1 =	srdreg.scid  }
0x8b: {  	s0 =	sand.u32 $0x1, s1  }
0x8c: {  	s17 =	sshll.u32 s0, $0xA;
	s2 =	sadd.s32 s3, s2  }
0x8d: {  	s2 =	sadd.s32 s2, s17  }
0x8e: {  	[smem:$0x3FC6] =	sst s2  }
0x8f: {  	_ = 	snop  }
0x90: {  	s2 =	sld [smem:$0x3FD0];
	(tm) =	ssettm $0x1  }
0x91: {  	s18 =	sld [smem:$0x3FFB];
	_ =	sdelay $0x3  }
0x92: {  	_ =	strace s18  }
0x93: {  	s3 =	sld [smem:$0x3FFC];
	_ =	sdelay $0x3  }
0x94: {  	_ =	strace s3  }
0x95: {  	s3 =	sld [smem:$0x3FFD];
	_ =	sdelay $0x3  }
0x96: {  	_ =	strace s3  }
0x97: {  	_ =	strace $0x8FFFFFFF  }
0x98: {  	s19 =	sld [smem:$0x3FDB];
	_ =	sdelay $0x1  }
0x99: {  	s4 =	simm.s32 $_scs_section_size  }
0x9a: {  	s5 =	simm.s32 $_size__tile_overlayer_lowered;
	s6 =	simm.s32 $_tile_overlayer_lowered  }
0x9b: {  	s22 =	simm.s32 $0x1BFF;
	s21 =	sshll.u32 s6, $0x1;
	s3 =	sadd.s32 s4, s19  }
0x9c: {  	s7 =	simm.s32 $0x0;
	s20 =	sshll.u32 s5, $0x1;
	s5 =	sadd.s32 s21, s3  }
0x9d: {  	[timem:s7], [sflag:s22] =	dma.local [hbm:s5], s20  }
0x9e: {  	_ =	swait.ge [sflag:s22], s20  }
0x9f: {  	s4 =	ssub.s32 $0x0, s20;
	[sflag:s22] =	ssyncset.done $0x0  }
0xa0: {  	[sflag:s22] =	ssyncadd.s32 s4;
	_ =	sdelay $0x1  }
0xa1: {  	s23 =	simm.s32 $0x1B8B  }
0xa2: {  	_ =	swait.ge [sflag:s23], $0x1  }
0xa3: {  	[sflag:s23] =	ssyncset.done $0x0  }
0xa4: {  	s25 =	simm.s32 $0x1B8E;
	s24 =	sld [smem:$0x3FFE];
	[sflag:s23] =	ssyncadd.s32 $0xFFFFFFFF  }
0xa5: {  	s26 =	simm.s32 $execute0_lowered;
	[smem:$0x3FD2] =	sst s25  }
0xa6: {  	s5 =	sshll.u32 s26, $0x1;
	_ =	strace $0x80000046;
	[dreg:$0x1] =	wrdreg $0xFFFFFFFF  }
0xa7: {  	s28 =	simm.s32 $_size_execute0_lowered;
	s3 =	sadd.s32 s3, s5;
	[dreg:$0x0] =	wrdreg $0x0  }
0xa8: {  	s5 =	sshll.u32 s28, $0x1;
	[dreg:$0x2] =	wrdreg s3  }
0xa9: {  	[dreg:$0x3] =	wrdreg s5  }
0xaa: {  	[dreg:$0x4] =	wrdreg $0xC0  }
0xab: {  	_ =	task [dreg:s7], $0x5FFFF  }
0xac: {  	[dreg:$0x1] =	wrdreg $0xFFFFFFFF  }
0xad: {  	[dreg:$0x0] =	wrdreg $0x60  }
0xae: {  	[dreg:$0x2] =	wrdreg s24  }
0xaf: {  	[dreg:$0x3] =	wrdreg s2  }
0xb0: {  	[dreg:$0x4] =	wrdreg $0x9  }
0xb1: {  	_ =	task.clear_ibuf [dreg:s7], $0x5FFFF;
	_ =	strace $0x90000046  }
0xb2: {  	s29 =	simm.s32 $0x9;
	_ =	strace $0x80000048  }
0xb3: {  	_ =	swait.ge [sflag:s29], $0x1  }
0xb4: {  	[sflag:s29] =	ssyncadd.s32 $0xFFFFFFFF  }
0xb5: {  	_ =	strace $0x90000048  }
0xb6: {  	_ =	sfence  }
0xb7: {  	s30 =	sld [smem:$0x0];
	_ =	sdelay $0x2  }
0xb8: {  	s31 =	sshll.u32 s1, $0xD;
	s1 =	sshrl.u32 s1, $0x2  }
0xb9: {  	s3 =	sand.u32 $0x4000, s31;
	s1 =	sadd.s32 s1, s30  }
0xba: {  	s0 =	sor.u32 s3, s0;
	s1 =	sshll.u32 s1, $0x11  }
0xbb: {  	s0 =	sor.u32 s1, s0  }
0xbc: {  	s0 =	sadd.s32 $0x8F2B, s0  }
0xbd: {  	[sflag:s0] =	ssyncadd.remote.s32 $0x1  }
0xbe: {  	_ =	sfence.sel $0xFFFF  }
0xbf: {  	[dreg:$0x0] =	wrdreg $0xFFFFFFFF;
	(pc) =	sbr.abs _section_cstart, $3  }
0xc0: {  	[dreg:$0x1] =	wrdreg $0xFFFFFFFF  }
0xc1: {  	_ =	task.clear_ibuf [dreg:s7], $0x2FFFF;
	_ =	strace $0x9FFFFFFF  }
0xc2: {  	(tm) =	ssettm $0x7FFFFFFF  }
0xc3: {  	_ =	shalt  }
tec
execute0_lowered:
.L_overlay_start_1:
0x0: {  	(tag) =	ssettag $0x1  }
0x1: {  	s0 =	rddreg [dreg:$0x0];
	s1 =	srdreg.scid  }
0x2: {  	s11 =	stileid.u32;
	s2 =	rddreg [dreg:$0x1]  }
0x3: {  	s3 =	simm.s32 $0x0;
	s12 =	simm.s32 $0x2;
	s7 =	smul.u32 $0x320000, s11  }
0x4: {  	s29 =	simm.s32 $0x7;
	s1 =	sand.u32 $0x1, s1;
	s20 =	smul.u32 $0x3200, s11  }
0x5: {  	s30 =	simm.s32 $0x5;
	s4 =	sshll.u32 s11, $0x1;
	s10 =	smul.u32 $0x190000, s1  }
0x6: {  	s4 =	sor.u32 s1, s4;
	s6 =	ssub.s32 $0x2, s1;
	s1 =	smul.u32 $0x1900, s1  }
0x7: {  	[smem:$0x7FF] =	sst s3;
	s4 =	smul.u32 $0x1900, s4;
	s9 =	sshrl.u32 s6, $0x1  }
0x8: {  	_ =	strace $0x80000047;
	s17 =	ssub.s32 s6, s9;
	s24 =	sadd.s32 s1, s20  }
0x9: {  	s19 =	sadd.s32 s10, s7;
	s21 =	sor.u32 $0x80, s4;
	[dreg:$0x8] =	wrdreg s24  }
0xa: {  	s5 =	sshrl.u32 s4, $0x3;
	s26 =	sor.u32 $0x80, s24;
	[dreg:$0x5] =	wrdreg s21  }
0xb: {  	s6 =	sshrl.u32 s19, $0x2;
	s28 =	sadd.s32 $0x100, s24;
	[dreg:$0xa] =	wrdreg s26  }
0xc: {  	s31 =	sadd.s32 $0x180, s24;
	s8 =	sadd.s32 s5, s0;
	[dreg:$0xb] =	wrdreg s28  }
0xd: {  	s5 =	sadd.s32 $0xF43000, s0;
	s0 =	sadd.s32 $0x7000, s0;
	[dreg:$0xc] =	wrdreg s31  }
0xe: {  	s22 =	sor.u32 $0x3C0, s19;
	s25 =	sadd.s32 $0xB900, s6;
	[dreg:$0x3] =	wrdreg s0  }
0xf: {  	s23 =	sshrl.u32 s22, $0x2;
	s18 =	sadd.s32 $0xC00, s8;
	[dreg:$0x9] =	wrdreg s25  }
0x10: {  	s26 =	simm.s32 $0x4;
	s0 =	smax.u32 s17, $0x1;
	[dreg:$0x4] =	wrdreg s18  }
0x11: {  	s6 =	simm.s32 $0x0;
	[dreg:$0x6] =	wrdreg s0;
	s0 =	sadd.s32 $0xB900, s23  }
0x12: {  	s25 =	simm.s32 $0x6;
	[dreg:$0x7] =	wrdreg s0;
	s0 =	sadd.s32 $0x200, s24  }
0x13: {  	vm0 =	vmmov $0xffff;
	s23 =	simm.s32 $0x5900;
	s24 =	simm.s32 $0x3;
	[dreg:$0xd] =	wrdreg s0  }
.LBB2_1:
0x14: {  	[dreg:$0xe] =	wrdreg s6  }
0x15: {  	s0 =	rddreg [dreg:$0x3];
	s1 =	simm.s32 $0xB900;
	s6 =	simm.s32 $0xB  }
0x16: {  	[tilespmem:s1], [sflag:$0xB] =	stream.linear.gather [hbm4b:s0+s3], $0x5200, $0x38;
	[tilespmem:$0x10B00] =	vst v63  }
0x17: {  	_ =	swait.ge [sflag:s6], $0x5200  }
0x18: {  	[sflag:s6] =	ssyncset.done $0x0  }
0x19: {  	s7 =	rddreg [dreg:$0x4];
	[sflag:s6] =	ssyncadd.s32 $0xFFFFAE00  }
0x1a: {  	[tilespmem:s3], [sflag:$0xB] =	stream.linear.gather [hbm4b:s7+s3], $0x1900, $0x38;
	[tilespmem:$0x10B00] =	vst v63  }
0x1b: {  	_ =	swait.ge [sflag:s6], $0x1900  }
0x1c: {  	[sflag:s6] =	ssyncset.done $0x0  }
0x1d: {  	[sflag:s6] =	ssyncadd.s32 $0xFFFFE700  }
0x1e: {  	v0 =	vld [tilespmem:$0x0];
	_ =	sdelay $0x6  }
0x1f: {  	s8 =	simm.s32 $0x1900  }
0x20: {  	[tilespmem:s8], [sflag:$0x1] =	stream.indirect_vreg.gather [hbm4b:s5+s3], $0x40, v0, vm0, $0xb8;
	[tilespmem:$0x10B00] =	vst v63  }
0x21: {  	v0 =	vld [tilespmem:$0x10];
	_ =	sdelay $0x6  }
0x22: {  	s9 =	simm.s32 $0x1D00  }
0x23: {  	[tilespmem:s9], [sflag:$0x1] =	stream.indirect_vreg.gather [hbm4b:s5+s3], $0x40, v0, vm0, $0xb8;
	[tilespmem:$0x10B00] =	vst v63  }
0x24: {  	v0 =	vld [tilespmem:$0x20];
	_ =	sdelay $0x6  }
0x25: {  	s10 =	simm.s32 $0x2100  }
0x26: {  	[tilespmem:s10], [sflag:$0x1] =	stream.indirect_vreg.gather [hbm4b:s5+s3], $0x40, v0, vm0, $0xb8;
	[tilespmem:$0x10B00] =	vst v63  }
0x27: {  	v0 =	vld [tilespmem:$0x30];
	_ =	sdelay $0x6  }
0x28: {  	s11 =	simm.s32 $0x2500  }
0x29: {  	[tilespmem:s11], [sflag:$0x1] =	stream.indirect_vreg.gather [hbm4b:s5+s3], $0x40, v0, vm0, $0xb8;
	[tilespmem:$0x10B00] =	vst v63  }
0x2a: {  	v0 =	vld [tilespmem:$0x40];
	_ =	sdelay $0x6  }
0x2b: {  	s13 =	simm.s32 $0x2900  }
0x2c: {  	[tilespmem:s13], [sflag:$0x1] =	stream.indirect_vreg.gather [hbm4b:s5+s3], $0x40, v0, vm0, $0xb8;
	[tilespmem:$0x10B00] =	vst v63  }
0x2d: {  	v0 =	vld [tilespmem:$0x50];
	_ =	sdelay $0x6  }
0x2e: {  	s14 =	simm.s32 $0x2D00  }
0x2f: {  	[tilespmem:s14], [sflag:$0x1] =	stream.indirect_vreg.gather [hbm4b:s5+s3], $0x40, v0, vm0, $0xb8;
	[tilespmem:$0x10B00] =	vst v63  }
0x30: {  	v0 =	vld [tilespmem:$0x60];
	_ =	sdelay $0x6  }
0x31: {  	s15 =	simm.s32 $0x3100  }
0x32: {  	[tilespmem:s15], [sflag:$0x1] =	stream.indirect_vreg.gather [hbm4b:s5+s3], $0x40, v0, vm0, $0xb8;
	[tilespmem:$0x10B00] =	vst v63  }
0x33: {  	v0 =	vld [tilespmem:$0x70];
	_ =	sdelay $0x6  }
0x34: {  	s16 =	simm.s32 $0x3500  }
0x35: {  	[tilespmem:s16], [sflag:$0x1] =	stream.indirect_vreg.gather [hbm4b:s5+s3], $0x40, v0, vm0, $0xb8;
	[tilespmem:$0x10B00] =	vst v63  }
0x36: {  	v0 =	vld [tilespmem:$0x80];
	_ =	sdelay $0x6  }
0x37: {  	s17 =	simm.s32 $0x3900  }
0x38: {  	[tilespmem:s17], [sflag:$0x2] =	stream.indirect_vreg.gather [hbm4b:s5+s3], $0x40, v0, vm0, $0xb8;
	[tilespmem:$0x10B00] =	vst v63  }
0x39: {  	v0 =	vld [tilespmem:$0x90];
	_ =	sdelay $0x6  }
0x3a: {  	s18 =	simm.s32 $0x3D00  }
0x3b: {  	[tilespmem:s18], [sflag:$0x2] =	stream.indirect_vreg.gather [hbm4b:s5+s3], $0x40, v0, vm0, $0xb8;
	[tilespmem:$0x10B00] =	vst v63  }
0x3c: {  	v0 =	vld [tilespmem:$0xA0];
	_ =	sdelay $0x6  }
0x3d: {  	s19 =	simm.s32 $0x4100  }
0x3e: {  	[tilespmem:s19], [sflag:$0x2] =	stream.indirect_vreg.gather [hbm4b:s5+s3], $0x40, v0, vm0, $0xb8;
	[tilespmem:$0x10B00] =	vst v63  }
0x3f: {  	v0 =	vld [tilespmem:$0xB0];
	_ =	sdelay $0x6  }
0x40: {  	s20 =	simm.s32 $0x4500  }
0x41: {  	[tilespmem:s20], [sflag:$0x2] =	stream.indirect_vreg.gather [hbm4b:s5+s3], $0x40, v0, vm0, $0xb8;
	[tilespmem:$0x10B00] =	vst v63  }
0x42: {  	v0 =	vld [tilespmem:$0xC0];
	_ =	sdelay $0x6  }
0x43: {  	s21 =	simm.s32 $0x4900  }
0x44: {  	[tilespmem:s21], [sflag:$0x2] =	stream.indirect_vreg.gather [hbm4b:s5+s3], $0x40, v0, vm0, $0xb8;
	[tilespmem:$0x10B00] =	vst v63  }
0x45: {  	v0 =	vld [tilespmem:$0xD0];
	_ =	sdelay $0x6  }
0x46: {  	s22 =	simm.s32 $0x4D00  }
0x47: {  	[tilespmem:s22], [sflag:$0x2] =	stream.indirect_vreg.gather [hbm4b:s5+s3], $0x40, v0, vm0, $0xb8;
	[tilespmem:$0x10B00] =	vst v63  }
0x48: {  	v0 =	vld [tilespmem:$0xE0];
	_ =	sdelay $0x6  }
0x49: {  	s28 =	simm.s32 $0x5100  }
0x4a: {  	[tilespmem:s28], [sflag:$0x2] =	stream.indirect_vreg.gather [hbm4b:s5+s3], $0x40, v0, vm0, $0xb8;
	[tilespmem:$0x10B00] =	vst v63  }
0x4b: {  	v0 =	vld [tilespmem:$0xF0]  }
0x4c: {  	s0 =	rddreg [dreg:$0xd]  }
0x4d: {  	s7 =	rddreg [dreg:$0x9]  }
0x4e: {  	s6 =	rddreg [dreg:$0xa]  }
0x4f: {  	s9 =	rddreg [dreg:$0x8]  }
0x50: {  	s10 =	rddreg [dreg:$0x7]  }
0x51: {  	s17 =	rddreg [dreg:$0xc]  }
0x52: {  	s31 =	simm.s32 $0x5500;
	s14 =	simm.s32 $0x0;
	s20 =	rddreg [dreg:$0xb]  }
0x53: {  	[tilespmem:s31], [sflag:$0x2] =	stream.indirect_vreg.gather [hbm4b:s5+s3], $0x40, v0, vm0, $0xb8;
	[tilespmem:$0x10B00] =	vst v63  }
.LBB2_2:
0x54: {  	p0 =	seq.s32 s14, $0x0  }
0x55: {  	s1 =	simm.s32 @!p0 $0x8  }
0x56: {  	_ =	swait.ge @!p0 [sflag:s1], $0x2000  }
0x57: {  	s15 =	smul.u32 $0x280, s14;
	[sflag:s1] =	ssyncset.done @!p0 $0x0  }
0x58: {  	[sflag:s1] =	ssyncadd.s32 @!p0 $0xFFFFE000  }
0x59: {  	v0 =	vld [tilespmem:s15+$0x100];
	_ =	sdelay $0x7  }
0x5a: {  	[tilespmem:s23], [sflag:$0x3] =	stream.indirect_vreg.gather [hbm4b:s5+s3], $0x40, v0, vm0, $0xb8;
	[tilespmem:$0x10B00] =	vst v63  }
0x5b: {  	v0 =	vld [tilespmem:s15+$0x110];
	_ =	sdelay $0x6  }
0x5c: {  	s8 =	simm.s32 $0x5D00  }
0x5d: {  	[tilespmem:s8], [sflag:$0x3] =	stream.indirect_vreg.gather [hbm4b:s5+s3], $0x40, v0, vm0, $0xb8;
	[tilespmem:$0x10B00] =	vst v63  }
0x5e: {  	v0 =	vld [tilespmem:s15+$0x120];
	_ =	sdelay $0x6  }
0x5f: {  	s11 =	simm.s32 $0x6100  }
0x60: {  	[tilespmem:s11], [sflag:$0x3] =	stream.indirect_vreg.gather [hbm4b:s5+s3], $0x40, v0, vm0, $0xb8;
	[tilespmem:$0x10B00] =	vst v63  }
0x61: {  	v0 =	vld [tilespmem:s15+$0x130];
	_ =	sdelay $0x6  }
0x62: {  	s13 =	simm.s32 $0x6500  }
0x63: {  	[tilespmem:s13], [sflag:$0x3] =	stream.indirect_vreg.gather [hbm4b:s5+s3], $0x40, v0, vm0, $0xb8;
	[tilespmem:$0x10B00] =	vst v63  }
0x64: {  	v0 =	vld [tilespmem:s15+$0x140];
	_ =	sdelay $0x6  }
0x65: {  	s16 =	simm.s32 $0x6900  }
0x66: {  	[tilespmem:s16], [sflag:$0x3] =	stream.indirect_vreg.gather [hbm4b:s5+s3], $0x40, v0, vm0, $0xb8;
	[tilespmem:$0x10B00] =	vst v63  }
0x67: {  	v0 =	vld [tilespmem:s15+$0x150];
	_ =	sdelay $0x6  }
0x68: {  	s18 =	simm.s32 $0x6D00  }
0x69: {  	[tilespmem:s18], [sflag:$0x3] =	stream.indirect_vreg.gather [hbm4b:s5+s3], $0x40, v0, vm0, $0xb8;
	[tilespmem:$0x10B00] =	vst v63  }
0x6a: {  	v0 =	vld [tilespmem:s15+$0x160];
	_ =	sdelay $0x6  }
0x6b: {  	s19 =	simm.s32 $0x7100  }
0x6c: {  	[tilespmem:s19], [sflag:$0x3] =	stream.indirect_vreg.gather [hbm4b:s5+s3], $0x40, v0, vm0, $0xb8;
	[tilespmem:$0x10B00] =	vst v63  }
0x6d: {  	v0 =	vld [tilespmem:s15+$0x170];
	_ =	sdelay $0x6  }
0x6e: {  	s21 =	smulhi.u32 $0x51EB851F, s9;
	s22 =	simm.s32 $0x1;
	s8 =	simm.s32 $0x7500  }
0x6f: {  	[tilespmem:s8], [sflag:$0x3] =	stream.indirect_vreg.gather [hbm4b:s5+s3], $0x40, v0, vm0, $0xb8;
	[tilespmem:$0x10B00] =	vst v63  }
0x70: {  	s1 =	sshrl.u32 s21, $0x6;
	_ =	swait.ge [sflag:s22], $0x2000  }
0x71: {  	s1 =	smul.u32 $0xFFFF3800, s1;
	[sflag:s22] =	ssyncset.done $0x0  }
0x72: {  	[sflag:s22] =	ssyncadd.s32 $0xFFFFE000;
	s22 =	simm.s32 $0x1980  }
0x73: {  	s1 =	sshra.s32 s1, $0x2;
	v0 =	vld [tilespmem:s22+$0x40]  }
0x74: {  	s8 =	sadd.s32 s1, s10;
	v1 =	vld [tilespmem:s22+$0xFFFFFFC0]  }
0x75: {  	v2 =	vld [tilespmem:s8+$0xFFFFFFD0]  }
0x76: {  	v3 =	vld [tilespmem:s22+$0xFFFFFF80]  }
0x77: {  	v4 =	vld [tilespmem:s22+$0x0]  }
0x78: {  	v5 =	vld [tilespmem:s8+$0xFFFFFF10]  }
0x79: {  	v6 =	vld [tilespmem:s8+$0xFFFFFF50]  }
0x7a: {  	v7 =	vld [tilespmem:s8+$0xFFFFFF90]  }
0x7b: {  	s19 =	simm.s32 $0x1A80;
	v8 =	vld [tilespmem:s22+$0xFFFFFF90]  }
0x7c: {  	v9 =	vld [tilespmem:s19+$0x40]  }
0x7d: {  	s28 =	sadd.s32 $0x100, s8;
	v10 =	vld [tilespmem:s19+$0xFFFFFFC0]  }
0x7e: {  	v11 =	vld [tilespmem:s28+$0xFFFFFFD0]  }
0x7f: {  	v12 =	vld [tilespmem:s19+$0xFFFFFF80]  }
0x80: {  	v13 =	vld [tilespmem:s19+$0x0]  }
0x81: {  	v14 =	vld [tilespmem:s28+$0xFFFFFF10]  }
0x82: {  	v15 =	vld [tilespmem:s28+$0xFFFFFF50]  }
0x83: {  	v16 =	vld [tilespmem:s28+$0xFFFFFF90]  }
0x84: {  	v17 =	vld [tilespmem:s19+$0xFFFFFF90]  }
0x85: {  	v54 =	vld [tilespmem:s19+$0xFFFFFFD0]  }
0x86: {  	v55 =	vld [tilespmem:s19+$0x10]  }
0x87: {  	v56 =	vld [tilespmem:s19+$0xFFFFFFA0]  }
0x88: {  	v57 =	vld [tilespmem:s19+$0x60];
	v0 =	vmul.f32 $8.000000000e+00, v0  }
0x89: {  	v60 =	vld [tilespmem:s19+$0xFFFFFFE0];
	v3 =	vmul.f32 $8.000000000e+00, v3  }
0x8a: {  	v1 =	vmul.f32 $8.000000000e+00, v1;
	v0 =	vadd.f32 v2, v0;
	v2 =	vld [tilespmem:s22+$0x50]  }
0x8b: {  	v9 =	vmul.f32 $8.000000000e+00, v9;
	v3 =	vadd.f32 v5, v3;
	v5 =	vld [tilespmem:s22+$0xFFFFFFD0]  }
0x8c: {  	v4 =	vmul.f32 $8.000000000e+00, v4;
	v1 =	vadd.f32 v6, v1;
	v6 =	vld [tilespmem:s22+$0x10]  }
0x8d: {  	v9 =	vadd.f32 v11, v9;
	v11 =	vld [tilespmem:s19+$0x50];
	[tilespmem:s22+$0x40] =	vst v0  }
0x8e: {  	v12 =	vmul.f32 $8.000000000e+00, v12;
	[tilespmem:s22+$0xFFFFFFC0] =	vst v1;
	v1 =	vadd.f32 v7, v4;
	v7 =	vld [tilespmem:s22+$0xFFFFFFA0]  }
0x8f: {  	v13 =	vmul.f32 $8.000000000e+00, v13;
	[tilespmem:s22+$0xFFFFFF80] =	vst v3;
	v0 =	vld [tilespmem:s8+$0xFFFFFFE0]  }
0x90: {  	v12 =	vadd.f32 v14, v12;
	v3 =	vld [tilespmem:s8+$0xFFFFFF20]  }
0x91: {  	v13 =	vadd.f32 v16, v13;
	[tilespmem:s19+$0x40] =	vst v9;
	v9 =	vmul.f32 $8.000000000e+00, v10;
	v4 =	vld [tilespmem:s8+$0xFFFFFF60]  }
0x92: {  	[tilespmem:s19+$0xFFFFFF80] =	vst v12;
	v10 =	vld [tilespmem:s28+$0xFFFFFFE0]  }
0x93: {  	[tilespmem:s19+$0x0] =	vst v13;
	v12 =	vld [tilespmem:s28+$0xFFFFFF20];
	v9 =	vadd.f32 v15, v9  }
0x94: {  	v58 =	vld [tilespmem:s28+$0xFFFFFFA0];
	[tilespmem:s22+$0x0] =	vst v1  }
0x95: {  	v1 =	vld [tilespmem:s22+$0x60];
	v2 =	vmul.f32 $8.000000000e+00, v2;
	[tilespmem:s19+$0xFFFFFFC0] =	vst v9  }
0x96: {  	v5 =	vmul.f32 $8.000000000e+00, v5;
	v11 =	vmul.f32 $8.000000000e+00, v11;
	v9 =	vld [tilespmem:s28+$0xFFFFFF60]  }
0x97: {  	v0 =	vadd.f32 v0, v2;
	v2 =	vmul.f32 $8.000000000e+00, v8;
	v8 =	vld [tilespmem:s8+$0xFFFFFFA0]  }
0x98: {  	v4 =	vadd.f32 v4, v5;
	v5 =	vmul.f32 $8.000000000e+00, v6;
	v6 =	vld [tilespmem:s22+$0x20];
	v10 =	vadd.f32 v10, v11  }
0x99: {  	v11 =	vmul.f32 $8.000000000e+00, v17;
	[tilespmem:s22+$0x50] =	vst v0;
	v2 =	vadd.f32 v3, v2;
	v3 =	vld [tilespmem:s22+$0xFFFFFFE0]  }
0x9a: {  	[tilespmem:s19+$0x50] =	vst v10;
	v10 =	vmul.f32 $8.000000000e+00, v54;
	v0 =	vld [tilespmem:s8+$0xFFFFFFF0]  }
0x9b: {  	v11 =	vadd.f32 v12, v11;
	v59 =	vld [tilespmem:s28+$0xFFFFFFF0]  }
0x9c: {  	[tilespmem:s22+$0xFFFFFF90] =	vst v2;
	v9 =	vadd.f32 v9, v10;
	v10 =	vld [tilespmem:s19+$0x20]  }
0x9d: {  	[tilespmem:s19+$0xFFFFFF90] =	vst v11;
	v11 =	vld [tilespmem:s19+$0xFFFFFFB0]  }
0x9e: {  	[tilespmem:s22+$0xFFFFFFD0] =	vst v4;
	v2 =	vld [tilespmem:s8+$0xFFFFFF30]  }
0x9f: {  	v4 =	vadd.f32 v8, v5;
	v5 =	vld [tilespmem:s8+$0xFFFFFF70]  }
0xa0: {  	v15 =	vmul.f32 $8.000000000e+00, v55;
	v1 =	vmul.f32 $8.000000000e+00, v1;
	v8 =	vld [tilespmem:s22+$0xFFFFFFB0]  }
0xa1: {  	v61 =	vld [tilespmem:s28+$0xFFFFFF30];
	[tilespmem:s19+$0xFFFFFFD0] =	vst v9  }
0xa2: {  	v9 =	vadd.f32 v58, v15;
	[tilespmem:s22+$0x10] =	vst v4;
	v4 =	vld [tilespmem:s22+$0x70];
	v0 =	vadd.f32 v0, v1;
	v1 =	vmul.f32 $8.000000000e+00, v7  }
0xa3: {  	v62 =	vld [tilespmem:s28+$0xFFFFFF70]  }
0xa4: {  	v3 =	vmul.f32 $8.000000000e+00, v3;
	v7 =	vld [tilespmem:s8+$0xFFFFFFB0];
	[tilespmem:s19+$0x10] =	vst v9;
	v1 =	vadd.f32 v2, v1  }
0xa5: {  	v9 =	vld [tilespmem:s28+$0xFFFFFFB0];
	[tilespmem:s22+$0x60] =	vst v0  }
0xa6: {  	s23 =	smulhi.u32 $0x51EB851F, s0;
	v3 =	vadd.f32 v5, v3;
	v0 =	vld [tilespmem:s8+$0x0];
	[tilespmem:s22+$0xFFFFFFA0] =	vst v1  }
0xa7: {  	s11 =	smulhi.u32 $0x51EB851F, s17;
	v13 =	vmul.f32 $8.000000000e+00, v57;
	v1 =	vld [tilespmem:s8+$0xFFFFFF40]  }
0xa8: {  	s13 =	smulhi.u32 $0x51EB851F, s20;
	v6 =	vmul.f32 $8.000000000e+00, v6;
	v2 =	vld [tilespmem:s22+$0xFFFFFFF0];
	[tilespmem:s22+$0xFFFFFFE0] =	vst v3  }
0xa9: {  	s11 =	sshrl.u32 s11, $0x6;
	s16 =	smulhi.u32 $0x51EB851F, s6;
	v13 =	vadd.f32 v59, v13;
	v4 =	vmul.f32 $8.000000000e+00, v4;
	v3 =	vld [tilespmem:s8+$0xFFFFFF80]  }
0xaa: {  	s11 =	smul.u32 $0xFFFF3800, s11;
	s13 =	sshrl.u32 s13, $0x6;
	v6 =	vadd.f32 v7, v6;
	v7 =	vmul.f32 $8.000000000e+00, v8;
	v8 =	vld [tilespmem:s19+$0x70]  }
0xab: {  	s13 =	smul.u32 $0xFFFF3800, s13;
	s16 =	sshrl.u32 s16, $0x6;
	v5 =	vld [tilespmem:s22+$0x30];
	[tilespmem:s19+$0x60] =	vst v13;
	v0 =	vadd.f32 v0, v4;
	v4 =	vmul.f32 $8.000000000e+00, v56  }
0xac: {  	s18 =	smul.u32 $0xFFFF3800, s16;
	s1 =	sshrl.u32 s23, $0x6;
	v63 =	vld [tilespmem:s28+$0x0];
	[tilespmem:s22+$0x20] =	vst v6;
	v6 =	vadd.f32 v1, v7;
	v7 =	vmul.f32 $8.000000000e+00, v60  }
0xad: {  	s11 =	sshra.s32 s11, $0x2;
	s1 =	smul.u32 $0xFFFF3800, s1;
	[tilespmem:s22+$0x70] =	vst v0;
	v0 =	vmul.f32 $8.000000000e+00, v2;
	v4 =	vadd.f32 v61, v4;
	v1 =	vld [tilespmem:s19+$0xFFFFFFF0]  }
0xae: {  	s31 =	simm.s32 $0x1B80;
	s11 =	sadd.s32 s11, s7;
	s21 =	sshra.s32 s13, $0x2;
	v2 =	vld [tilespmem:s19+$0x30];
	[tilespmem:s22+$0xFFFFFFB0] =	vst v6;
	v6 =	vadd.f32 v62, v7;
	v7 =	vmul.f32 $8.000000000e+00, v10  }
0xaf: {  	s23 =	sshra.s32 s18, $0x2;
	s18 =	sadd.s32 s21, s7;
	s1 =	sshra.s32 s1, $0x2;
	v3 =	vadd.f32 v3, v0;
	[tilespmem:s19+$0xFFFFFFA0] =	vst v4;
	v10 =	vmul.f32 $8.000000000e+00, v8;
	v4 =	vld [tilespmem:s8+$0xFFFFFFC0]  }
0xb0: {  	s21 =	sadd.s32 s4, s15;
	s13 =	smov.u32 s28;
	s16 =	sadd.s32 s1, s7;
	v0 =	vmul.f32 $8.000000000e+00, v5;
	v5 =	vld [tilespmem:s28+$0xFFFFFF40];
	[tilespmem:s19+$0xFFFFFFE0] =	vst v6;
	v8 =	vadd.f32 v9, v7  }
0xb1: {  	s1 =	simm.s32 $0x4;
	s8 =	sadd.s32 s23, s7;
	s23 =	sadd.s32 $0x100, s15;
	[tilespmem:s22+$0xFFFFFFF0] =	vst v3;
	v3 =	vmul.f32 $8.000000000e+00, v11;
	v7 =	vadd.f32 v63, v10;
	v6 =	vld [tilespmem:s28+$0xFFFFFF80]  }
.LBB2_3:
0xb2: {  	v9 =	vld [tilespmem:s31+$0x40];
	s1 =	sadd.s32 $0x4, s1;
	v1 =	vmul.f32 $8.000000000e+00, v1;
	[tilespmem:s19+$0x20] =	vst v8  }
0xb3: {  	s28 =	sadd.s32 $0x100, s28;
	v8 =	vld [tilespmem:s31+$0xFFFFFFC0];
	p1 =	slt.u32 s1, $0x7C;
	v2 =	vmul.f32 $8.000000000e+00, v2;
	[tilespmem:s19+$0x70] =	vst v7  }
0xb4: {  	v7 =	vld [tilespmem:s28+$0xFFFFFFD0];
	v4 =	vadd.f32 v4, v0  }
0xb5: {  	v10 =	vld [tilespmem:s31+$0x0];
	v3 =	vadd.f32 v5, v3;
	v0 =	vmov v2  }
0xb6: {  	v2 =	vld [tilespmem:s31+$0xFFFFFF80];
	v1 =	vadd.f32 v6, v1;
	[tilespmem:s22+$0x30] =	vst v4;
	s22 =	smov.u32 s19;
	s19 =	smov.u32 s31  }
0xb7: {  	v4 =	vld [tilespmem:s28+$0xFFFFFF10];
	v5 =	vmul.f32 $8.000000000e+00, v9;
	[tilespmem:s22+$0xFFFFFFB0] =	vst v3  }
0xb8: {  	v3 =	vmul.f32 $8.000000000e+00, v8;
	v6 =	vld [tilespmem:s28+$0xFFFFFF50];
	[tilespmem:s22+$0xFFFFFFF0] =	vst v1  }
0xb9: {  	v1 =	vld [tilespmem:s28+$0xFFFFFF90];
	v5 =	vadd.f32 v7, v5  }
0xba: {  	v7 =	vmul.f32 $8.000000000e+00, v10;
	v8 =	vld [tilespmem:s31+$0x50]  }
0xbb: {  	v2 =	vmul.f32 $8.000000000e+00, v2;
	v9 =	vld [tilespmem:s31+$0xFFFFFF90];
	[tilespmem:s31+$0x40] =	vst v5  }
0xbc: {  	v5 =	vld [tilespmem:s28+$0xFFFFFFE0]  }
0xbd: {  	v2 =	vadd.f32 v4, v2;
	v3 =	vadd.f32 v6, v3;
	v4 =	vld [tilespmem:s31+$0xFFFFFFD0]  }
0xbe: {  	v1 =	vadd.f32 v1, v7;
	v6 =	vld [tilespmem:s31+$0x10]  }
0xbf: {  	[tilespmem:s31+$0xFFFFFF80] =	vst v2;
	v2 =	vld [tilespmem:s31+$0xFFFFFFA0];
	v7 =	vmul.f32 $8.000000000e+00, v8  }
0xc0: {  	v8 =	vmul.f32 $8.000000000e+00, v9;
	v9 =	vld [tilespmem:s28+$0xFFFFFF20];
	[tilespmem:s31+$0xFFFFFFC0] =	vst v3  }
0xc1: {  	v3 =	vld [tilespmem:s28+$0xFFFFFF60];
	[tilespmem:s31+$0x0] =	vst v1;
	v1 =	vadd.f32 v5, v7  }
0xc2: {  	v4 =	vmul.f32 $8.000000000e+00, v4;
	v5 =	vld [tilespmem:s31+$0x60]  }
0xc3: {  	v6 =	vmul.f32 $8.000000000e+00, v6;
	v7 =	vld [tilespmem:s28+$0xFFFFFFA0];
	[tilespmem:s31+$0x50] =	vst v1  }
0xc4: {  	v1 =	vmul.f32 $8.000000000e+00, v2;
	v2 =	vld [tilespmem:s28+$0xFFFFFFF0]  }
0xc5: {  	v8 =	vadd.f32 v9, v8;
	v9 =	vld [tilespmem:s31+$0xFFFFFFE0]  }
0xc6: {  	v3 =	vadd.f32 v3, v4;
	v4 =	vld [tilespmem:s31+$0x20]  }
0xc7: {  	[tilespmem:s31+$0xFFFFFF90] =	vst v8;
	v8 =	vld [tilespmem:s31+$0xFFFFFFB0];
	v5 =	vmul.f32 $8.000000000e+00, v5  }
0xc8: {  	v10 =	vld [tilespmem:s28+$0xFFFFFF30];
	[tilespmem:s31+$0xFFFFFFD0] =	vst v3;
	v3 =	vadd.f32 v7, v6  }
0xc9: {  	v6 =	vld [tilespmem:s28+$0xFFFFFF70];
	v2 =	vadd.f32 v2, v5  }
0xca: {  	v5 =	vmul.f32 $8.000000000e+00, v9;
	[tilespmem:s31+$0x10] =	vst v3;
	v7 =	vld [tilespmem:s31+$0x70]  }
0xcb: {  	v9 =	vmul.f32 $8.000000000e+00, v4;
	v11 =	vld [tilespmem:s28+$0xFFFFFFB0];
	[tilespmem:s31+$0x60] =	vst v2  }
0xcc: {  	v3 =	vmul.f32 $8.000000000e+00, v8;
	v12 =	vld [tilespmem:s28+$0x0]  }
.Ltmp0:
0xcd: {  	v4 =	vadd.f32 v10, v1;
	v1 =	vld [tilespmem:s31+$0xFFFFFFF0];
	(pc) =	sbr.rel @p1 .LBB2_3-.Ltmp0, $4  }
0xce: {  	v6 =	vadd.f32 v6, v5;
	v2 =	vld [tilespmem:s31+$0x30]  }
0xcf: {  	[tilespmem:s31+$0xFFFFFFA0] =	vst v4;
	v7 =	vmul.f32 $8.000000000e+00, v7;
	v4 =	vld [tilespmem:s13+$0xFFFFFFC0];
	s13 =	smov.u32 s28  }
0xd0: {  	v5 =	vld [tilespmem:s28+$0xFFFFFF40];
	[tilespmem:s31+$0xFFFFFFE0] =	vst v6;
	v8 =	vadd.f32 v11, v9  }
0xd1: {  	s31 =	sadd.s32 $0x100, s31;
	v6 =	vld [tilespmem:s28+$0xFFFFFF80];
	v7 =	vadd.f32 v12, v7  }
0xd2: {  	[tilespmem:s19+$0x20] =	vst v8  }
0xd3: {  	v8 =	vld [tilespmem:s13+$0xFFFFFFC0];
	_ =	sdelay $0x1  }
0xd4: {  	v1 =	vmul.f32 $8.000000000e+00, v1;
	v0 =	vadd.f32 v4, v0  }
0xd5: {  	v2 =	vmul.f32 $8.000000000e+00, v2;
	[tilespmem:s19+$0x70] =	vst v7;
	v3 =	vadd.f32 v5, v3  }
0xd6: {  	v1 =	vadd.f32 v6, v1;
	[tilespmem:s22+$0x30] =	vst v0  }
0xd7: {  	[tilespmem:s19+$0xFFFFFFB0] =	vst v3;
	v0 =	vadd.f32 v8, v2  }
0xd8: {  	s1 =	sshll.u32 s21, $0x3;
	[tilespmem:s19+$0xFFFFFFF0] =	vst v1  }
0xd9: {  	s1 =	sadd.s32 s2, s1;
	s22 =	simm.s32 $0x1900;
	[tilespmem:s19+$0x30] =	vst v0  }
0xda: {  	[hbm4b:s1+s3] =	stream.linear.scatter [tilespmem:s22], [sflag:$0x6], $0x2000, $0x38;
	[tilespmem:$0x10B00] =	vst v63  }
0xdb: {  	s1 =	simm.s32 @!p0 $0x9  }
0xdc: {  	_ =	swait.ge @!p0 [sflag:s1], $0x2000  }
0xdd: {  	[sflag:s1] =	ssyncset.done @!p0 $0x0  }
0xde: {  	[sflag:s1] =	ssyncadd.s32 @!p0 $0xFFFFE000  }
0xdf: {  	v0 =	vld [tilespmem:s15+$0x180];
	_ =	sdelay $0x6  }
0xe0: {  	s31 =	simm.s32 $0x7900;
	s1 =	simm.s32 $0x0  }
0xe1: {  	[tilespmem:s31], [sflag:$0x4] =	stream.indirect_vreg.gather [hbm4b:s5+s1], $0x40, v0, vm0, $0xb8;
	[tilespmem:$0x10B00] =	vst v63  }
0xe2: {  	v0 =	vld [tilespmem:s15+$0x190];
	_ =	sdelay $0x6  }
0xe3: {  	s19 =	simm.s32 $0x7D00  }
0xe4: {  	[tilespmem:s19], [sflag:$0x4] =	stream.indirect_vreg.gather [hbm4b:s5+s1], $0x40, v0, vm0, $0xb8;
	[tilespmem:$0x10B00] =	vst v63  }
0xe5: {  	v0 =	vld [tilespmem:s15+$0x1A0];
	_ =	sdelay $0x6  }
0xe6: {  	s21 =	simm.s32 $0x8100  }
0xe7: {  	[tilespmem:s21], [sflag:$0x4] =	stream.indirect_vreg.gather [hbm4b:s5+s1], $0x40, v0, vm0, $0xb8;
	[tilespmem:$0x10B00] =	vst v63  }
0xe8: {  	v0 =	vld [tilespmem:s15+$0x1B0];
	_ =	sdelay $0x6  }
0xe9: {  	s22 =	simm.s32 $0x8500  }
0xea: {  	[tilespmem:s22], [sflag:$0x4] =	stream.indirect_vreg.gather [hbm4b:s5+s1], $0x40, v0, vm0, $0xb8;
	[tilespmem:$0x10B00] =	vst v63  }
0xeb: {  	v0 =	vld [tilespmem:s15+$0x1C0];
	_ =	sdelay $0x6  }
0xec: {  	s19 =	simm.s32 $0x8900  }
0xed: {  	[tilespmem:s19], [sflag:$0x4] =	stream.indirect_vreg.gather [hbm4b:s5+s1], $0x40, v0, vm0, $0xb8;
	[tilespmem:$0x10B00] =	vst v63  }
0xee: {  	v0 =	vld [tilespmem:s15+$0x1D0];
	_ =	sdelay $0x6  }
0xef: {  	s21 =	simm.s32 $0x8D00  }
0xf0: {  	[tilespmem:s21], [sflag:$0x4] =	stream.indirect_vreg.gather [hbm4b:s5+s1], $0x40, v0, vm0, $0xb8;
	[tilespmem:$0x10B00] =	vst v63  }
0xf1: {  	v0 =	vld [tilespmem:s15+$0x1E0];
	_ =	sdelay $0x6  }
0xf2: {  	s22 =	simm.s32 $0x9100  }
0xf3: {  	[tilespmem:s22], [sflag:$0x4] =	stream.indirect_vreg.gather [hbm4b:s5+s1], $0x40, v0, vm0, $0xb8;
	[tilespmem:$0x10B00] =	vst v63  }
0xf4: {  	v0 =	vld [tilespmem:s15+$0x1F0];
	_ =	sdelay $0x6  }
0xf5: {  	s19 =	simm.s32 $0x9500  }
0xf6: {  	[tilespmem:s19], [sflag:$0x4] =	stream.indirect_vreg.gather [hbm4b:s5+s1], $0x40, v0, vm0, $0xb8;
	[tilespmem:$0x10B00] =	vst v63  }
0xf7: {  	_ =	swait.ge [sflag:s12], $0x2000  }
0xf8: {  	[sflag:s12] =	ssyncset.done $0x0  }
0xf9: {  	s19 =	simm.s32 $0x0;
	[sflag:s12] =	ssyncadd.s32 $0xFFFFE000  }
0xfa: {  	v1 =	vld [tilespmem:s19+$0x39C0]  }
0xfb: {  	v0 =	vmov s8;
	v3 =	vld [tilespmem:s19+$0x3900]  }
0xfc: {  	v4 =	vld [tilespmem:s19+$0x3940]  }
0xfd: {  	v5 =	vld [tilespmem:s19+$0x3980]  }
0xfe: {  	v8 =	vld [tilespmem:s19+$0x3910]  }
0xff: {  	v11 =	vld [tilespmem:s19+$0x3930]  }
0x100: {  	v2 =	vld.idx.msk [tilespmem:v0+s19+$0x20C0 ss:$0x1], $0xffff  }
0x101: {  	s28 =	simm.s32 $0x100;
	v12 =	vld [tilespmem:s19+$0x39F0]  }
0x102: {  	v14 =	vld [tilespmem:s28+$0x3900]  }
0x103: {  	v15 =	vld [tilespmem:s28+$0x3940];
	v1 =	vmul.f32 $8.000000000e+00, v1  }
0x104: {  	v16 =	vld [tilespmem:s28+$0x3980]  }
0x105: {  	v6 =	vld.idx.msk [tilespmem:v0+s19+$0x2000 ss:$0x1], $0xffff;
	v1 =	vadd.f32 v2, v1  }
0x106: {  	v2 =	vld.idx.msk [tilespmem:v0+s19+$0x2040 ss:$0x1], $0xffff  }
0x107: {  	[tilespmem:s19+$0x39C0] =	vst v1;
	v1 =	vmul.f32 $8.000000000e+00, v3;
	v3 =	vld [tilespmem:s19+$0x39D0]  }
0x108: {  	v20 =	vld [tilespmem:s28+$0x3910]  }
0x109: {  	v4 =	vmul.f32 $8.000000000e+00, v4;
	v9 =	vld.idx.msk [tilespmem:v0+s19+$0x20D0 ss:$0x1], $0xffff  }
0x10a: {  	v55 =	vld [tilespmem:s28+$0x3950]  }
0x10b: {  	v56 =	vld [tilespmem:s28+$0x3990];
	v2 =	vadd.f32 v2, v4  }
0x10c: {  	v1 =	vadd.f32 v6, v1;
	v6 =	vld [tilespmem:s19+$0x3950];
	v3 =	vmul.f32 $8.000000000e+00, v3  }
0x10d: {  	v59 =	vld [tilespmem:s28+$0x3960];
	[tilespmem:s19+$0x3940] =	vst v2  }
0x10e: {  	v2 =	vld.idx.msk [tilespmem:v0+s19+$0x2050 ss:$0x1], $0xffff;
	v3 =	vadd.f32 v9, v3  }
0x10f: {  	v60 =	vld [tilespmem:s28+$0x39A0]  }
0x110: {  	[tilespmem:s19+$0x39D0] =	vst v3;
	v3 =	vmul.f32 $8.000000000e+00, v8;
	v8 =	vld [tilespmem:s19+$0x39E0]  }
0x111: {  	v7 =	vld.idx.msk [tilespmem:v0+s19+$0x2080 ss:$0x1], $0xffff;
	v6 =	vmul.f32 $8.000000000e+00, v6  }
0x112: {  	v10 =	vld.idx.msk [tilespmem:v0+s19+$0x20E0 ss:$0x1], $0xffff  }
0x113: {  	v17 =	vld.idx.msk [tilespmem:v0+s28+$0x2040 ss:$0x1], $0xffff;
	v2 =	vadd.f32 v2, v6  }
0x114: {  	v61 =	vld [tilespmem:s28+$0x3930];
	v5 =	vmul.f32 $8.000000000e+00, v5  }
0x115: {  	v62 =	vld [tilespmem:s28+$0x3970];
	[tilespmem:s19+$0x3950] =	vst v2;
	v2 =	vmul.f32 $8.000000000e+00, v8  }
0x116: {  	v18 =	vld.idx.msk [tilespmem:v0+s28+$0x2080 ss:$0x1], $0xffff;
	v15 =	vmul.f32 $8.000000000e+00, v15;
	v5 =	vadd.f32 v7, v5  }
0x117: {  	v8 =	vld [tilespmem:s28+$0x39C0];
	v2 =	vadd.f32 v10, v2  }
0x118: {  	v15 =	vadd.f32 v17, v15;
	[tilespmem:s19+$0x3980] =	vst v5;
	v4 =	vld [tilespmem:s19+$0x3990]  }
0x119: {  	[tilespmem:s19+$0x39E0] =	vst v2;
	v2 =	vld.idx.msk [tilespmem:v0+s28+$0x20C0 ss:$0x1], $0xffff  }
0x11a: {  	[tilespmem:s28+$0x3940] =	vst v15;
	v5 =	vld.idx.msk [tilespmem:v0+s19+$0x2090 ss:$0x1], $0xffff  }
0x11b: {  	v15 =	vld.idx.msk [tilespmem:v0+s28+$0x2050 ss:$0x1], $0xffff;
	[tilespmem:s19+$0x3900] =	vst v1  }
0x11c: {  	v7 =	vld.idx.msk [tilespmem:v0+s19+$0x2010 ss:$0x1], $0xffff;
	v8 =	vmul.f32 $8.000000000e+00, v8  }
0x11d: {  	v1 =	vld [tilespmem:s19+$0x3920]  }
0x11e: {  	v4 =	vmul.f32 $8.000000000e+00, v4;
	v2 =	vadd.f32 v2, v8;
	v8 =	vld.idx.msk [tilespmem:v0+s28+$0x2000 ss:$0x1], $0xffff  }
0x11f: {  	v9 =	vld [tilespmem:s19+$0x3960]  }
0x120: {  	v4 =	vadd.f32 v5, v4;
	[tilespmem:s28+$0x39C0] =	vst v2;
	v2 =	vld [tilespmem:s28+$0x39D0]  }
0x121: {  	v14 =	vmul.f32 $8.000000000e+00, v14;
	v3 =	vadd.f32 v7, v3;
	v7 =	vld [tilespmem:s19+$0x39A0]  }
0x122: {  	[tilespmem:s19+$0x3990] =	vst v4;
	v19 =	vld.idx.msk [tilespmem:v0+s28+$0x20D0 ss:$0x1], $0xffff  }
0x123: {  	[tilespmem:s19+$0x3910] =	vst v3;
	v3 =	vld [tilespmem:s19+$0x3970];
	v8 =	vadd.f32 v8, v14;
	v14 =	vmul.f32 $8.000000000e+00, v16  }
0x124: {  	v4 =	vld.idx.msk [tilespmem:v0+s19+$0x20A0 ss:$0x1], $0xffff  }
0x125: {  	v6 =	vld.idx.msk [tilespmem:v0+s19+$0x2060 ss:$0x1], $0xffff;
	v2 =	vmul.f32 $8.000000000e+00, v2;
	v14 =	vadd.f32 v18, v14  }
0x126: {  	v5 =	vld.idx.msk [tilespmem:v0+s19+$0x2020 ss:$0x1], $0xffff;
	[tilespmem:s28+$0x3900] =	vst v8  }
0x127: {  	v57 =	vld.idx.msk [tilespmem:v0+s28+$0x2010 ss:$0x1], $0xffff;
	v2 =	vadd.f32 v19, v2;
	[tilespmem:s28+$0x3980] =	vst v14  }
0x128: {  	v9 =	vmul.f32 $8.000000000e+00, v9;
	v14 =	vld.idx.msk [tilespmem:v0+s28+$0x2090 ss:$0x1], $0xffff  }
0x129: {  	v16 =	vmul.f32 $8.000000000e+00, v55;
	[tilespmem:s28+$0x39D0] =	vst v2;
	v2 =	vld [tilespmem:s28+$0x39E0]  }
0x12a: {  	v58 =	vmul.f32 $8.000000000e+00, v20;
	v13 =	vld.idx.msk [tilespmem:v0+s19+$0x20F0 ss:$0x1], $0xffff;
	v6 =	vadd.f32 v6, v9  }
0x12b: {  	v17 =	vmul.f32 $8.000000000e+00, v56;
	v15 =	vadd.f32 v15, v16;
	v21 =	vld.idx.msk [tilespmem:v0+s28+$0x20E0 ss:$0x1], $0xffff  }
0x12c: {  	v1 =	vmul.f32 $8.000000000e+00, v1;
	v10 =	vld [tilespmem:s19+$0x39B0];
	[tilespmem:s19+$0x3960] =	vst v6;
	v18 =	vadd.f32 v57, v58  }
0x12d: {  	v12 =	vmul.f32 $8.000000000e+00, v12;
	v8 =	vld [tilespmem:s28+$0x3920];
	[tilespmem:s28+$0x3950] =	vst v15;
	v14 =	vadd.f32 v14, v17  }
0x12e: {  	v1 =	vadd.f32 v5, v1;
	v5 =	vld [tilespmem:s28+$0x39B0];
	[tilespmem:s28+$0x3910] =	vst v18;
	v2 =	vmul.f32 $8.000000000e+00, v2  }
0x12f: {  	v6 =	vadd.f32 v13, v12;
	v15 =	vld.idx.msk [tilespmem:v0+s28+$0x2020 ss:$0x1], $0xffff;
	[tilespmem:s28+$0x3990] =	vst v14;
	v14 =	vmul.f32 $8.000000000e+00, v7  }
0x130: {  	[tilespmem:s19+$0x3920] =	vst v1;
	v63 =	vld.idx.msk [tilespmem:v0+s28+$0x2060 ss:$0x1], $0xffff;
	v2 =	vadd.f32 v21, v2  }
0x131: {  	v1 =	vmul.f32 $8.000000000e+00, v11;
	[tilespmem:s19+$0x39F0] =	vst v6;
	v7 =	vld.idx.msk [tilespmem:v0+s28+$0x20A0 ss:$0x1], $0xffff;
	v4 =	vadd.f32 v4, v14  }
0x132: {  	v9 =	vld [tilespmem:s28+$0x39F0];
	v13 =	vmul.f32 $8.000000000e+00, v59;
	v11 =	vmul.f32 $8.000000000e+00, v8;
	[tilespmem:s28+$0x39E0] =	vst v2  }
0x133: {  	v2 =	vmul.f32 $8.000000000e+00, v3;
	v3 =	vmul.f32 $8.000000000e+00, v10;
	v10 =	vld.idx.msk [tilespmem:v0+s19+$0x2030 ss:$0x1], $0xffff;
	[tilespmem:s19+$0x39A0] =	vst v4  }
0x134: {  	s22 =	sadd.s32 $0x180, s15;
	v12 =	vmul.f32 $8.000000000e+00, v60;
	v8 =	vld.idx.msk [tilespmem:v0+s28+$0x20F0 ss:$0x1], $0xffff;
	v14 =	vadd.f32 v15, v11;
	s21 =	rddreg [dreg:$0x5]  }
0x135: {  	s1 =	simm.s32 $0x4;
	v6 =	vmul.f32 $8.000000000e+00, v61;
	v13 =	vadd.f32 v63, v13;
	v4 =	vmul.f32 $8.000000000e+00, v62;
	v11 =	vld.idx.msk [tilespmem:v0+s19+$0x2070 ss:$0x1], $0xffff;
	s8 =	sadd.s32 s15, s21;
	s21 =	simm.s32 $0x800  }
.LBB2_5:
0x136: {  	s13 =	sshra.s32 s21, $0x2;
	s1 =	sadd.s32 $0x4, s1;
	[tilespmem:s28+$0x3920] =	vst v14;
	v7 =	vadd.f32 v7, v12;
	v5 =	vmul.f32 $8.000000000e+00, v5;
	v12 =	vld.idx.msk [tilespmem:v0+s19+$0x20B0 ss:$0x1], $0xffff  }
0x137: {  	v14 =	vld [tilespmem:s13+$0x39C0];
	p1 =	slt.u32 s1, $0x7C;
	[tilespmem:s28+$0x3960] =	vst v13;
	v9 =	vmul.f32 $8.000000000e+00, v9  }
0x138: {  	v13 =	vld.idx.msk [tilespmem:v0+s13+$0x20C0 ss:$0x1], $0xffff;
	[tilespmem:s28+$0x39A0] =	vst v7  }
0x139: {  	v7 =	vld [tilespmem:s13+$0x3900];
	v8 =	vadd.f32 v8, v9  }
0x13a: {  	v10 =	vadd.f32 v10, v1;
	v1 =	vmov v6;
	v9 =	vld [tilespmem:s13+$0x3940]  }
0x13b: {  	v6 =	vld [tilespmem:s13+$0x3980];
	[tilespmem:s28+$0x39F0] =	vst v8;
	v8 =	vadd.f32 v11, v2;
	v2 =	vmov v4  }
0x13c: {  	v4 =	vld.idx.msk [tilespmem:v0+s13+$0x2000 ss:$0x1], $0xffff;
	v11 =	vmul.f32 $8.000000000e+00, v14;
	[tilespmem:s19+$0x3930] =	vst v10;
	v10 =	vadd.f32 v12, v3;
	v3 =	vmov v5  }
0x13d: {  	v5 =	vld.idx.msk [tilespmem:v0+s13+$0x2040 ss:$0x1], $0xffff;
	[tilespmem:s19+$0x3970] =	vst v8  }
0x13e: {  	v7 =	vmul.f32 $8.000000000e+00, v7;
	v8 =	vld.idx.msk [tilespmem:v0+s13+$0x2080 ss:$0x1], $0xffff;
	v11 =	vadd.f32 v13, v11;
	[tilespmem:s19+$0x39B0] =	vst v10;
	s19 =	smov.u32 s28;
	s28 =	smov.u32 s13  }
0x13f: {  	v10 =	vld [tilespmem:s28+$0x3910];
	v9 =	vmul.f32 $8.000000000e+00, v9  }
0x140: {  	v6 =	vmul.f32 $8.000000000e+00, v6;
	[tilespmem:s28+$0x39C0] =	vst v11;
	v11 =	vld [tilespmem:s28+$0x39D0]  }
0x141: {  	v12 =	vld.idx.msk [tilespmem:v0+s28+$0x20D0 ss:$0x1], $0xffff  }
0x142: {  	v4 =	vadd.f32 v4, v7;
	v7 =	vld [tilespmem:s28+$0x3950]  }
0x143: {  	v5 =	vadd.f32 v5, v9;
	v9 =	vld [tilespmem:s28+$0x3990]  }
0x144: {  	v6 =	vadd.f32 v8, v6;
	[tilespmem:s28+$0x3900] =	vst v4;
	v4 =	vmul.f32 $8.000000000e+00, v10;
	v10 =	vld [tilespmem:s28+$0x3920]  }
0x145: {  	v8 =	vld.idx.msk [tilespmem:v0+s28+$0x2010 ss:$0x1], $0xffff;
	[tilespmem:s28+$0x3940] =	vst v5;
	v5 =	vmul.f32 $8.000000000e+00, v11  }
0x146: {  	v11 =	vld.idx.msk [tilespmem:v0+s28+$0x2050 ss:$0x1], $0xffff;
	[tilespmem:s28+$0x3980] =	vst v6  }
0x147: {  	v6 =	vmul.f32 $8.000000000e+00, v7;
	v7 =	vld.idx.msk [tilespmem:v0+s28+$0x2090 ss:$0x1], $0xffff;
	v5 =	vadd.f32 v12, v5  }
0x148: {  	v12 =	vld [tilespmem:s28+$0x3960];
	v9 =	vmul.f32 $8.000000000e+00, v9  }
0x149: {  	v10 =	vmul.f32 $8.000000000e+00, v10;
	[tilespmem:s28+$0x39D0] =	vst v5;
	v5 =	vld [tilespmem:s28+$0x39E0]  }
0x14a: {  	v13 =	vld.idx.msk [tilespmem:v0+s28+$0x20E0 ss:$0x1], $0xffff  }
0x14b: {  	v4 =	vadd.f32 v8, v4;
	v8 =	vld [tilespmem:s28+$0x39A0]  }
0x14c: {  	v6 =	vadd.f32 v11, v6;
	v14 =	vld [tilespmem:s28+$0x3930]  }
0x14d: {  	v7 =	vadd.f32 v7, v9;
	[tilespmem:s28+$0x3910] =	vst v4;
	v11 =	vmul.f32 $8.000000000e+00, v12;
	v4 =	vld [tilespmem:s28+$0x3970]  }
0x14e: {  	v15 =	vld.idx.msk [tilespmem:v0+s28+$0x2020 ss:$0x1], $0xffff;
	[tilespmem:s28+$0x3950] =	vst v6;
	v5 =	vmul.f32 $8.000000000e+00, v5  }
0x14f: {  	v16 =	vld.idx.msk [tilespmem:v0+s28+$0x2060 ss:$0x1], $0xffff;
	[tilespmem:s28+$0x3990] =	vst v7  }
0x150: {  	v12 =	vmul.f32 $8.000000000e+00, v8;
	v7 =	vld.idx.msk [tilespmem:v0+s28+$0x20A0 ss:$0x1], $0xffff;
	v8 =	vadd.f32 v13, v5  }
.Ltmp1:
0x151: {  	v6 =	vmul.f32 $8.000000000e+00, v14;
	v5 =	vld [tilespmem:s28+$0x39B0];
	(pc) =	sbr.rel @p1 .LBB2_5-.Ltmp1, $4  }
0x152: {  	v4 =	vmul.f32 $8.000000000e+00, v4;
	[tilespmem:s28+$0x39E0] =	vst v8;
	v9 =	vld [tilespmem:s28+$0x39F0]  }
0x153: {  	v8 =	vld.idx.msk [tilespmem:v0+s28+$0x20F0 ss:$0x1], $0xffff  }
0x154: {  	v14 =	vadd.f32 v15, v10;
	v10 =	vld.idx.msk [tilespmem:v0+s19+$0x2030 ss:$0x1], $0xffff  }
0x155: {  	s21 =	sadd.s32 $0x400, s21;
	v13 =	vadd.f32 v16, v11;
	v11 =	vld.idx.msk [tilespmem:v0+s19+$0x2070 ss:$0x1], $0xffff  }
0x156: {  	_ =	sdelay $0x3  }
0x157: {  	[tilespmem:s28+$0x3920] =	vst v14;
	v7 =	vadd.f32 v7, v12;
	v12 =	vld.idx.msk [tilespmem:v0+s19+$0x20B0 ss:$0x1], $0xffff;
	v9 =	vmul.f32 $8.000000000e+00, v9  }
0x158: {  	[tilespmem:s28+$0x3960] =	vst v13;
	v13 =	vld.idx.msk [tilespmem:v0+s28+$0x2030 ss:$0x1], $0xffff  }
0x159: {  	[tilespmem:s28+$0x39A0] =	vst v7;
	v7 =	vadd.f32 v8, v9;
	v8 =	vld.idx.msk [tilespmem:v0+s28+$0x2070 ss:$0x1], $0xffff  }
0x15a: {  	v1 =	vadd.f32 v10, v1;
	v0 =	vld.idx.msk [tilespmem:v0+s28+$0x20B0 ss:$0x1], $0xffff  }
0x15b: {  	v2 =	vadd.f32 v11, v2;
	[tilespmem:s28+$0x39F0] =	vst v7  }
0x15c: {  	[tilespmem:s19+$0x3930] =	vst v1;
	v1 =	vadd.f32 v12, v3  }
0x15d: {  	v3 =	vmul.f32 $8.000000000e+00, v5;
	[tilespmem:s19+$0x3970] =	vst v2;
	v2 =	vadd.f32 v13, v6  }
0x15e: {  	[tilespmem:s19+$0x39B0] =	vst v1;
	v1 =	vadd.f32 v8, v4  }
0x15f: {  	s1 =	sshll.u32 s8, $0x3;
	[tilespmem:s28+$0x3930] =	vst v2;
	v0 =	vadd.f32 v0, v3  }
0x160: {  	s1 =	sand.u32 $0x1FFFFC00, s1;
	[tilespmem:s28+$0x3970] =	vst v1  }
0x161: {  	s13 =	simm.s32 $0x3900;
	s1 =	sadd.s32 s2, s1;
	[tilespmem:s28+$0x39B0] =	vst v0  }
0x162: {  	[hbm4b:s1+s3] =	stream.linear.scatter [tilespmem:s13], [sflag:$0x7], $0x2000, $0x38;
	[tilespmem:$0x10B00] =	vst v63  }
0x163: {  	s1 =	simm.s32 @!p0 $0xA  }
0x164: {  	_ =	swait.ge @!p0 [sflag:s1], $0x2000  }
0x165: {  	[sflag:s1] =	ssyncset.done @!p0 $0x0  }
0x166: {  	[sflag:s1] =	ssyncadd.s32 @!p0 $0xFFFFE000  }
0x167: {  	v0 =	vld [tilespmem:s15+$0x200];
	_ =	sdelay $0x6  }
0x168: {  	s19 =	simm.s32 $0x9900;
	s1 =	simm.s32 $0x0  }
0x169: {  	[tilespmem:s19], [sflag:$0x5] =	stream.indirect_vreg.gather [hbm4b:s5+s1], $0x40, v0, vm0, $0xb8;
	[tilespmem:$0x10B00] =	vst v63  }
0x16a: {  	v0 =	vld [tilespmem:s15+$0x210];
	_ =	sdelay $0x6  }
0x16b: {  	s21 =	simm.s32 $0x9D00  }
0x16c: {  	[tilespmem:s21], [sflag:$0x5] =	stream.indirect_vreg.gather [hbm4b:s5+s1], $0x40, v0, vm0, $0xb8;
	[tilespmem:$0x10B00] =	vst v63  }
0x16d: {  	v0 =	vld [tilespmem:s15+$0x220];
	_ =	sdelay $0x6  }
0x16e: {  	s13 =	simm.s32 $0xA100  }
0x16f: {  	[tilespmem:s13], [sflag:$0x5] =	stream.indirect_vreg.gather [hbm4b:s5+s1], $0x40, v0, vm0, $0xb8;
	[tilespmem:$0x10B00] =	vst v63  }
0x170: {  	v0 =	vld [tilespmem:s15+$0x230];
	_ =	sdelay $0x6  }
0x171: {  	s19 =	simm.s32 $0xA500  }
0x172: {  	[tilespmem:s19], [sflag:$0x5] =	stream.indirect_vreg.gather [hbm4b:s5+s1], $0x40, v0, vm0, $0xb8;
	[tilespmem:$0x10B00] =	vst v63  }
0x173: {  	v0 =	vld [tilespmem:s15+$0x240];
	_ =	sdelay $0x6  }
0x174: {  	s21 =	simm.s32 $0xA900  }
0x175: {  	[tilespmem:s21], [sflag:$0x5] =	stream.indirect_vreg.gather [hbm4b:s5+s1], $0x40, v0, vm0, $0xb8;
	[tilespmem:$0x10B00] =	vst v63  }
0x176: {  	v0 =	vld [tilespmem:s15+$0x250];
	_ =	sdelay $0x6  }
0x177: {  	s13 =	simm.s32 $0xAD00  }
0x178: {  	[tilespmem:s13], [sflag:$0x5] =	stream.indirect_vreg.gather [hbm4b:s5+s1], $0x40, v0, vm0, $0xb8;
	[tilespmem:$0x10B00] =	vst v63  }
0x179: {  	v0 =	vld [tilespmem:s15+$0x260];
	_ =	sdelay $0x6  }
0x17a: {  	s19 =	simm.s32 $0xB100  }
0x17b: {  	[tilespmem:s19], [sflag:$0x5] =	stream.indirect_vreg.gather [hbm4b:s5+s1], $0x40, v0, vm0, $0xb8;
	[tilespmem:$0x10B00] =	vst v63  }
0x17c: {  	v0 =	vld [tilespmem:s15+$0x270];
	_ =	sdelay $0x6  }
0x17d: {  	s21 =	simm.s32 $0xB500  }
0x17e: {  	[tilespmem:s21], [sflag:$0x5] =	stream.indirect_vreg.gather [hbm4b:s5+s1], $0x40, v0, vm0, $0xb8;
	[tilespmem:$0x10B00] =	vst v63  }
0x17f: {  	_ =	swait.ge [sflag:s24], $0x2000  }
0x180: {  	[sflag:s24] =	ssyncset.done $0x0  }
0x181: {  	s19 =	simm.s32 $0x0;
	[sflag:s24] =	ssyncadd.s32 $0xFFFFE000  }
0x182: {  	v1 =	vld [tilespmem:s19+$0x59C0]  }
0x183: {  	v3 =	vld [tilespmem:s19+$0x5900]  }
0x184: {  	v0 =	vmov s18;
	v4 =	vld [tilespmem:s19+$0x5940]  }
0x185: {  	v5 =	vld [tilespmem:s19+$0x5980]  }
0x186: {  	v8 =	vld [tilespmem:s19+$0x5910]  }
0x187: {  	v11 =	vld [tilespmem:s19+$0x5930]  }
0x188: {  	v12 =	vld [tilespmem:s19+$0x59F0]  }
0x189: {  	s28 =	simm.s32 $0x100;
	v2 =	vld.idx.msk [tilespmem:v0+s19+$0x40C0 ss:$0x1], $0xffff  }
0x18a: {  	v14 =	vld [tilespmem:s28+$0x5900]  }
0x18b: {  	v15 =	vld [tilespmem:s28+$0x5940]  }
0x18c: {  	v16 =	vld [tilespmem:s28+$0x5980];
	v1 =	vmul.f32 $8.000000000e+00, v1  }
0x18d: {  	v20 =	vld [tilespmem:s28+$0x5910]  }
0x18e: {  	v6 =	vld.idx.msk [tilespmem:v0+s19+$0x4000 ss:$0x1], $0xffff;
	v1 =	vadd.f32 v2, v1  }
0x18f: {  	v2 =	vld.idx.msk [tilespmem:v0+s19+$0x4040 ss:$0x1], $0xffff  }
0x190: {  	[tilespmem:s19+$0x59C0] =	vst v1;
	v1 =	vmul.f32 $8.000000000e+00, v3;
	v3 =	vld [tilespmem:s19+$0x59D0]  }
0x191: {  	v55 =	vld [tilespmem:s28+$0x5950]  }
0x192: {  	v4 =	vmul.f32 $8.000000000e+00, v4;
	v9 =	vld.idx.msk [tilespmem:v0+s19+$0x40D0 ss:$0x1], $0xffff  }
0x193: {  	v56 =	vld [tilespmem:s28+$0x5990]  }
0x194: {  	v59 =	vld [tilespmem:s28+$0x5960];
	v2 =	vadd.f32 v2, v4  }
0x195: {  	v1 =	vadd.f32 v6, v1;
	v6 =	vld [tilespmem:s19+$0x5950];
	v3 =	vmul.f32 $8.000000000e+00, v3  }
0x196: {  	v7 =	vld.idx.msk [tilespmem:v0+s19+$0x4080 ss:$0x1], $0xffff;
	[tilespmem:s19+$0x5940] =	vst v2  }
0x197: {  	v2 =	vld.idx.msk [tilespmem:v0+s19+$0x4050 ss:$0x1], $0xffff;
	v3 =	vadd.f32 v9, v3  }
0x198: {  	v60 =	vld [tilespmem:s28+$0x59A0]  }
0x199: {  	v5 =	vmul.f32 $8.000000000e+00, v5;
	[tilespmem:s19+$0x59D0] =	vst v3;
	v3 =	vmul.f32 $8.000000000e+00, v8;
	v8 =	vld [tilespmem:s19+$0x59E0]  }
0x19a: {  	v61 =	vld [tilespmem:s28+$0x5930];
	v6 =	vmul.f32 $8.000000000e+00, v6  }
0x19b: {  	v5 =	vadd.f32 v7, v5;
	v10 =	vld.idx.msk [tilespmem:v0+s19+$0x40E0 ss:$0x1], $0xffff  }
0x19c: {  	v17 =	vld.idx.msk [tilespmem:v0+s28+$0x4040 ss:$0x1], $0xffff;
	v2 =	vadd.f32 v2, v6  }
0x19d: {  	v62 =	vld [tilespmem:s28+$0x5970];
	[tilespmem:s19+$0x5980] =	vst v5  }
0x19e: {  	v18 =	vld.idx.msk [tilespmem:v0+s28+$0x4080 ss:$0x1], $0xffff;
	[tilespmem:s19+$0x5950] =	vst v2;
	v2 =	vmul.f32 $8.000000000e+00, v8  }
0x19f: {  	v15 =	vmul.f32 $8.000000000e+00, v15;
	v5 =	vld.idx.msk [tilespmem:v0+s19+$0x4090 ss:$0x1], $0xffff  }
0x1a0: {  	v8 =	vld [tilespmem:s28+$0x59C0];
	v2 =	vadd.f32 v10, v2  }
0x1a1: {  	v15 =	vadd.f32 v17, v15;
	v4 =	vld [tilespmem:s19+$0x5990];
	[tilespmem:s19+$0x5900] =	vst v1  }
0x1a2: {  	[tilespmem:s19+$0x59E0] =	vst v2;
	v2 =	vld.idx.msk [tilespmem:v0+s28+$0x40C0 ss:$0x1], $0xffff  }
0x1a3: {  	[tilespmem:s28+$0x5940] =	vst v15;
	v7 =	vld.idx.msk [tilespmem:v0+s19+$0x4010 ss:$0x1], $0xffff  }
0x1a4: {  	v15 =	vld.idx.msk [tilespmem:v0+s28+$0x4050 ss:$0x1], $0xffff  }
0x1a5: {  	v1 =	vld [tilespmem:s19+$0x5920];
	v8 =	vmul.f32 $8.000000000e+00, v8  }
0x1a6: {  	v9 =	vld [tilespmem:s19+$0x5960]  }
0x1a7: {  	v4 =	vmul.f32 $8.000000000e+00, v4;
	v2 =	vadd.f32 v2, v8;
	v8 =	vld.idx.msk [tilespmem:v0+s28+$0x4000 ss:$0x1], $0xffff  }
0x1a8: {  	v3 =	vadd.f32 v7, v3;
	v7 =	vld [tilespmem:s19+$0x59A0]  }
0x1a9: {  	v4 =	vadd.f32 v5, v4;
	[tilespmem:s28+$0x59C0] =	vst v2;
	v2 =	vld [tilespmem:s28+$0x59D0]  }
0x1aa: {  	v14 =	vmul.f32 $8.000000000e+00, v14;
	[tilespmem:s19+$0x5910] =	vst v3;
	v3 =	vld [tilespmem:s19+$0x5970]  }
0x1ab: {  	[tilespmem:s19+$0x5990] =	vst v4;
	v19 =	vld.idx.msk [tilespmem:v0+s28+$0x40D0 ss:$0x1], $0xffff  }
0x1ac: {  	v4 =	vld.idx.msk [tilespmem:v0+s19+$0x40A0 ss:$0x1], $0xffff;
	v8 =	vadd.f32 v8, v14;
	v14 =	vmul.f32 $8.000000000e+00, v16  }
0x1ad: {  	v5 =	vld.idx.msk [tilespmem:v0+s19+$0x4020 ss:$0x1], $0xffff  }
0x1ae: {  	v6 =	vld.idx.msk [tilespmem:v0+s19+$0x4060 ss:$0x1], $0xffff;
	[tilespmem:s28+$0x5900] =	vst v8;
	v2 =	vmul.f32 $8.000000000e+00, v2;
	v14 =	vadd.f32 v18, v14  }
0x1af: {  	v57 =	vld.idx.msk [tilespmem:v0+s28+$0x4010 ss:$0x1], $0xffff  }
0x1b0: {  	v10 =	vld [tilespmem:s19+$0x59B0];
	v2 =	vadd.f32 v19, v2;
	[tilespmem:s28+$0x5980] =	vst v14  }
0x1b1: {  	v14 =	vld.idx.msk [tilespmem:v0+s28+$0x4090 ss:$0x1], $0xffff  }
0x1b2: {  	v58 =	vmul.f32 $8.000000000e+00, v20;
	[tilespmem:s28+$0x59D0] =	vst v2;
	v2 =	vld [tilespmem:s28+$0x59E0]  }
0x1b3: {  	v13 =	vld.idx.msk [tilespmem:v0+s19+$0x40F0 ss:$0x1], $0xffff;
	v16 =	vmul.f32 $8.000000000e+00, v55  }
0x1b4: {  	v17 =	vmul.f32 $8.000000000e+00, v56;
	v1 =	vmul.f32 $8.000000000e+00, v1;
	v21 =	vld.idx.msk [tilespmem:v0+s28+$0x40E0 ss:$0x1], $0xffff;
	v18 =	vadd.f32 v57, v58  }
0x1b5: {  	v8 =	vld [tilespmem:s28+$0x5920];
	v15 =	vadd.f32 v15, v16  }
0x1b6: {  	v9 =	vmul.f32 $8.000000000e+00, v9;
	v1 =	vadd.f32 v5, v1;
	v5 =	vld [tilespmem:s28+$0x59B0];
	[tilespmem:s28+$0x5910] =	vst v18;
	v14 =	vadd.f32 v14, v17  }
0x1b7: {  	[tilespmem:s28+$0x5950] =	vst v15;
	v2 =	vmul.f32 $8.000000000e+00, v2;
	v15 =	vld.idx.msk [tilespmem:v0+s28+$0x4020 ss:$0x1], $0xffff  }
0x1b8: {  	v12 =	vmul.f32 $8.000000000e+00, v12;
	v6 =	vadd.f32 v6, v9;
	v63 =	vld.idx.msk [tilespmem:v0+s28+$0x4060 ss:$0x1], $0xffff;
	[tilespmem:s28+$0x5990] =	vst v14  }
0x1b9: {  	[tilespmem:s19+$0x5920] =	vst v1;
	v1 =	vmul.f32 $8.000000000e+00, v11;
	v14 =	vmul.f32 $8.000000000e+00, v7;
	v2 =	vadd.f32 v21, v2;
	v7 =	vld.idx.msk [tilespmem:v0+s28+$0x40A0 ss:$0x1], $0xffff  }
0x1ba: {  	v9 =	vld [tilespmem:s28+$0x59F0];
	[tilespmem:s19+$0x5960] =	vst v6;
	v6 =	vadd.f32 v13, v12;
	v13 =	vmul.f32 $8.000000000e+00, v59;
	v11 =	vmul.f32 $8.000000000e+00, v8  }
0x1bb: {  	v4 =	vadd.f32 v4, v14;
	[tilespmem:s28+$0x59E0] =	vst v2;
	v2 =	vmul.f32 $8.000000000e+00, v3;
	v3 =	vmul.f32 $8.000000000e+00, v10;
	v10 =	vld.idx.msk [tilespmem:v0+s19+$0x4030 ss:$0x1], $0xffff  }
0x1bc: {  	s8 =	sadd.s32 s4, s23;
	v12 =	vmul.f32 $8.000000000e+00, v60;
	[tilespmem:s19+$0x59F0] =	vst v6;
	v8 =	vld.idx.msk [tilespmem:v0+s28+$0x40F0 ss:$0x1], $0xffff;
	v14 =	vadd.f32 v15, v11  }
0x1bd: {  	s18 =	sadd.s32 $0x200, s15;
	s1 =	simm.s32 $0x4;
	s21 =	simm.s32 $0x800;
	v6 =	vmul.f32 $8.000000000e+00, v61;
	v13 =	vadd.f32 v63, v13;
	[tilespmem:s19+$0x59A0] =	vst v4;
	v4 =	vmul.f32 $8.000000000e+00, v62;
	v11 =	vld.idx.msk [tilespmem:v0+s19+$0x4070 ss:$0x1], $0xffff  }
.LBB2_7:
0x1be: {  	s13 =	sshra.s32 s21, $0x2;
	s1 =	sadd.s32 $0x4, s1;
	[tilespmem:s28+$0x5920] =	vst v14;
	v7 =	vadd.f32 v7, v12;
	v5 =	vmul.f32 $8.000000000e+00, v5;
	v12 =	vld.idx.msk [tilespmem:v0+s19+$0x40B0 ss:$0x1], $0xffff  }
0x1bf: {  	v14 =	vld [tilespmem:s13+$0x59C0];
	p0 =	slt.u32 s1, $0x7C;
	[tilespmem:s28+$0x5960] =	vst v13;
	v9 =	vmul.f32 $8.000000000e+00, v9  }
0x1c0: {  	v13 =	vld.idx.msk [tilespmem:v0+s13+$0x40C0 ss:$0x1], $0xffff;
	[tilespmem:s28+$0x59A0] =	vst v7  }
0x1c1: {  	v7 =	vld [tilespmem:s13+$0x5900];
	v8 =	vadd.f32 v8, v9  }
0x1c2: {  	v10 =	vadd.f32 v10, v1;
	v1 =	vmov v6;
	v9 =	vld [tilespmem:s13+$0x5940]  }
0x1c3: {  	v6 =	vld [tilespmem:s13+$0x5980];
	[tilespmem:s28+$0x59F0] =	vst v8;
	v8 =	vadd.f32 v11, v2;
	v2 =	vmov v4  }
0x1c4: {  	v4 =	vld.idx.msk [tilespmem:v0+s13+$0x4000 ss:$0x1], $0xffff;
	v11 =	vmul.f32 $8.000000000e+00, v14;
	[tilespmem:s19+$0x5930] =	vst v10;
	v10 =	vadd.f32 v12, v3;
	v3 =	vmov v5  }
0x1c5: {  	v5 =	vld.idx.msk [tilespmem:v0+s13+$0x4040 ss:$0x1], $0xffff;
	[tilespmem:s19+$0x5970] =	vst v8  }
0x1c6: {  	v7 =	vmul.f32 $8.000000000e+00, v7;
	v8 =	vld.idx.msk [tilespmem:v0+s13+$0x4080 ss:$0x1], $0xffff;
	v11 =	vadd.f32 v13, v11;
	[tilespmem:s19+$0x59B0] =	vst v10;
	s19 =	smov.u32 s28;
	s28 =	smov.u32 s13  }
0x1c7: {  	v10 =	vld [tilespmem:s28+$0x5910];
	v9 =	vmul.f32 $8.000000000e+00, v9  }
0x1c8: {  	v6 =	vmul.f32 $8.000000000e+00, v6;
	[tilespmem:s28+$0x59C0] =	vst v11;
	v11 =	vld [tilespmem:s28+$0x59D0]  }
0x1c9: {  	v12 =	vld.idx.msk [tilespmem:v0+s28+$0x40D0 ss:$0x1], $0xffff  }
0x1ca: {  	v4 =	vadd.f32 v4, v7;
	v7 =	vld [tilespmem:s28+$0x5950]  }
0x1cb: {  	v5 =	vadd.f32 v5, v9;
	v9 =	vld [tilespmem:s28+$0x5990]  }
0x1cc: {  	v6 =	vadd.f32 v8, v6;
	[tilespmem:s28+$0x5900] =	vst v4;
	v4 =	vmul.f32 $8.000000000e+00, v10;
	v10 =	vld [tilespmem:s28+$0x5920]  }
0x1cd: {  	v8 =	vld.idx.msk [tilespmem:v0+s28+$0x4010 ss:$0x1], $0xffff;
	[tilespmem:s28+$0x5940] =	vst v5;
	v5 =	vmul.f32 $8.000000000e+00, v11  }
0x1ce: {  	v11 =	vld.idx.msk [tilespmem:v0+s28+$0x4050 ss:$0x1], $0xffff;
	[tilespmem:s28+$0x5980] =	vst v6  }
0x1cf: {  	v6 =	vmul.f32 $8.000000000e+00, v7;
	v7 =	vld.idx.msk [tilespmem:v0+s28+$0x4090 ss:$0x1], $0xffff;
	v5 =	vadd.f32 v12, v5  }
0x1d0: {  	v12 =	vld [tilespmem:s28+$0x5960];
	v9 =	vmul.f32 $8.000000000e+00, v9  }
0x1d1: {  	v10 =	vmul.f32 $8.000000000e+00, v10;
	[tilespmem:s28+$0x59D0] =	vst v5;
	v5 =	vld [tilespmem:s28+$0x59E0]  }
0x1d2: {  	v13 =	vld.idx.msk [tilespmem:v0+s28+$0x40E0 ss:$0x1], $0xffff  }
0x1d3: {  	v4 =	vadd.f32 v8, v4;
	v8 =	vld [tilespmem:s28+$0x59A0]  }
0x1d4: {  	v6 =	vadd.f32 v11, v6;
	v14 =	vld [tilespmem:s28+$0x5930]  }
0x1d5: {  	v7 =	vadd.f32 v7, v9;
	[tilespmem:s28+$0x5910] =	vst v4;
	v11 =	vmul.f32 $8.000000000e+00, v12;
	v4 =	vld [tilespmem:s28+$0x5970]  }
0x1d6: {  	v15 =	vld.idx.msk [tilespmem:v0+s28+$0x4020 ss:$0x1], $0xffff;
	[tilespmem:s28+$0x5950] =	vst v6;
	v5 =	vmul.f32 $8.000000000e+00, v5  }
0x1d7: {  	v16 =	vld.idx.msk [tilespmem:v0+s28+$0x4060 ss:$0x1], $0xffff;
	[tilespmem:s28+$0x5990] =	vst v7  }
0x1d8: {  	v12 =	vmul.f32 $8.000000000e+00, v8;
	v7 =	vld.idx.msk [tilespmem:v0+s28+$0x40A0 ss:$0x1], $0xffff;
	v8 =	vadd.f32 v13, v5  }
.Ltmp2:
0x1d9: {  	v6 =	vmul.f32 $8.000000000e+00, v14;
	v5 =	vld [tilespmem:s28+$0x59B0];
	(pc) =	sbr.rel @p0 .LBB2_7-.Ltmp2, $4  }
0x1da: {  	v4 =	vmul.f32 $8.000000000e+00, v4;
	[tilespmem:s28+$0x59E0] =	vst v8;
	v9 =	vld [tilespmem:s28+$0x59F0]  }
0x1db: {  	v8 =	vld.idx.msk [tilespmem:v0+s28+$0x40F0 ss:$0x1], $0xffff  }
0x1dc: {  	v14 =	vadd.f32 v15, v10;
	v10 =	vld.idx.msk [tilespmem:v0+s19+$0x4030 ss:$0x1], $0xffff  }
0x1dd: {  	s21 =	sadd.s32 $0x400, s21;
	v13 =	vadd.f32 v16, v11;
	v11 =	vld.idx.msk [tilespmem:v0+s19+$0x4070 ss:$0x1], $0xffff  }
0x1de: {  	_ =	sdelay $0x3  }
0x1df: {  	[tilespmem:s28+$0x5920] =	vst v14;
	v7 =	vadd.f32 v7, v12;
	v12 =	vld.idx.msk [tilespmem:v0+s19+$0x40B0 ss:$0x1], $0xffff;
	v9 =	vmul.f32 $8.000000000e+00, v9  }
0x1e0: {  	[tilespmem:s28+$0x5960] =	vst v13;
	v13 =	vld.idx.msk [tilespmem:v0+s28+$0x4030 ss:$0x1], $0xffff  }
0x1e1: {  	[tilespmem:s28+$0x59A0] =	vst v7;
	v7 =	vadd.f32 v8, v9;
	v8 =	vld.idx.msk [tilespmem:v0+s28+$0x4070 ss:$0x1], $0xffff  }
0x1e2: {  	v1 =	vadd.f32 v10, v1;
	v0 =	vld.idx.msk [tilespmem:v0+s28+$0x40B0 ss:$0x1], $0xffff  }
0x1e3: {  	v2 =	vadd.f32 v11, v2;
	[tilespmem:s28+$0x59F0] =	vst v7  }
0x1e4: {  	[tilespmem:s19+$0x5930] =	vst v1;
	v1 =	vadd.f32 v12, v3  }
0x1e5: {  	v3 =	vmul.f32 $8.000000000e+00, v5;
	[tilespmem:s19+$0x5970] =	vst v2;
	v2 =	vadd.f32 v13, v6  }
0x1e6: {  	[tilespmem:s19+$0x59B0] =	vst v1;
	v1 =	vadd.f32 v8, v4  }
0x1e7: {  	s1 =	sshll.u32 s8, $0x3;
	[tilespmem:s28+$0x5930] =	vst v2;
	v0 =	vadd.f32 v0, v3  }
0x1e8: {  	s1 =	sand.u32 $0x1FFFFC00, s1;
	[tilespmem:s28+$0x5970] =	vst v1  }
0x1e9: {  	s23 =	simm.s32 $0x5900;
	s1 =	sadd.s32 s2, s1;
	[tilespmem:s28+$0x59B0] =	vst v0  }
0x1ea: {  	[hbm4b:s1+s3] =	stream.linear.scatter [tilespmem:s23], [sflag:$0x8], $0x2000, $0x38;
	[tilespmem:$0x10B00] =	vst v63  }
0x1eb: {  	_ =	swait.ge [sflag:s25], $0x2000  }
0x1ec: {  	[sflag:s25] =	ssyncset.done $0x0  }
0x1ed: {  	p0 =	seq.s32 s14, $0x9;
	[sflag:s25] =	ssyncadd.s32 $0xFFFFE000  }
0x1ee: {  	v0 =	vld @!p0 [tilespmem:s15+$0x280];
	_ =	sdelay $0x6  }
0x1ef: {  	vm1 =	vmmov @!p0 $0xffff;
	s8 =	simm.s32 @!p0 $0x1900;
	s1 =	simm.s32 @!p0 $0x0  }
0x1f0: {  	[tilespmem:s8], [sflag:$0x1] =	stream.indirect_vreg.gather @!p0 [hbm4b:s5+s1], $0x40, v0, vm1, $0xb8;
	[tilespmem:$0x10B00] =	vst v63  }
0x1f1: {  	v0 =	vld @!p0 [tilespmem:s15+$0x290];
	_ =	sdelay $0x6  }
0x1f2: {  	s8 =	simm.s32 @!p0 $0x1D00  }
0x1f3: {  	[tilespmem:s8], [sflag:$0x1] =	stream.indirect_vreg.gather @!p0 [hbm4b:s5+s1], $0x40, v0, vm1, $0xb8;
	[tilespmem:$0x10B00] =	vst v63  }
0x1f4: {  	v0 =	vld @!p0 [tilespmem:s15+$0x2A0];
	_ =	sdelay $0x6  }
0x1f5: {  	s8 =	simm.s32 @!p0 $0x2100  }
0x1f6: {  	[tilespmem:s8], [sflag:$0x1] =	stream.indirect_vreg.gather @!p0 [hbm4b:s5+s1], $0x40, v0, vm1, $0xb8;
	[tilespmem:$0x10B00] =	vst v63  }
0x1f7: {  	v0 =	vld @!p0 [tilespmem:s15+$0x2B0];
	_ =	sdelay $0x6  }
0x1f8: {  	s8 =	simm.s32 @!p0 $0x2500  }
0x1f9: {  	[tilespmem:s8], [sflag:$0x1] =	stream.indirect_vreg.gather @!p0 [hbm4b:s5+s1], $0x40, v0, vm1, $0xb8;
	[tilespmem:$0x10B00] =	vst v63  }
0x1fa: {  	v0 =	vld @!p0 [tilespmem:s15+$0x2C0];
	_ =	sdelay $0x6  }
0x1fb: {  	s8 =	simm.s32 @!p0 $0x2900  }
0x1fc: {  	[tilespmem:s8], [sflag:$0x1] =	stream.indirect_vreg.gather @!p0 [hbm4b:s5+s1], $0x40, v0, vm1, $0xb8;
	[tilespmem:$0x10B00] =	vst v63  }
0x1fd: {  	v0 =	vld @!p0 [tilespmem:s15+$0x2D0];
	_ =	sdelay $0x6  }
0x1fe: {  	s8 =	simm.s32 @!p0 $0x2D00  }
0x1ff: {  	[tilespmem:s8], [sflag:$0x1] =	stream.indirect_vreg.gather @!p0 [hbm4b:s5+s1], $0x40, v0, vm1, $0xb8;
	[tilespmem:$0x10B00] =	vst v63  }
0x200: {  	v0 =	vld @!p0 [tilespmem:s15+$0x2E0];
	_ =	sdelay $0x6  }
0x201: {  	s8 =	simm.s32 @!p0 $0x3100  }
0x202: {  	[tilespmem:s8], [sflag:$0x1] =	stream.indirect_vreg.gather @!p0 [hbm4b:s5+s1], $0x40, v0, vm1, $0xb8;
	[tilespmem:$0x10B00] =	vst v63  }
0x203: {  	v0 =	vld @!p0 [tilespmem:s15+$0x2F0];
	_ =	sdelay $0x6  }
0x204: {  	s8 =	simm.s32 @!p0 $0x3500  }
0x205: {  	[tilespmem:s8], [sflag:$0x1] =	stream.indirect_vreg.gather @!p0 [hbm4b:s5+s1], $0x40, v0, vm1, $0xb8;
	[tilespmem:$0x10B00] =	vst v63  }
0x206: {  	_ =	swait.ge [sflag:s26], $0x2000  }
0x207: {  	[sflag:s26] =	ssyncset.done $0x0  }
0x208: {  	v0 =	vmov s11;
	s11 =	simm.s32 $0x0;
	[sflag:s26] =	ssyncadd.s32 $0xFFFFE000  }
0x209: {  	v1 =	vld [tilespmem:s11+$0x79C0]  }
0x20a: {  	v3 =	vld [tilespmem:s11+$0x7900]  }
0x20b: {  	v4 =	vld [tilespmem:s11+$0x7940]  }
0x20c: {  	v5 =	vld [tilespmem:s11+$0x7980]  }
0x20d: {  	v8 =	vld [tilespmem:s11+$0x7910]  }
0x20e: {  	v11 =	vld [tilespmem:s11+$0x7930]  }
0x20f: {  	v12 =	vld [tilespmem:s11+$0x79F0]  }
0x210: {  	s19 =	simm.s32 $0x100;
	v2 =	vld.idx.msk [tilespmem:v0+s11+$0x60C0 ss:$0x1], $0xffff  }
0x211: {  	v14 =	vld [tilespmem:s19+$0x7900]  }
0x212: {  	v15 =	vld [tilespmem:s19+$0x7940]  }
0x213: {  	v16 =	vld [tilespmem:s19+$0x7980];
	v1 =	vmul.f32 $8.000000000e+00, v1  }
0x214: {  	v20 =	vld [tilespmem:s19+$0x7910]  }
0x215: {  	v6 =	vld.idx.msk [tilespmem:v0+s11+$0x6000 ss:$0x1], $0xffff;
	v1 =	vadd.f32 v2, v1  }
0x216: {  	v2 =	vld.idx.msk [tilespmem:v0+s11+$0x6040 ss:$0x1], $0xffff  }
0x217: {  	[tilespmem:s11+$0x79C0] =	vst v1;
	v1 =	vmul.f32 $8.000000000e+00, v3;
	v3 =	vld [tilespmem:s11+$0x79D0]  }
0x218: {  	v55 =	vld [tilespmem:s19+$0x7950]  }
0x219: {  	v4 =	vmul.f32 $8.000000000e+00, v4;
	v9 =	vld.idx.msk [tilespmem:v0+s11+$0x60D0 ss:$0x1], $0xffff  }
0x21a: {  	v56 =	vld [tilespmem:s19+$0x7990]  }
0x21b: {  	v59 =	vld [tilespmem:s19+$0x7960];
	v2 =	vadd.f32 v2, v4  }
0x21c: {  	v1 =	vadd.f32 v6, v1;
	v6 =	vld [tilespmem:s11+$0x7950];
	v3 =	vmul.f32 $8.000000000e+00, v3  }
0x21d: {  	v7 =	vld.idx.msk [tilespmem:v0+s11+$0x6080 ss:$0x1], $0xffff;
	[tilespmem:s11+$0x7940] =	vst v2  }
0x21e: {  	v2 =	vld.idx.msk [tilespmem:v0+s11+$0x6050 ss:$0x1], $0xffff;
	v3 =	vadd.f32 v9, v3  }
0x21f: {  	v60 =	vld [tilespmem:s19+$0x79A0]  }
0x220: {  	v5 =	vmul.f32 $8.000000000e+00, v5;
	[tilespmem:s11+$0x79D0] =	vst v3;
	v3 =	vmul.f32 $8.000000000e+00, v8;
	v8 =	vld [tilespmem:s11+$0x79E0]  }
0x221: {  	v61 =	vld [tilespmem:s19+$0x7930];
	v6 =	vmul.f32 $8.000000000e+00, v6  }
0x222: {  	v5 =	vadd.f32 v7, v5;
	v10 =	vld.idx.msk [tilespmem:v0+s11+$0x60E0 ss:$0x1], $0xffff  }
0x223: {  	v17 =	vld.idx.msk [tilespmem:v0+s19+$0x6040 ss:$0x1], $0xffff;
	v2 =	vadd.f32 v2, v6  }
0x224: {  	v62 =	vld [tilespmem:s19+$0x7970];
	[tilespmem:s11+$0x7980] =	vst v5  }
0x225: {  	v18 =	vld.idx.msk [tilespmem:v0+s19+$0x6080 ss:$0x1], $0xffff;
	[tilespmem:s11+$0x7950] =	vst v2;
	v2 =	vmul.f32 $8.000000000e+00, v8  }
0x226: {  	v15 =	vmul.f32 $8.000000000e+00, v15;
	v5 =	vld.idx.msk [tilespmem:v0+s11+$0x6090 ss:$0x1], $0xffff  }
0x227: {  	v8 =	vld [tilespmem:s19+$0x79C0];
	v2 =	vadd.f32 v10, v2  }
0x228: {  	v15 =	vadd.f32 v17, v15;
	v4 =	vld [tilespmem:s11+$0x7990];
	[tilespmem:s11+$0x7900] =	vst v1  }
0x229: {  	[tilespmem:s11+$0x79E0] =	vst v2;
	v2 =	vld.idx.msk [tilespmem:v0+s19+$0x60C0 ss:$0x1], $0xffff  }
0x22a: {  	[tilespmem:s19+$0x7940] =	vst v15;
	v7 =	vld.idx.msk [tilespmem:v0+s11+$0x6010 ss:$0x1], $0xffff  }
0x22b: {  	v15 =	vld.idx.msk [tilespmem:v0+s19+$0x6050 ss:$0x1], $0xffff  }
0x22c: {  	v1 =	vld [tilespmem:s11+$0x7920];
	v8 =	vmul.f32 $8.000000000e+00, v8  }
0x22d: {  	v9 =	vld [tilespmem:s11+$0x7960]  }
0x22e: {  	v4 =	vmul.f32 $8.000000000e+00, v4;
	v2 =	vadd.f32 v2, v8;
	v8 =	vld.idx.msk [tilespmem:v0+s19+$0x6000 ss:$0x1], $0xffff  }
0x22f: {  	v3 =	vadd.f32 v7, v3;
	v7 =	vld [tilespmem:s11+$0x79A0]  }
0x230: {  	v4 =	vadd.f32 v5, v4;
	[tilespmem:s19+$0x79C0] =	vst v2;
	v2 =	vld [tilespmem:s19+$0x79D0]  }
0x231: {  	v14 =	vmul.f32 $8.000000000e+00, v14;
	[tilespmem:s11+$0x7910] =	vst v3;
	v3 =	vld [tilespmem:s11+$0x7970]  }
0x232: {  	[tilespmem:s11+$0x7990] =	vst v4;
	v19 =	vld.idx.msk [tilespmem:v0+s19+$0x60D0 ss:$0x1], $0xffff  }
0x233: {  	v4 =	vld.idx.msk [tilespmem:v0+s11+$0x60A0 ss:$0x1], $0xffff;
	v8 =	vadd.f32 v8, v14;
	v14 =	vmul.f32 $8.000000000e+00, v16  }
0x234: {  	v5 =	vld.idx.msk [tilespmem:v0+s11+$0x6020 ss:$0x1], $0xffff  }
0x235: {  	v6 =	vld.idx.msk [tilespmem:v0+s11+$0x6060 ss:$0x1], $0xffff;
	[tilespmem:s19+$0x7900] =	vst v8;
	v2 =	vmul.f32 $8.000000000e+00, v2;
	v14 =	vadd.f32 v18, v14  }
0x236: {  	v57 =	vld.idx.msk [tilespmem:v0+s19+$0x6010 ss:$0x1], $0xffff  }
0x237: {  	v10 =	vld [tilespmem:s11+$0x79B0];
	v2 =	vadd.f32 v19, v2;
	[tilespmem:s19+$0x7980] =	vst v14  }
0x238: {  	v14 =	vld.idx.msk [tilespmem:v0+s19+$0x6090 ss:$0x1], $0xffff  }
0x239: {  	v58 =	vmul.f32 $8.000000000e+00, v20;
	[tilespmem:s19+$0x79D0] =	vst v2;
	v2 =	vld [tilespmem:s19+$0x79E0]  }
0x23a: {  	v13 =	vld.idx.msk [tilespmem:v0+s11+$0x60F0 ss:$0x1], $0xffff;
	v16 =	vmul.f32 $8.000000000e+00, v55  }
0x23b: {  	v17 =	vmul.f32 $8.000000000e+00, v56;
	v1 =	vmul.f32 $8.000000000e+00, v1;
	v21 =	vld.idx.msk [tilespmem:v0+s19+$0x60E0 ss:$0x1], $0xffff;
	v18 =	vadd.f32 v57, v58  }
0x23c: {  	v8 =	vld [tilespmem:s19+$0x7920];
	v15 =	vadd.f32 v15, v16  }
0x23d: {  	v9 =	vmul.f32 $8.000000000e+00, v9;
	v1 =	vadd.f32 v5, v1;
	v5 =	vld [tilespmem:s19+$0x79B0];
	[tilespmem:s19+$0x7910] =	vst v18;
	v14 =	vadd.f32 v14, v17  }
0x23e: {  	[tilespmem:s19+$0x7950] =	vst v15;
	v2 =	vmul.f32 $8.000000000e+00, v2;
	v15 =	vld.idx.msk [tilespmem:v0+s19+$0x6020 ss:$0x1], $0xffff  }
0x23f: {  	v12 =	vmul.f32 $8.000000000e+00, v12;
	v6 =	vadd.f32 v6, v9;
	v63 =	vld.idx.msk [tilespmem:v0+s19+$0x6060 ss:$0x1], $0xffff;
	[tilespmem:s19+$0x7990] =	vst v14  }
0x240: {  	[tilespmem:s11+$0x7920] =	vst v1;
	v1 =	vmul.f32 $8.000000000e+00, v11;
	v14 =	vmul.f32 $8.000000000e+00, v7;
	v2 =	vadd.f32 v21, v2;
	v7 =	vld.idx.msk [tilespmem:v0+s19+$0x60A0 ss:$0x1], $0xffff  }
0x241: {  	v9 =	vld [tilespmem:s19+$0x79F0];
	[tilespmem:s11+$0x7960] =	vst v6;
	v6 =	vadd.f32 v13, v12;
	v13 =	vmul.f32 $8.000000000e+00, v59;
	v11 =	vmul.f32 $8.000000000e+00, v8  }
0x242: {  	v4 =	vadd.f32 v4, v14;
	[tilespmem:s19+$0x79E0] =	vst v2;
	v2 =	vmul.f32 $8.000000000e+00, v3;
	v3 =	vmul.f32 $8.000000000e+00, v10;
	v10 =	vld.idx.msk [tilespmem:v0+s11+$0x6030 ss:$0x1], $0xffff  }
0x243: {  	v12 =	vmul.f32 $8.000000000e+00, v60;
	[tilespmem:s11+$0x79F0] =	vst v6;
	v8 =	vld.idx.msk [tilespmem:v0+s19+$0x60F0 ss:$0x1], $0xffff;
	v14 =	vadd.f32 v15, v11  }
0x244: {  	s21 =	simm.s32 $0x800;
	s8 =	sadd.s32 s4, s22;
	s1 =	simm.s32 $0x4;
	v6 =	vmul.f32 $8.000000000e+00, v61;
	v13 =	vadd.f32 v63, v13;
	[tilespmem:s11+$0x79A0] =	vst v4;
	v4 =	vmul.f32 $8.000000000e+00, v62;
	v11 =	vld.idx.msk [tilespmem:v0+s11+$0x6070 ss:$0x1], $0xffff  }
.LBB2_9:
0x245: {  	s13 =	sshra.s32 s21, $0x2;
	s1 =	sadd.s32 $0x4, s1;
	[tilespmem:s19+$0x7920] =	vst v14;
	v7 =	vadd.f32 v7, v12;
	v5 =	vmul.f32 $8.000000000e+00, v5;
	v12 =	vld.idx.msk [tilespmem:v0+s11+$0x60B0 ss:$0x1], $0xffff  }
0x246: {  	v14 =	vld [tilespmem:s13+$0x79C0];
	p1 =	slt.u32 s1, $0x7C;
	[tilespmem:s19+$0x7960] =	vst v13;
	v9 =	vmul.f32 $8.000000000e+00, v9  }
0x247: {  	v13 =	vld.idx.msk [tilespmem:v0+s13+$0x60C0 ss:$0x1], $0xffff;
	[tilespmem:s19+$0x79A0] =	vst v7  }
0x248: {  	v7 =	vld [tilespmem:s13+$0x7900];
	v8 =	vadd.f32 v8, v9  }
0x249: {  	v10 =	vadd.f32 v10, v1;
	v1 =	vmov v6;
	v9 =	vld [tilespmem:s13+$0x7940]  }
0x24a: {  	v6 =	vld [tilespmem:s13+$0x7980];
	[tilespmem:s19+$0x79F0] =	vst v8;
	v8 =	vadd.f32 v11, v2;
	v2 =	vmov v4  }
0x24b: {  	v4 =	vld.idx.msk [tilespmem:v0+s13+$0x6000 ss:$0x1], $0xffff;
	v11 =	vmul.f32 $8.000000000e+00, v14;
	[tilespmem:s11+$0x7930] =	vst v10;
	v10 =	vadd.f32 v12, v3;
	v3 =	vmov v5  }
0x24c: {  	v5 =	vld.idx.msk [tilespmem:v0+s13+$0x6040 ss:$0x1], $0xffff;
	[tilespmem:s11+$0x7970] =	vst v8  }
0x24d: {  	v7 =	vmul.f32 $8.000000000e+00, v7;
	v8 =	vld.idx.msk [tilespmem:v0+s13+$0x6080 ss:$0x1], $0xffff;
	v11 =	vadd.f32 v13, v11;
	[tilespmem:s11+$0x79B0] =	vst v10;
	s11 =	smov.u32 s19;
	s19 =	smov.u32 s13  }
0x24e: {  	v10 =	vld [tilespmem:s19+$0x7910];
	v9 =	vmul.f32 $8.000000000e+00, v9  }
0x24f: {  	v6 =	vmul.f32 $8.000000000e+00, v6;
	[tilespmem:s19+$0x79C0] =	vst v11;
	v11 =	vld [tilespmem:s19+$0x79D0]  }
0x250: {  	v12 =	vld.idx.msk [tilespmem:v0+s19+$0x60D0 ss:$0x1], $0xffff  }
0x251: {  	v4 =	vadd.f32 v4, v7;
	v7 =	vld [tilespmem:s19+$0x7950]  }
0x252: {  	v5 =	vadd.f32 v5, v9;
	v9 =	vld [tilespmem:s19+$0x7990]  }
0x253: {  	v6 =	vadd.f32 v8, v6;
	[tilespmem:s19+$0x7900] =	vst v4;
	v4 =	vmul.f32 $8.000000000e+00, v10;
	v10 =	vld [tilespmem:s19+$0x7920]  }
0x254: {  	v8 =	vld.idx.msk [tilespmem:v0+s19+$0x6010 ss:$0x1], $0xffff;
	[tilespmem:s19+$0x7940] =	vst v5;
	v5 =	vmul.f32 $8.000000000e+00, v11  }
0x255: {  	v11 =	vld.idx.msk [tilespmem:v0+s19+$0x6050 ss:$0x1], $0xffff;
	[tilespmem:s19+$0x7980] =	vst v6  }
0x256: {  	v6 =	vmul.f32 $8.000000000e+00, v7;
	v7 =	vld.idx.msk [tilespmem:v0+s19+$0x6090 ss:$0x1], $0xffff;
	v5 =	vadd.f32 v12, v5  }
0x257: {  	v12 =	vld [tilespmem:s19+$0x7960];
	v9 =	vmul.f32 $8.000000000e+00, v9  }
0x258: {  	v10 =	vmul.f32 $8.000000000e+00, v10;
	[tilespmem:s19+$0x79D0] =	vst v5;
	v5 =	vld [tilespmem:s19+$0x79E0]  }
0x259: {  	v13 =	vld.idx.msk [tilespmem:v0+s19+$0x60E0 ss:$0x1], $0xffff  }
0x25a: {  	v4 =	vadd.f32 v8, v4;
	v8 =	vld [tilespmem:s19+$0x79A0]  }
0x25b: {  	v6 =	vadd.f32 v11, v6;
	v14 =	vld [tilespmem:s19+$0x7930]  }
0x25c: {  	v7 =	vadd.f32 v7, v9;
	[tilespmem:s19+$0x7910] =	vst v4;
	v11 =	vmul.f32 $8.000000000e+00, v12;
	v4 =	vld [tilespmem:s19+$0x7970]  }
0x25d: {  	v15 =	vld.idx.msk [tilespmem:v0+s19+$0x6020 ss:$0x1], $0xffff;
	[tilespmem:s19+$0x7950] =	vst v6;
	v5 =	vmul.f32 $8.000000000e+00, v5  }
0x25e: {  	v16 =	vld.idx.msk [tilespmem:v0+s19+$0x6060 ss:$0x1], $0xffff;
	[tilespmem:s19+$0x7990] =	vst v7  }
0x25f: {  	v12 =	vmul.f32 $8.000000000e+00, v8;
	v7 =	vld.idx.msk [tilespmem:v0+s19+$0x60A0 ss:$0x1], $0xffff;
	v8 =	vadd.f32 v13, v5  }
.Ltmp3:
0x260: {  	v6 =	vmul.f32 $8.000000000e+00, v14;
	v5 =	vld [tilespmem:s19+$0x79B0];
	(pc) =	sbr.rel @p1 .LBB2_9-.Ltmp3, $4  }
0x261: {  	v4 =	vmul.f32 $8.000000000e+00, v4;
	[tilespmem:s19+$0x79E0] =	vst v8;
	v9 =	vld [tilespmem:s19+$0x79F0]  }
0x262: {  	v8 =	vld.idx.msk [tilespmem:v0+s19+$0x60F0 ss:$0x1], $0xffff  }
0x263: {  	v14 =	vadd.f32 v15, v10;
	v10 =	vld.idx.msk [tilespmem:v0+s11+$0x6030 ss:$0x1], $0xffff  }
0x264: {  	s21 =	sadd.s32 $0x400, s21;
	v13 =	vadd.f32 v16, v11;
	v11 =	vld.idx.msk [tilespmem:v0+s11+$0x6070 ss:$0x1], $0xffff  }
0x265: {  	_ =	sdelay $0x3  }
0x266: {  	[tilespmem:s19+$0x7920] =	vst v14;
	v7 =	vadd.f32 v7, v12;
	v12 =	vld.idx.msk [tilespmem:v0+s11+$0x60B0 ss:$0x1], $0xffff;
	v9 =	vmul.f32 $8.000000000e+00, v9  }
0x267: {  	[tilespmem:s19+$0x7960] =	vst v13;
	v13 =	vld.idx.msk [tilespmem:v0+s19+$0x6030 ss:$0x1], $0xffff  }
0x268: {  	[tilespmem:s19+$0x79A0] =	vst v7;
	v7 =	vadd.f32 v8, v9;
	v8 =	vld.idx.msk [tilespmem:v0+s19+$0x6070 ss:$0x1], $0xffff  }
0x269: {  	v1 =	vadd.f32 v10, v1;
	v0 =	vld.idx.msk [tilespmem:v0+s19+$0x60B0 ss:$0x1], $0xffff  }
0x26a: {  	v2 =	vadd.f32 v11, v2;
	[tilespmem:s19+$0x79F0] =	vst v7  }
0x26b: {  	[tilespmem:s11+$0x7930] =	vst v1;
	v1 =	vadd.f32 v12, v3  }
0x26c: {  	v3 =	vmul.f32 $8.000000000e+00, v5;
	[tilespmem:s11+$0x7970] =	vst v2;
	v2 =	vadd.f32 v13, v6  }
0x26d: {  	[tilespmem:s11+$0x79B0] =	vst v1;
	v1 =	vadd.f32 v8, v4  }
0x26e: {  	s1 =	sshll.u32 s8, $0x3;
	[tilespmem:s19+$0x7930] =	vst v2;
	v0 =	vadd.f32 v0, v3  }
0x26f: {  	s1 =	sand.u32 $0x1FFFFC00, s1;
	[tilespmem:s19+$0x7970] =	vst v1  }
0x270: {  	s1 =	sadd.s32 s2, s1;
	[tilespmem:s19+$0x79B0] =	vst v0  }
0x271: {  	[hbm4b:s1+s3] =	stream.linear.scatter [tilespmem:s31], [sflag:$0x9], $0x2000, $0x38;
	[tilespmem:$0x10B00] =	vst v63  }
0x272: {  	_ =	swait.ge [sflag:s29], $0x2000  }
0x273: {  	[sflag:s29] =	ssyncset.done $0x0  }
0x274: {  	[sflag:s29] =	ssyncadd.s32 $0xFFFFE000  }
0x275: {  	v0 =	vld @!p0 [tilespmem:s15+$0x300];
	_ =	sdelay $0x6  }
0x276: {  	s8 =	simm.s32 @!p0 $0x3900;
	s1 =	simm.s32 @!p0 $0x0  }
0x277: {  	[tilespmem:s8], [sflag:$0x2] =	stream.indirect_vreg.gather @!p0 [hbm4b:s5+s1], $0x40, v0, vm1, $0xb8;
	[tilespmem:$0x10B00] =	vst v63  }
0x278: {  	v0 =	vld @!p0 [tilespmem:s15+$0x310];
	_ =	sdelay $0x6  }
0x279: {  	s8 =	simm.s32 @!p0 $0x3D00  }
0x27a: {  	[tilespmem:s8], [sflag:$0x2] =	stream.indirect_vreg.gather @!p0 [hbm4b:s5+s1], $0x40, v0, vm1, $0xb8;
	[tilespmem:$0x10B00] =	vst v63  }
0x27b: {  	v0 =	vld @!p0 [tilespmem:s15+$0x320];
	_ =	sdelay $0x6  }
0x27c: {  	s8 =	simm.s32 @!p0 $0x4100  }
0x27d: {  	[tilespmem:s8], [sflag:$0x2] =	stream.indirect_vreg.gather @!p0 [hbm4b:s5+s1], $0x40, v0, vm1, $0xb8;
	[tilespmem:$0x10B00] =	vst v63  }
0x27e: {  	v0 =	vld @!p0 [tilespmem:s15+$0x330];
	_ =	sdelay $0x6  }
0x27f: {  	s8 =	simm.s32 @!p0 $0x4500  }
0x280: {  	[tilespmem:s8], [sflag:$0x2] =	stream.indirect_vreg.gather @!p0 [hbm4b:s5+s1], $0x40, v0, vm1, $0xb8;
	[tilespmem:$0x10B00] =	vst v63  }
0x281: {  	v0 =	vld @!p0 [tilespmem:s15+$0x340];
	_ =	sdelay $0x6  }
0x282: {  	s8 =	simm.s32 @!p0 $0x4900  }
0x283: {  	[tilespmem:s8], [sflag:$0x2] =	stream.indirect_vreg.gather @!p0 [hbm4b:s5+s1], $0x40, v0, vm1, $0xb8;
	[tilespmem:$0x10B00] =	vst v63  }
0x284: {  	v0 =	vld @!p0 [tilespmem:s15+$0x350];
	_ =	sdelay $0x6  }
0x285: {  	s8 =	simm.s32 @!p0 $0x4D00  }
0x286: {  	[tilespmem:s8], [sflag:$0x2] =	stream.indirect_vreg.gather @!p0 [hbm4b:s5+s1], $0x40, v0, vm1, $0xb8;
	[tilespmem:$0x10B00] =	vst v63  }
0x287: {  	v0 =	vld @!p0 [tilespmem:s15+$0x360];
	_ =	sdelay $0x6  }
0x288: {  	s8 =	simm.s32 @!p0 $0x5100  }
0x289: {  	[tilespmem:s8], [sflag:$0x2] =	stream.indirect_vreg.gather @!p0 [hbm4b:s5+s1], $0x40, v0, vm1, $0xb8;
	[tilespmem:$0x10B00] =	vst v63  }
0x28a: {  	v0 =	vld @!p0 [tilespmem:s15+$0x370];
	_ =	sdelay $0x6  }
0x28b: {  	s8 =	simm.s32 @!p0 $0x5500  }
0x28c: {  	[tilespmem:s8], [sflag:$0x2] =	stream.indirect_vreg.gather @!p0 [hbm4b:s5+s1], $0x40, v0, vm1, $0xb8;
	[tilespmem:$0x10B00] =	vst v63  }
0x28d: {  	_ =	swait.ge [sflag:s30], $0x2000  }
0x28e: {  	[sflag:s30] =	ssyncset.done $0x0  }
0x28f: {  	s11 =	simm.s32 $0x0;
	[sflag:s30] =	ssyncadd.s32 $0xFFFFE000  }
0x290: {  	v1 =	vld [tilespmem:s11+$0x99C0]  }
0x291: {  	v3 =	vld [tilespmem:s11+$0x9900]  }
0x292: {  	v0 =	vmov s16;
	v4 =	vld [tilespmem:s11+$0x9940]  }
0x293: {  	v5 =	vld [tilespmem:s11+$0x9980]  }
0x294: {  	v8 =	vld [tilespmem:s11+$0x9910]  }
0x295: {  	v11 =	vld [tilespmem:s11+$0x9930]  }
0x296: {  	v12 =	vld [tilespmem:s11+$0x99F0]  }
0x297: {  	s15 =	simm.s32 $0x100;
	v2 =	vld.idx.msk [tilespmem:v0+s11+$0x80C0 ss:$0x1], $0xffff  }
0x298: {  	v14 =	vld [tilespmem:s15+$0x9900]  }
0x299: {  	v15 =	vld [tilespmem:s15+$0x9940]  }
0x29a: {  	v16 =	vld [tilespmem:s15+$0x9980];
	v1 =	vmul.f32 $8.000000000e+00, v1  }
0x29b: {  	v20 =	vld [tilespmem:s15+$0x9910]  }
0x29c: {  	v6 =	vld.idx.msk [tilespmem:v0+s11+$0x8000 ss:$0x1], $0xffff;
	v1 =	vadd.f32 v2, v1  }
0x29d: {  	v2 =	vld.idx.msk [tilespmem:v0+s11+$0x8040 ss:$0x1], $0xffff  }
0x29e: {  	[tilespmem:s11+$0x99C0] =	vst v1;
	v1 =	vmul.f32 $8.000000000e+00, v3;
	v3 =	vld [tilespmem:s11+$0x99D0]  }
0x29f: {  	v55 =	vld [tilespmem:s15+$0x9950]  }
0x2a0: {  	v4 =	vmul.f32 $8.000000000e+00, v4;
	v9 =	vld.idx.msk [tilespmem:v0+s11+$0x80D0 ss:$0x1], $0xffff  }
0x2a1: {  	v56 =	vld [tilespmem:s15+$0x9990]  }
0x2a2: {  	v59 =	vld [tilespmem:s15+$0x9960];
	v2 =	vadd.f32 v2, v4  }
0x2a3: {  	v1 =	vadd.f32 v6, v1;
	v6 =	vld [tilespmem:s11+$0x9950];
	v3 =	vmul.f32 $8.000000000e+00, v3  }
0x2a4: {  	v7 =	vld.idx.msk [tilespmem:v0+s11+$0x8080 ss:$0x1], $0xffff;
	[tilespmem:s11+$0x9940] =	vst v2  }
0x2a5: {  	v2 =	vld.idx.msk [tilespmem:v0+s11+$0x8050 ss:$0x1], $0xffff;
	v3 =	vadd.f32 v9, v3  }
0x2a6: {  	v60 =	vld [tilespmem:s15+$0x99A0]  }
0x2a7: {  	v5 =	vmul.f32 $8.000000000e+00, v5;
	[tilespmem:s11+$0x99D0] =	vst v3;
	v3 =	vmul.f32 $8.000000000e+00, v8;
	v8 =	vld [tilespmem:s11+$0x99E0]  }
0x2a8: {  	v61 =	vld [tilespmem:s15+$0x9930];
	v6 =	vmul.f32 $8.000000000e+00, v6  }
0x2a9: {  	v5 =	vadd.f32 v7, v5;
	v10 =	vld.idx.msk [tilespmem:v0+s11+$0x80E0 ss:$0x1], $0xffff  }
0x2aa: {  	v17 =	vld.idx.msk [tilespmem:v0+s15+$0x8040 ss:$0x1], $0xffff;
	v2 =	vadd.f32 v2, v6  }
0x2ab: {  	v62 =	vld [tilespmem:s15+$0x9970];
	[tilespmem:s11+$0x9980] =	vst v5  }
0x2ac: {  	v18 =	vld.idx.msk [tilespmem:v0+s15+$0x8080 ss:$0x1], $0xffff;
	[tilespmem:s11+$0x9950] =	vst v2;
	v2 =	vmul.f32 $8.000000000e+00, v8  }
0x2ad: {  	v15 =	vmul.f32 $8.000000000e+00, v15;
	v5 =	vld.idx.msk [tilespmem:v0+s11+$0x8090 ss:$0x1], $0xffff  }
0x2ae: {  	v8 =	vld [tilespmem:s15+$0x99C0];
	v2 =	vadd.f32 v10, v2  }
0x2af: {  	v15 =	vadd.f32 v17, v15;
	v4 =	vld [tilespmem:s11+$0x9990];
	[tilespmem:s11+$0x9900] =	vst v1  }
0x2b0: {  	[tilespmem:s11+$0x99E0] =	vst v2;
	v2 =	vld.idx.msk [tilespmem:v0+s15+$0x80C0 ss:$0x1], $0xffff  }
0x2b1: {  	[tilespmem:s15+$0x9940] =	vst v15;
	v7 =	vld.idx.msk [tilespmem:v0+s11+$0x8010 ss:$0x1], $0xffff  }
0x2b2: {  	v15 =	vld.idx.msk [tilespmem:v0+s15+$0x8050 ss:$0x1], $0xffff  }
0x2b3: {  	v1 =	vld [tilespmem:s11+$0x9920];
	v8 =	vmul.f32 $8.000000000e+00, v8  }
0x2b4: {  	v9 =	vld [tilespmem:s11+$0x9960]  }
0x2b5: {  	v4 =	vmul.f32 $8.000000000e+00, v4;
	v2 =	vadd.f32 v2, v8;
	v8 =	vld.idx.msk [tilespmem:v0+s15+$0x8000 ss:$0x1], $0xffff  }
0x2b6: {  	v3 =	vadd.f32 v7, v3;
	v7 =	vld [tilespmem:s11+$0x99A0]  }
0x2b7: {  	v4 =	vadd.f32 v5, v4;
	[tilespmem:s15+$0x99C0] =	vst v2;
	v2 =	vld [tilespmem:s15+$0x99D0]  }
0x2b8: {  	v14 =	vmul.f32 $8.000000000e+00, v14;
	[tilespmem:s11+$0x9910] =	vst v3;
	v3 =	vld [tilespmem:s11+$0x9970]  }
0x2b9: {  	[tilespmem:s11+$0x9990] =	vst v4;
	v19 =	vld.idx.msk [tilespmem:v0+s15+$0x80D0 ss:$0x1], $0xffff  }
0x2ba: {  	v4 =	vld.idx.msk [tilespmem:v0+s11+$0x80A0 ss:$0x1], $0xffff;
	v8 =	vadd.f32 v8, v14;
	v14 =	vmul.f32 $8.000000000e+00, v16  }
0x2bb: {  	v5 =	vld.idx.msk [tilespmem:v0+s11+$0x8020 ss:$0x1], $0xffff  }
0x2bc: {  	v6 =	vld.idx.msk [tilespmem:v0+s11+$0x8060 ss:$0x1], $0xffff;
	[tilespmem:s15+$0x9900] =	vst v8;
	v2 =	vmul.f32 $8.000000000e+00, v2;
	v14 =	vadd.f32 v18, v14  }
0x2bd: {  	v57 =	vld.idx.msk [tilespmem:v0+s15+$0x8010 ss:$0x1], $0xffff  }
0x2be: {  	v10 =	vld [tilespmem:s11+$0x99B0];
	v2 =	vadd.f32 v19, v2;
	[tilespmem:s15+$0x9980] =	vst v14  }
0x2bf: {  	v14 =	vld.idx.msk [tilespmem:v0+s15+$0x8090 ss:$0x1], $0xffff  }
0x2c0: {  	v58 =	vmul.f32 $8.000000000e+00, v20;
	[tilespmem:s15+$0x99D0] =	vst v2;
	v2 =	vld [tilespmem:s15+$0x99E0]  }
0x2c1: {  	v13 =	vld.idx.msk [tilespmem:v0+s11+$0x80F0 ss:$0x1], $0xffff;
	v16 =	vmul.f32 $8.000000000e+00, v55  }
0x2c2: {  	v17 =	vmul.f32 $8.000000000e+00, v56;
	v1 =	vmul.f32 $8.000000000e+00, v1;
	v21 =	vld.idx.msk [tilespmem:v0+s15+$0x80E0 ss:$0x1], $0xffff;
	v18 =	vadd.f32 v57, v58  }
0x2c3: {  	v8 =	vld [tilespmem:s15+$0x9920];
	v15 =	vadd.f32 v15, v16  }
0x2c4: {  	v9 =	vmul.f32 $8.000000000e+00, v9;
	v1 =	vadd.f32 v5, v1;
	v5 =	vld [tilespmem:s15+$0x99B0];
	[tilespmem:s15+$0x9910] =	vst v18;
	v14 =	vadd.f32 v14, v17  }
0x2c5: {  	[tilespmem:s15+$0x9950] =	vst v15;
	v2 =	vmul.f32 $8.000000000e+00, v2;
	v15 =	vld.idx.msk [tilespmem:v0+s15+$0x8020 ss:$0x1], $0xffff  }
0x2c6: {  	v12 =	vmul.f32 $8.000000000e+00, v12;
	v6 =	vadd.f32 v6, v9;
	v63 =	vld.idx.msk [tilespmem:v0+s15+$0x8060 ss:$0x1], $0xffff;
	[tilespmem:s15+$0x9990] =	vst v14  }
0x2c7: {  	[tilespmem:s11+$0x9920] =	vst v1;
	v1 =	vmul.f32 $8.000000000e+00, v11;
	v14 =	vmul.f32 $8.000000000e+00, v7;
	v2 =	vadd.f32 v21, v2;
	v7 =	vld.idx.msk [tilespmem:v0+s15+$0x80A0 ss:$0x1], $0xffff  }
0x2c8: {  	v9 =	vld [tilespmem:s15+$0x99F0];
	[tilespmem:s11+$0x9960] =	vst v6;
	v6 =	vadd.f32 v13, v12;
	v13 =	vmul.f32 $8.000000000e+00, v59;
	v11 =	vmul.f32 $8.000000000e+00, v8  }
0x2c9: {  	v4 =	vadd.f32 v4, v14;
	[tilespmem:s15+$0x99E0] =	vst v2;
	v2 =	vmul.f32 $8.000000000e+00, v3;
	v3 =	vmul.f32 $8.000000000e+00, v10;
	v10 =	vld.idx.msk [tilespmem:v0+s11+$0x8030 ss:$0x1], $0xffff  }
0x2ca: {  	v12 =	vmul.f32 $8.000000000e+00, v60;
	[tilespmem:s11+$0x99F0] =	vst v6;
	v8 =	vld.idx.msk [tilespmem:v0+s15+$0x80F0 ss:$0x1], $0xffff;
	v14 =	vadd.f32 v15, v11  }
0x2cb: {  	s8 =	sadd.s32 s4, s18;
	s1 =	simm.s32 $0x4;
	s16 =	simm.s32 $0x800;
	v6 =	vmul.f32 $8.000000000e+00, v61;
	v13 =	vadd.f32 v63, v13;
	[tilespmem:s11+$0x99A0] =	vst v4;
	v4 =	vmul.f32 $8.000000000e+00, v62;
	v11 =	vld.idx.msk [tilespmem:v0+s11+$0x8070 ss:$0x1], $0xffff  }
.LBB2_11:
0x2cc: {  	s13 =	sshra.s32 s16, $0x2;
	s1 =	sadd.s32 $0x4, s1;
	[tilespmem:s15+$0x9920] =	vst v14;
	v7 =	vadd.f32 v7, v12;
	v5 =	vmul.f32 $8.000000000e+00, v5;
	v12 =	vld.idx.msk [tilespmem:v0+s11+$0x80B0 ss:$0x1], $0xffff  }
0x2cd: {  	v14 =	vld [tilespmem:s13+$0x99C0];
	p0 =	slt.u32 s1, $0x7C;
	[tilespmem:s15+$0x9960] =	vst v13;
	v9 =	vmul.f32 $8.000000000e+00, v9  }
0x2ce: {  	v13 =	vld.idx.msk [tilespmem:v0+s13+$0x80C0 ss:$0x1], $0xffff;
	[tilespmem:s15+$0x99A0] =	vst v7  }
0x2cf: {  	v7 =	vld [tilespmem:s13+$0x9900];
	v8 =	vadd.f32 v8, v9  }
0x2d0: {  	v10 =	vadd.f32 v10, v1;
	v1 =	vmov v6;
	v9 =	vld [tilespmem:s13+$0x9940]  }
0x2d1: {  	v6 =	vld [tilespmem:s13+$0x9980];
	[tilespmem:s15+$0x99F0] =	vst v8;
	v8 =	vadd.f32 v11, v2;
	v2 =	vmov v4  }
0x2d2: {  	v4 =	vld.idx.msk [tilespmem:v0+s13+$0x8000 ss:$0x1], $0xffff;
	v11 =	vmul.f32 $8.000000000e+00, v14;
	[tilespmem:s11+$0x9930] =	vst v10;
	v10 =	vadd.f32 v12, v3;
	v3 =	vmov v5  }
0x2d3: {  	v5 =	vld.idx.msk [tilespmem:v0+s13+$0x8040 ss:$0x1], $0xffff;
	[tilespmem:s11+$0x9970] =	vst v8  }
0x2d4: {  	v7 =	vmul.f32 $8.000000000e+00, v7;
	v8 =	vld.idx.msk [tilespmem:v0+s13+$0x8080 ss:$0x1], $0xffff;
	v11 =	vadd.f32 v13, v11;
	[tilespmem:s11+$0x99B0] =	vst v10;
	s11 =	smov.u32 s15;
	s15 =	smov.u32 s13  }
0x2d5: {  	v10 =	vld [tilespmem:s15+$0x9910];
	v9 =	vmul.f32 $8.000000000e+00, v9  }
0x2d6: {  	v6 =	vmul.f32 $8.000000000e+00, v6;
	[tilespmem:s15+$0x99C0] =	vst v11;
	v11 =	vld [tilespmem:s15+$0x99D0]  }
0x2d7: {  	v12 =	vld.idx.msk [tilespmem:v0+s15+$0x80D0 ss:$0x1], $0xffff  }
0x2d8: {  	v4 =	vadd.f32 v4, v7;
	v7 =	vld [tilespmem:s15+$0x9950]  }
0x2d9: {  	v5 =	vadd.f32 v5, v9;
	v9 =	vld [tilespmem:s15+$0x9990]  }
0x2da: {  	v6 =	vadd.f32 v8, v6;
	[tilespmem:s15+$0x9900] =	vst v4;
	v4 =	vmul.f32 $8.000000000e+00, v10;
	v10 =	vld [tilespmem:s15+$0x9920]  }
0x2db: {  	v8 =	vld.idx.msk [tilespmem:v0+s15+$0x8010 ss:$0x1], $0xffff;
	[tilespmem:s15+$0x9940] =	vst v5;
	v5 =	vmul.f32 $8.000000000e+00, v11  }
0x2dc: {  	v11 =	vld.idx.msk [tilespmem:v0+s15+$0x8050 ss:$0x1], $0xffff;
	[tilespmem:s15+$0x9980] =	vst v6  }
0x2dd: {  	v6 =	vmul.f32 $8.000000000e+00, v7;
	v7 =	vld.idx.msk [tilespmem:v0+s15+$0x8090 ss:$0x1], $0xffff;
	v5 =	vadd.f32 v12, v5  }
0x2de: {  	v12 =	vld [tilespmem:s15+$0x9960];
	v9 =	vmul.f32 $8.000000000e+00, v9  }
0x2df: {  	v10 =	vmul.f32 $8.000000000e+00, v10;
	[tilespmem:s15+$0x99D0] =	vst v5;
	v5 =	vld [tilespmem:s15+$0x99E0]  }
0x2e0: {  	v13 =	vld.idx.msk [tilespmem:v0+s15+$0x80E0 ss:$0x1], $0xffff  }
0x2e1: {  	v4 =	vadd.f32 v8, v4;
	v8 =	vld [tilespmem:s15+$0x99A0]  }
0x2e2: {  	v6 =	vadd.f32 v11, v6;
	v14 =	vld [tilespmem:s15+$0x9930]  }
0x2e3: {  	v7 =	vadd.f32 v7, v9;
	[tilespmem:s15+$0x9910] =	vst v4;
	v11 =	vmul.f32 $8.000000000e+00, v12;
	v4 =	vld [tilespmem:s15+$0x9970]  }
0x2e4: {  	v15 =	vld.idx.msk [tilespmem:v0+s15+$0x8020 ss:$0x1], $0xffff;
	[tilespmem:s15+$0x9950] =	vst v6;
	v5 =	vmul.f32 $8.000000000e+00, v5  }
0x2e5: {  	v16 =	vld.idx.msk [tilespmem:v0+s15+$0x8060 ss:$0x1], $0xffff;
	[tilespmem:s15+$0x9990] =	vst v7  }
0x2e6: {  	v12 =	vmul.f32 $8.000000000e+00, v8;
	v7 =	vld.idx.msk [tilespmem:v0+s15+$0x80A0 ss:$0x1], $0xffff;
	v8 =	vadd.f32 v13, v5  }
.Ltmp4:
0x2e7: {  	v6 =	vmul.f32 $8.000000000e+00, v14;
	v5 =	vld [tilespmem:s15+$0x99B0];
	(pc) =	sbr.rel @p0 .LBB2_11-.Ltmp4, $4  }
0x2e8: {  	v4 =	vmul.f32 $8.000000000e+00, v4;
	[tilespmem:s15+$0x99E0] =	vst v8;
	v9 =	vld [tilespmem:s15+$0x99F0]  }
0x2e9: {  	v8 =	vld.idx.msk [tilespmem:v0+s15+$0x80F0 ss:$0x1], $0xffff  }
0x2ea: {  	v14 =	vadd.f32 v15, v10;
	v10 =	vld.idx.msk [tilespmem:v0+s11+$0x8030 ss:$0x1], $0xffff  }
0x2eb: {  	s16 =	sadd.s32 $0x400, s16;
	v13 =	vadd.f32 v16, v11;
	v11 =	vld.idx.msk [tilespmem:v0+s11+$0x8070 ss:$0x1], $0xffff  }
0x2ec: {  	_ =	sdelay $0x3  }
0x2ed: {  	[tilespmem:s15+$0x9920] =	vst v14;
	v7 =	vadd.f32 v7, v12;
	v55 =	vld.idx.msk [tilespmem:v0+s11+$0x80B0 ss:$0x1], $0xffff;
	v9 =	vmul.f32 $8.000000000e+00, v9  }
0x2ee: {  	[tilespmem:s15+$0x9960] =	vst v13;
	v56 =	vld.idx.msk [tilespmem:v0+s15+$0x8030 ss:$0x1], $0xffff  }
0x2ef: {  	[tilespmem:s15+$0x99A0] =	vst v7;
	v58 =	vld.idx.msk [tilespmem:v0+s15+$0x8070 ss:$0x1], $0xffff;
	v57 =	vadd.f32 v8, v9  }
0x2f0: {  	v1 =	vadd.f32 v10, v1;
	v59 =	vld.idx.msk [tilespmem:v0+s15+$0x80B0 ss:$0x1], $0xffff  }
0x2f1: {  	v2 =	vadd.f32 v11, v2;
	[tilespmem:s15+$0x99F0] =	vst v57  }
0x2f2: {  	s14 =	sadd.s32 $0x1, s14;
	[tilespmem:s11+$0x9930] =	vst v1;
	v60 =	vadd.f32 v55, v3  }
0x2f3: {  	v61 =	vmul.f32 $8.000000000e+00, v5;
	p0 =	sne.s32 s14, $0xA;
	[tilespmem:s11+$0x9970] =	vst v2;
	v62 =	vadd.f32 v56, v6  }
.Ltmp5:
0x2f4: {  	s1 =	sshll.u32 s8, $0x3;
	s31 =	simm.s32 $0x9900;
	[tilespmem:s11+$0x99B0] =	vst v60;
	v63 =	vadd.f32 v58, v4;
	(pc) =	sbr.rel @p0 .LBB2_2-.Ltmp5, $4  }
0x2f5: {  	s10 =	sadd.s32 $0xA000, s10;
	s9 =	sadd.s32 $0x280, s9;
	s7 =	sadd.s32 $0xA000, s7;
	[tilespmem:s15+$0x9930] =	vst v62;
	v0 =	vadd.f32 v59, v61  }
0x2f6: {  	s6 =	sadd.s32 $0x280, s6;
	s20 =	sadd.s32 $0x280, s20;
	s1 =	sand.u32 $0x1FFFFC00, s1;
	[tilespmem:s15+$0x9970] =	vst v63  }
0x2f7: {  	s17 =	sadd.s32 $0x280, s17;
	s0 =	sadd.s32 $0x280, s0;
	s1 =	sadd.s32 s2, s1;
	[tilespmem:s15+$0x99B0] =	vst v0  }
0x2f8: {  	[hbm4b:s1+s3] =	stream.linear.scatter [tilespmem:s31], [sflag:$0xA], $0x2000, $0x38;
	[tilespmem:$0x10B00] =	vst v63  }
0x2f9: {  	s0 =	simm.s32 $0x8  }
0x2fa: {  	_ =	swait.ge [sflag:s0], $0x2000  }
0x2fb: {  	[sflag:s0] =	ssyncset.done $0x0  }
0x2fc: {  	s28 =	simm.s32 $0x9;
	[sflag:s0] =	ssyncadd.s32 $0xFFFFE000  }
0x2fd: {  	_ =	swait.ge [sflag:s28], $0x2000  }
0x2fe: {  	[sflag:s28] =	ssyncset.done $0x0  }
0x2ff: {  	s1 =	simm.s32 $0xA;
	[sflag:s28] =	ssyncadd.s32 $0xFFFFE000  }
0x300: {  	_ =	swait.ge [sflag:s1], $0x2000  }
0x301: {  	s6 =	rddreg [dreg:$0xe]  }
0x302: {  	s31 =	rddreg [dreg:$0x6];
	s6 =	sadd.s32 $0x1, s6  }
0x303: {  	p0 =	sne.s32 s6, s31  }
.Ltmp6:
0x304: {  	_ = 	snop;
	(pc) =	sbr.rel @p0 .LBB2_1-.Ltmp6, $3  }
0x305: {  	_ =	sdelay $0x1  }
0x306: {  	[sflag:s1] =	ssyncset.done $0x0  }
0x307: {  	[sflag:s1] =	ssyncadd.s32 $0xFFFFE000  }
0x308: {  	_ =	sfence.sel $0x180000  }
0x309: {  	[bflag:$0x0] =	sbarrier.arrive $0xFFFF  }
0x30a: {  	_ =	strace $0x90000047  }
0x30b: {  	s0 =	stileid.u32;
	[bflag:$0x2] =	sbarrier.arrive $0xFFFF  }
0x30c: {  	p0 =	sne.s32 s0, $0x0;
	s0 =	rddreg [dreg:$0x2]  }
0x30d: {  	s0 =	sadd.s32 @!p0 $0x100000, s0  }
0x30e: {  	[sflag:s0] =	ssyncadd.tile.s32 @!p0 $0x1;
	_ =	shalt  }
.Lfunc_end2:
_tile_overlayer_lowered:
.L_overlay_start_2:
0x30f: {  	(tag) =	ssettag $0x2  }
0x310: {  	s0 =	rddreg [dreg:$0x0];
	s2 =	stileid.u32  }
0x311: {  	s1 =	rddreg [dreg:$0x1];
	p0 =	sne.s32 s2, $0x0  }
0x312: {  	s3 =	rddreg [dreg:$0x2];
	[bflag:$0x3] =	sbarrier.arrive $0xFFFF;
	s2 =	simm.s32 @!p0 $0x1C0B  }
0x313: {  	[timem:s3], [sflag:s2] =	dma.local @!p0 [hbm:s0], s1  }
0x314: {  	s0 =	simm.s32 @!p0 $0xB  }
0x315: {  	_ =	swait.ge @!p0 [sflag:s0], s1  }
0x316: {  	s1 =	ssub.s32 @!p0 $0x0, s1;
	[sflag:s0] =	ssyncset.done @!p0 $0x0  }
0x317: {  	[sflag:s0] =	ssyncadd.s32 @!p0 s1  }
0x318: {  	[bflag:$0x3] =	sbarrier.arrive $0xFFFF  }
0x319: {  	_ =	shalt  }

// kernel: sparse-core-data-format-call.cloned.1.call-start
scs
called_computation_lowered:
.L_overlay_start_0:
0x0: {  	s2 =	sld [smem:$0x3FD9]  }
0x1: {  	s3 =	sld [smem:$0x3FFE];
	_ =	sdelay $0x1  }
0x2: {  	s1 =	srdreg.scid  }
0x3: {  	s0 =	sand.u32 $0x1, s1  }
0x4: {  	s18 =	sshll.u32 s0, $0xA;
	s2 =	sadd.s32 s3, s2  }
0x5: {  	s2 =	sadd.s32 s2, s18  }
0x6: {  	[smem:$0x3FC6] =	sst s2  }
0x7: {  	_ = 	snop  }
0x8: {  	s2 =	sld [smem:$0x3FD0];
	(tm) =	ssettm $0x1  }
0x9: {  	s19 =	sld [smem:$0x3FFB];
	_ =	sdelay $0x3  }
0xa: {  	_ =	strace s19  }
0xb: {  	s3 =	sld [smem:$0x3FFC];
	_ =	sdelay $0x3  }
0xc: {  	_ =	strace s3  }
0xd: {  	s3 =	sld [smem:$0x3FFD];
	_ =	sdelay $0x3  }
0xe: {  	_ =	strace s3  }
0xf: {  	_ =	strace $0x8FFFFFFF  }
0x10: {  	s20 =	sld [smem:$0x3FDB];
	_ =	sdelay $0x1  }
0x11: {  	s4 =	simm.s32 $_scs_section_size  }
0x12: {  	s5 =	simm.s32 $_size__tile_overlayer_lowered;
	s6 =	simm.s32 $_tile_overlayer_lowered  }
0x13: {  	s23 =	simm.s32 $0x1BFF;
	s22 =	sshll.u32 s6, $0x1;
	s3 =	sadd.s32 s4, s20  }
0x14: {  	s7 =	simm.s32 $0x0;
	s21 =	sshll.u32 s5, $0x1;
	s5 =	sadd.s32 s22, s3  }
0x15: {  	[timem:s7], [sflag:s23] =	dma.local [hbm:s5], s21  }
0x16: {  	_ =	swait.ge [sflag:s23], s21  }
0x17: {  	s4 =	ssub.s32 $0x0, s21;
	[sflag:s23] =	ssyncset.done $0x0  }
0x18: {  	[sflag:s23] =	ssyncadd.s32 s4;
	_ =	sdelay $0x1  }
0x19: {  	s24 =	simm.s32 $0x1B8B  }
0x1a: {  	_ =	swait.ge [sflag:s24], $0x1  }
0x1b: {  	[sflag:s24] =	ssyncset.done $0x0  }
0x1c: {  	s26 =	simm.s32 $0x1B8E;
	s25 =	sld [smem:$0x3FFE];
	[sflag:s24] =	ssyncadd.s32 $0xFFFFFFFF  }
0x1d: {  	s27 =	simm.s32 $execute0_lowered;
	[smem:$0x3FD2] =	sst s26  }
0x1e: {  	s5 =	sshll.u32 s27, $0x1;
	_ =	strace $0x80000049;
	[dreg:$0x1] =	wrdreg $0xFFFFFFFF  }
0x1f: {  	s28 =	simm.s32 $_size_execute0_lowered;
	s3 =	sadd.s32 s3, s5;
	[dreg:$0x0] =	wrdreg $0x0  }
0x20: {  	s5 =	sshll.u32 s28, $0x1;
	[dreg:$0x2] =	wrdreg s3  }
0x21: {  	[dreg:$0x3] =	wrdreg s5  }
0x22: {  	[dreg:$0x4] =	wrdreg $0xC0  }
0x23: {  	_ =	task [dreg:s7], $0x5FFFF  }
0x24: {  	[dreg:$0x1] =	wrdreg $0xFFFFFFFF  }
0x25: {  	[dreg:$0x0] =	wrdreg $0x60  }
0x26: {  	[dreg:$0x2] =	wrdreg s25  }
0x27: {  	[dreg:$0x3] =	wrdreg s2  }
0x28: {  	[dreg:$0x4] =	wrdreg $0x9  }
0x29: {  	_ =	task.clear_ibuf [dreg:s7], $0x5FFFF;
	_ =	strace $0x90000049  }
0x2a: {  	s29 =	simm.s32 $0x9;
	_ =	strace $0x8000004B  }
0x2b: {  	_ =	swait.ge [sflag:s29], $0x1  }
0x2c: {  	[sflag:s29] =	ssyncadd.s32 $0xFFFFFFFF  }
0x2d: {  	_ =	strace $0x9000004B  }
0x2e: {  	_ =	sfence  }
0x2f: {  	s30 =	sld [smem:$0x0];
	_ =	sdelay $0x2  }
0x30: {  	s31 =	sshll.u32 s1, $0xD;
	s1 =	sshrl.u32 s1, $0x2  }
0x31: {  	s3 =	sand.u32 $0x4000, s31;
	s1 =	sadd.s32 s1, s30  }
0x32: {  	s0 =	sor.u32 s3, s0;
	s1 =	sshll.u32 s1, $0x11  }
0x33: {  	s0 =	sor.u32 s1, s0  }
0x34: {  	s0 =	sadd.s32 $0x8F2B, s0  }
0x35: {  	[sflag:s0] =	ssyncadd.remote.s32 $0x1  }
0x36: {  	_ =	sfence.sel $0xFFFF  }
0x37: {  	[dreg:$0x0] =	wrdreg $0xFFFFFFFF;
	(pc) =	sbr.abs _section_cstart, $3  }
0x38: {  	[dreg:$0x1] =	wrdreg $0xFFFFFFFF  }
0x39: {  	_ =	task.clear_ibuf [dreg:s7], $0x2FFFF;
	_ =	strace $0x9FFFFFFF  }
0x3a: {  	(tm) =	ssettm $0x7FFFFFFF  }
0x3b: {  	_ =	shalt  }
tec
execute0_lowered:
.L_overlay_start_1:
0x0: {  	(tag) =	ssettag $0x1  }
0x1: {  	s0 =	stileid.u32;
	s6 =	rddreg [dreg:$0x0]  }
0x2: {  	s2 =	rddreg [dreg:$0x1];
	s5 =	srdreg.scid  }
0x3: {  	s31 =	simm.s32 $0x2;
	s13 =	simm.s32 $0x0;
	s1 =	sshll.u32 s0, $0x7  }
0x4: {  	s14 =	simm.s32 $0x0;
	s12 =	simm.s32 $0x0;
	s3 =	sand.u32 $0x380, s1  }
0x5: {  	s5 =	sshll.u32 s5, $0x4;
	s6 =	sadd.s32 $0xC00, s6;
	s4 =	ssub.s32 $0x400, s3  }
0x6: {  	s1 =	rddreg [dreg:$0x2];
	_ =	strace $0x8000004A;
	s7 =	sand.u32 $0x380, s4  }
0x7: {  	s5 =	sand.u32 $0x10, s5;
	p0 =	sne.s32 s7, $0x0;
	s7 =	simm.s32 $0x1  }
.Ltmp0:
0x8: {  	s8 =	sshrl.u32 s4, $0xA;
	s7 =	simm.s32 @!p0 $0x0;
	(pc) =	sbr.rel .LBB1_1-.Ltmp0, $4  }
0x9: {  	s9 =	sor.u32 s0, s5;
	s4 =	simm.s32 $0x1;
	s30 =	sadd.s32 s7, s8  }
0xa: {  	s11 =	smov.u32 s3;
	[sflag:s4] =	ssyncpa.u1 $0x0;
	s5 =	smul.u32 $0x32, s30  }
0xb: {  	[sflag:s31] =	ssyncpa.u1 $0x0;
	p0 =	por $0x0, $0x0;
	s7 =	sshrl.u32 s9, $0x3  }
0xc: {  	s9 =	simm.s32 $0x2000;
	s10 =	smov.u32 s7;
	s8 =	sor.u32 $0x1, s5  }
.LBB1_4:
0xd: {  	s17 =	sand.u32 $0x1F80, s14;
	s13 =	sshll.u32 s13, $0xD  }
0xe: {  	[tilespmem:s16+$0x810 ss:$0x81] =	vst.msk $0xffff, v2;
	s18 =	sshrl.u32 s14, $0x3;
	s31 =	sand.u32 $0x7, s14;
	s17 =	sadd.s32 s2, s17  }
0xf: {  	[tilespmem:s16+$0x1020 ss:$0x81] =	vst.msk $0xffff, v0;
	s18 =	sand.u32 $0xF, s18;
	s14 =	sshll.u32 s31, $0x12;
	s13 =	sadd.s32 s13, s17  }
0x10: {  	[tilespmem:s16+$0x0 ss:$0x81] =	vst.msk $0xffff, v1;
	s14 =	sor.u32 $0x400, s14;
	s13 =	sadd.s32 s18, s13  }
0x11: {  	[hbm4b:s13+s14] =	stream.strided.scatter [tilespmem:s15], [sflag:$0x2], $0x2000, s9, s14, $0x20;
	[tilespmem:$0x8080] =	vst v63  }
.LBB1_5:
0x12: {  	s15 =	sadd.s32 $0x4, s10  }
0x13: {  	s13 =	sadd.s32 $0x400, s11;
	s17 =	smov.u32 s11;
	p2 =	sgt.s32 s15, $0xC7  }
0x14: {  	s17 =	smov.u32 @p2 s13  }
0x15: {  	s15 =	smov.u32 @p2 s7;
	p2 =	sgt.s32 s17, $0x3FF  }
0x16: {  	s17 =	smov.u32 @p2 s3;
	p2 =	sne.s32 s12, s8  }
.Ltmp1:
0x17: {  	p1 =	slt.u32 s12, $0x2;
	(pc) =	sbr.rel @!p2 .LBB1_6-.Ltmp1, $4  }
0x18: {  	s16 =	simm.s32 @!p1 $0x2  }
0x19: {  	s14 =	smov.u32 s11;
	p0 =	por !p0, !p0;
	_ =	swait.ge @!p1 [sflag:s16], $0x2000  }
0x1a: {  	s13 =	smov.u32 s10;
	[sflag:s16] =	ssyncset.done @!p1 $0x0;
	s10 =	smov.u32 s15  }
0x1b: {  	s12 =	sadd.s32 $0x1, s12;
	[sflag:s16] =	ssyncadd.s32 @!p1 $0xFFFFE000;
	s11 =	smov.u32 s17  }
.LBB1_1:
0x1c: {  	p1 =	sge.u32 s12, s5  }
0x1d: {  	s15 =	sand.u32 @!p1 $0x1FFFFFF, s10  }
0x1e: {  	s16 =	smulhi.u32 @!p1 $0x147AE15, s15;
	_ =	sdelay $0x1  }
0x1f: {  	s16 =	smul.u32 @!p1 $0xC8, s16  }
0x20: {  	s17 =	sxor.u32 @!p1 $0xFFFFFFFF, s12;
	s18 =	smul.u32 @!p1 $0xC80, s11  }
0x21: {  	s31 =	sadd.s32 $0xFFFFFFFF, s12;
	s17 =	sshll.u32 @!p1 s17, $0xD;
	s15 =	ssub.s32 @!p1 s15, s16  }
0x22: {  	s16 =	sand.u32 @!p1 $0x2000, s17;
	s17 =	sadd.s32 @!p1 s6, s18;
	s15 =	sshll.u32 @!p1 s15, $0x4  }
0x23: {  	s18 =	simm.s32 @!p1 $0x6400;
	s15 =	sadd.s32 @!p1 s15, s17;
	s17 =	simm.s32 @!p1 $0x40  }
0x24: {  	[tilespmem:s16], [sflag:$0x1] =	stream.strided.gather @!p1 [hbm4b:s15+s17], $0x2000, s18, s17, $0x38;
	[tilespmem:$0x8080] =	vst v63  }
0x25: {  	p1 =	sge.u32 s31, s5  }
.Ltmp2:
0x26: {  	_ = 	snop;
	(pc) =	sbr.rel @p1 .LBB1_5-.Ltmp2, $1  }
0x27: {  	_ =	sdelay $0x3  }
0x28: {  	s15 =	simm.s32 $0x1  }
0x29: {  	_ =	swait.ge [sflag:s4], $0x2000;
	s15 =	simm.s32 @!p0 $0x0  }
0x2a: {  	[sflag:s4] =	ssyncset.done $0x0;
	s16 =	sshll.u32 s15, $0xD  }
0x2b: {  	[sflag:s4] =	ssyncadd.s32 $0xFFFFE000;
	s19 =	sor.u32 $0x20, s16  }
0x2c: {  	s15 =	smul.u32 $0x8100, s15;
	v3 =	vld [tilespmem:s19+$0x10]  }
0x2d: {  	s30 =	sand.u32 $0x1, s12;
	v2 =	vld [tilespmem:s19+$0xFFFFFFF0]  }
0x2e: {  	s16 =	smul.u32 $0x8100, s30;
	s15 =	sshrl.u32 s15, $0x2;
	v0 =	vld [tilespmem:s19+$0x0]  }
0x2f: {  	v1 =	vld [tilespmem:s19+$0xFFFFFFE0];
	s17 =	sor.u32 $0x4000, s15  }
0x30: {  	s31 =	sshrl.u32 s16, $0x2;
	s16 =	sadd.s32 $0x0, s17  }
0x31: {  	s18 =	simm.s32 $0x4;
	s19 =	sadd.s32 $0x40, s19;
	s15 =	sor.u32 $0x4000, s31;
	[tilespmem:s16+$0x1830 ss:$0x81] =	vst.msk $0xffff, v3  }
.LBB1_3:
0x32: {  	v3 =	vld [tilespmem:s19+$0x10];
	p1 =	sne.s32 s18, $0x1FC;
	[tilespmem:s16+$0x810 ss:$0x81] =	vst.msk $0xffff, v2;
	s20 =	smov.u32 s18;
	s18 =	sadd.s32 $0x4, s18  }
.Ltmp3:
0x33: {  	v2 =	vld [tilespmem:s19+$0xFFFFFFF0];
	[tilespmem:s16+$0x1020 ss:$0x81] =	vst.msk $0xffff, v0;
	(pc) =	sbr.rel @p1 .LBB1_3-.Ltmp3, $4  }
0x34: {  	v0 =	vld [tilespmem:s19+$0x0];
	[tilespmem:s16+$0x0 ss:$0x81] =	vst.msk $0xffff, v1  }
0x35: {  	s16 =	sshra.s32 s20, $0x2;
	v1 =	vld [tilespmem:s19+$0xFFFFFFE0]  }
0x36: {  	s16 =	sadd.s32 s16, s17  }
0x37: {  	s19 =	sadd.s32 $0x40, s19;
	[tilespmem:s16+$0x1830 ss:$0x81] =	vst.msk $0xffff, v3  }
.Ltmp4:
0x38: {  	_ = 	snop;
	(pc) =	sbr.rel .LBB1_4-.Ltmp4, $1  }
0x39: {  	_ =	sdelay $0x3  }
.LBB1_6:
0x3a: {  	_ =	sfence.sel $0x180000  }
0x3b: {  	s2 =	simm.s32 $0x1;
	[bflag:$0x0] =	sbarrier.arrive $0xFFFF  }
0x3c: {  	s31 =	simm.s32 $0x2;
	[sflag:s2] =	ssyncpa.u1 $0x1  }
0x3d: {  	[sflag:s31] =	ssyncpa.u1 $0x1  }
0x3e: {  	p0 =	sne.s32 s0, $0x0;
	_ =	strace $0x9000004A  }
0x3f: {  	s0 =	sadd.s32 @!p0 $0x100000, s1;
	[bflag:$0x2] =	sbarrier.arrive $0xFFFF  }
0x40: {  	[sflag:s0] =	ssyncadd.tile.s32 @!p0 $0x1;
	_ =	shalt  }
.Lfunc_end1:
_tile_overlayer_lowered:
.L_overlay_start_2:
0x41: {  	(tag) =	ssettag $0x2  }
0x42: {  	s0 =	rddreg [dreg:$0x0];
	s2 =	stileid.u32  }
0x43: {  	s1 =	rddreg [dreg:$0x1];
	p0 =	sne.s32 s2, $0x0  }
0x44: {  	s3 =	rddreg [dreg:$0x2];
	[bflag:$0x3] =	sbarrier.arrive $0xFFFF;
	s2 =	simm.s32 @!p0 $0x1C01  }
0x45: {  	[timem:s3], [sflag:s2] =	dma.local @!p0 [hbm:s0], s1  }
0x46: {  	s0 =	simm.s32 @!p0 $0x1  }
0x47: {  	_ =	swait.ge @!p0 [sflag:s0], s1  }
0x48: {  	s1 =	ssub.s32 @!p0 $0x0, s1;
	[sflag:s0] =	ssyncset.done @!p0 $0x0  }
0x49: {  	[sflag:s0] =	ssyncadd.s32 @!p0 s1  }
0x4a: {  	[bflag:$0x3] =	sbarrier.arrive $0xFFFF  }
0x4b: {  	_ =	shalt  }

</sc_bundles>
